<compile_context>
chip_gen: v7x
topology: tpu7x:2x2x1
jax: 0.10.2.dev20260603
libtpu: 0.0.44.dev20260713+nightly
codegen_flags: <defaults>
</compile_context>

<pallas_src>
import functools

import jax
import jax.numpy as jnp
from jax import lax
from jax.experimental import pallas as pl
from jax.experimental.pallas import tpu as pltpu
from jax.experimental.pallas import tpu_sc as plsc

N = 10000
E = 320000
F_IN = 128
D = 128
D_OUT = 64

NC = 2
NS = 16
NW = NC * NS
EPW = E // NW
K = 80
NCHUNK = EPW // K
RPT = N // NS

_MESH = plsc.VectorSubcoreMesh(core_axis_name="c", subcore_axis_name="s")



_BLK = 2000


def _edges_body(ei, src_o, dst_o):
    e = ei[...]
    src_o[...] = e[0]
    dst_o[...] = e[1]


def _tc_edges(edge_index):
    return pl.pallas_call(
        _edges_body,
        out_shape=[jax.ShapeDtypeStruct((E,), jnp.int32),
                   jax.ShapeDtypeStruct((E,), jnp.int32)],
    )(edge_index)


def _prep_body(xf, embb, Wf, bf, W1l, b1l, W1r, y1_o, r1_o):
    x = jnp.dot(xf[...], Wf[...], preferred_element_type=jnp.float32)
    x = x + bf[...] + embb[...]
    y1_o[...] = jnp.dot(x, W1l[...], preferred_element_type=jnp.float32)
    r1_o[...] = jnp.dot(x, W1r[...], preferred_element_type=jnp.float32) + b1l[...]


def _rdeg(degp):
    deg = degp[0, :, 0] + degp[1, :, 0]
    return 1.0 / jnp.clip(deg, 1.0, None)


def _mid_body(aggp0, aggp1, degp, r1, W2r, b2l, h1_o, r2_o):
    agg = aggp0[...] + aggp1[...]
    h1 = jnp.maximum(agg * _rdeg(degp)[:, None] + r1[...], 0.0)
    h1_o[...] = h1
    r2_o[...] = jnp.dot(h1, W2r[...], preferred_element_type=jnp.float32) + b2l[...]


def _final_body(aggp0, aggp1, degp, r2, W2l, out_o):
    agg = aggp0[...] + aggp1[...]
    mean = agg * _rdeg(degp)[:, None]
    out_o[...] = jnp.maximum(
        jnp.dot(mean, W2l[...], preferred_element_type=jnp.float32) + r2[...],
        0.0)


def _row_spec(w):
    return pl.BlockSpec((_BLK, w), lambda i: (i, 0))


def _full_spec(*shape):
    nd = len(shape)
    return pl.BlockSpec(shape, lambda i, _nd=nd: (0,) * _nd)


def _part_spec(w):
    return pl.BlockSpec((2, _BLK, w), lambda i: (0, i, 0))


def _tc_prep(xf, emb, Wf, bf, W1l, b1l, W1r):
    return pl.pallas_call(
        _prep_body,
        grid=(N // _BLK,),
        in_specs=[
            _row_spec(F_IN), _row_spec(D), _full_spec(F_IN, D),
            _full_spec(1, D), _full_spec(D, D), _full_spec(1, D),
            _full_spec(D, D),
        ],
        out_specs=[_row_spec(D), _row_spec(D)],
        out_shape=[
            jax.ShapeDtypeStruct((N, D), jnp.float32),
            jax.ShapeDtypeStruct((N, D), jnp.float32),
        ],
    )(xf, emb, Wf, bf, W1l, b1l, W1r)


def _tc_mid(aggp0, aggp1, degp, r1, W2r, b2l):
    return pl.pallas_call(
        _mid_body,
        grid=(N // _BLK,),
        in_specs=[
            _row_spec(D), _row_spec(D), _part_spec(1), _row_spec(D),
            _full_spec(D, D_OUT), _full_spec(1, D_OUT),
        ],
        out_specs=[_row_spec(D), _row_spec(D_OUT)],
        out_shape=[
            jax.ShapeDtypeStruct((N, D), jnp.float32),
            jax.ShapeDtypeStruct((N, D_OUT), jnp.float32),
        ],
    )(aggp0, aggp1, degp, r1, W2r, b2l)


def _tc_final(aggp0, aggp1, degp, r2, W2l):
    return pl.pallas_call(
        _final_body,
        grid=(N // _BLK,),
        in_specs=[_row_spec(D), _row_spec(D), _part_spec(1),
                  _row_spec(D_OUT), _full_spec(D, D_OUT)],
        out_specs=_row_spec(D_OUT),
        out_shape=jax.ShapeDtypeStruct((N, D_OUT), jnp.float32),
    )(aggp0, aggp1, degp, r2, W2l)



_OUTER = (NCHUNK - 2) // 3


def _make_sc_agg(with_deg):
    out_type = [jax.ShapeDtypeStruct((N, D), jnp.float32),
                jax.ShapeDtypeStruct((N, D), jnp.float32)]
    scratch = [
        pltpu.VMEM_SHARED((N, D), jnp.float32),
        pltpu.VMEM((EPW,), jnp.int32),
        pltpu.VMEM((3, K), jnp.int32),
        pltpu.VMEM((3, K, D), jnp.float32),
    ] + [pltpu.SemaphoreType.DMA] * 9
    if with_deg:
        out_type.append(jax.ShapeDtypeStruct((NC, N), jnp.float32))
        scratch += [pltpu.SemaphoreType.DMA] * 3
        scratch += [
            pltpu.VMEM_SHARED((N,), jnp.float32),
            pltpu.VMEM((K,), jnp.float32),
        ]

    @functools.partial(
        pl.kernel, mesh=_MESH, out_type=out_type, scratch_types=scratch)
    def agg_kernel(y_hbm, src_hbm, dst_hbm, z_hbm, zn_hbm, ones_hbm, *rest):
        if with_deg:
            (agg_out0, agg_out1, deg_out, acc, srcb, dslot, rows,
             g0, g1, g2, d0, d1, d2, s0, s1, s2,
             e0, e1, e2, dega, onesb) = rest
            dgsem = (e0, e1, e2)
        else:
            (agg_out0, agg_out1, acc, srcb, dslot, rows,
             g0, g1, g2, d0, d1, d2, s0, s1, s2) = rest
        gsem = (g0, g1, g2)
        dsem = (d0, d1, d2)
        ssem = (s0, s1, s2)
        c = lax.axis_index("c")
        s = lax.axis_index("s")
        wid = c * NS + s
        base = wid * EPW
        pltpu.async_copy(src_hbm.at[pl.ds(base, EPW)], srcb, g0)
        pltpu.async_copy(z_hbm, acc.at[pl.ds(s * RPT, RPT)], g1)
        if with_deg:
            @pl.when(s == 0)
            def _():
                pltpu.async_copy(zn_hbm, dega, d0).wait()
            pltpu.async_copy(ones_hbm, onesb, d1)
            pltpu.make_async_copy(ones_hbm, onesb, d1).wait()
        pltpu.make_async_copy(src_hbm.at[pl.ds(base, EPW)], srcb, g0).wait()
        pltpu.make_async_copy(z_hbm, acc.at[pl.ds(s * RPT, RPT)], g1).wait()
        plsc.subcore_barrier()

        def fire(j, slot):
            pltpu.async_copy(y_hbm.at[srcb.at[pl.ds(j * K, K)]],
                             rows.at[slot], gsem[slot])
            pltpu.async_copy(dst_hbm.at[pl.ds(base + j * K, K)],
                             dslot.at[slot], dsem[slot])

        def wait_scat(slot):
            pltpu.make_async_copy(rows.at[slot], acc.at[pl.ds(0, K)],
                                  ssem[slot]).wait()
            if with_deg:
                pltpu.make_async_copy(onesb, dega.at[pl.ds(0, K)],
                                      dgsem[slot]).wait()

        def visit(j, slot, first=False):
            nslot = (slot + 2) % 3
            pltpu.make_async_copy(y_hbm.at[pl.ds(0, K)], rows.at[slot],
                                  gsem[slot]).wait()
            pltpu.make_async_copy(dst_hbm.at[pl.ds(0, K)],
                                  dslot.at[slot], dsem[slot]).wait()
            pltpu.async_copy(rows.at[slot], acc.at[dslot.at[slot]],
                             ssem[slot], add=True)
            if with_deg:
                pltpu.async_copy(onesb, dega.at[dslot.at[slot]],
                                 dgsem[slot], add=True)
            if not first:
                wait_scat(nslot)

            @pl.when(j + 2 < NCHUNK)
            def _():
                fire(j + 2, nslot)

        fire(0, 0)
        fire(1, 1)

        visit(0, 0, first=True)
        visit(1, 1)
        visit(2, 2)

        def body3(g, carry):
            for b in range(3):
                j = 3 + g * 3 + b
                visit(j, b)
            return carry

        lax.fori_loop(0, _OUTER - 1, body3, 0)
        visit(NCHUNK - 2, (NCHUNK - 2) % 3)
        visit(NCHUNK - 1, (NCHUNK - 1) % 3)
        wait_scat((NCHUNK - 1) % 3)

        plsc.subcore_barrier()

        @pl.when((s < 15) & (c == 0))
        def _():
            pltpu.sync_copy(acc.at[pl.ds(s * 624, 624)],
                            agg_out0.at[pl.ds(s * 624, 624)])

        @pl.when((s == 15) & (c == 0))
        def _():
            pltpu.sync_copy(acc.at[pl.ds(9360, 640)],
                            agg_out0.at[pl.ds(9360, 640)])

        @pl.when((s < 15) & (c == 1))
        def _():
            pltpu.sync_copy(acc.at[pl.ds(s * 624, 624)],
                            agg_out1.at[pl.ds(s * 624, 624)])

        @pl.when((s == 15) & (c == 1))
        def _():
            pltpu.sync_copy(acc.at[pl.ds(9360, 640)],
                            agg_out1.at[pl.ds(9360, 640)])
        if with_deg:
            @pl.when(s == 0)
            def _():
                pltpu.sync_copy(dega, deg_out.at[c])

    return agg_kernel


_sc_agg1 = _make_sc_agg(with_deg=True)
_sc_agg2 = _make_sc_agg(with_deg=False)



def kernel(x_features, edge_index, W_feat, b_feat, emb, W1l, b1l, W1r,
           W2l, b2l, W2r):
    z128 = jnp.zeros((RPT, D), jnp.float32)
    zn = jnp.zeros((N,), jnp.float32)
    ones1 = jnp.ones((K,), jnp.float32)

    y1, r1 = _tc_prep(x_features, emb, W_feat, b_feat.reshape(1, D),
                      W1l, b1l.reshape(1, D), W1r)
    src_e, dst_e = _tc_edges(edge_index)
    p1a, p1b, degp = _sc_agg1(y1, src_e, dst_e, z128, zn, ones1)
    degp = degp.reshape(NC, N, 1)
    h1, r2 = _tc_mid(p1a, p1b, degp, r1, W2r, b2l.reshape(1, D_OUT))
    p2a, p2b = _sc_agg2(h1, src_e, dst_e, z128, zn, ones1)
    return _tc_final(p2a, p2b, degp, r2, W2l)

# --- scband reference (transcript-rebuilt; emitter-appended) ---
"""Pipeline reference for scband-graph-nn-5841155522830 (READ-ONLY COPY).

The authoritative reference and input builder live on the scoring server;
editing this copy changes nothing except your own understanding.
"""

import jax, jax.numpy as jnp
import numpy as np

N = 10000
E = 320000
F_IN = 128
D = 128
D_OUT = 64


def setup_inputs(seed: int = 0) -> dict:
    key = jax.random.key(seed)
    ks = jax.random.split(key, 12)
    x_features = jax.random.normal(ks[0], (N, F_IN), dtype=jnp.float32)
    edge_index = jax.random.randint(ks[1], (2, E), 0, N, dtype=jnp.int32)
    # feature_transform (lazily created nn.Linear(F_IN, D) in the torch module)
    W_feat = jax.random.normal(ks[2], (F_IN, D), dtype=jnp.float32) * (1.0 / np.sqrt(F_IN))
    b_feat = jnp.zeros((D,), dtype=jnp.float32)
    # entity embedding table, len(entity_id)+1 rows
    emb = jax.random.normal(ks[3], (N + 1, D), dtype=jnp.float32) * 0.05
    # SAGEConv layer 1: D -> D  (lin_l applied to mean-aggregated neighbors, lin_r to root)
    W1l = jax.random.normal(ks[4], (D, D), dtype=jnp.float32) * (1.0 / np.sqrt(D))
    b1l = jnp.zeros((D,), dtype=jnp.float32)
    W1r = jax.random.normal(ks[5], (D, D), dtype=jnp.float32) * (1.0 / np.sqrt(D))
    # SAGEConv layer 2: D -> D_OUT
    W2l = jax.random.normal(ks[6], (D, D_OUT), dtype=jnp.float32) * (1.0 / np.sqrt(D))
    b2l = jnp.zeros((D_OUT,), dtype=jnp.float32)
    W2r = jax.random.normal(ks[7], (D, D_OUT), dtype=jnp.float32) * (1.0 / np.sqrt(D))
    return {"x_features": x_features, "edge_index": edge_index, "W_feat": W_feat,
            "b_feat": b_feat, "emb": emb, "W1l": W1l, "b1l": b1l, "W1r": W1r,
            "W2l": W2l, "b2l": b2l, "W2r": W2r}


def _sage_conv(x, src, dst, Wl, bl, Wr, n_nodes):
    # PyG SAGEConv with aggr='mean': out = lin_l(mean_{j in N(i)} x_j) + lin_r(x_i)
    msg = jnp.take(x, src, axis=0)
    agg = jax.ops.segment_sum(msg, dst, num_segments=n_nodes)
    deg = jax.ops.segment_sum(jnp.ones((src.shape[0], 1), dtype=x.dtype), dst, num_segments=n_nodes)
    mean = agg / jnp.clip(deg, 1.0, None)
    return mean @ Wl + bl + x @ Wr


def reference(x_features, edge_index, W_feat, b_feat, emb, W1l, b1l, W1r, W2l, b2l, W2r):
    n = x_features.shape[0]
    src = edge_index[0]
    dst = edge_index[1]
    # feature transform + entity embedding lookup
    xf = x_features @ W_feat + b_feat
    entity_indices = jnp.arange(n)
    xe = jnp.take(emb, entity_indices, axis=0)
    x = xf + xe
    # layer 1 (HeteroConv with single edge type + mean aggr reduces to the SAGEConv)
    x = _sage_conv(x, src, dst, W1l, b1l, W1r, n)
    x = jax.nn.relu(x)  # dropout in eval mode -> identity
    # layer 2
    x = _sage_conv(x, src, dst, W2l, b2l, W2r, n)
    x = jax.nn.relu(x)
    return x

if __name__ == "__main__":
    import jax
    _d = setup_inputs()
    print(jax.jit(kernel)(*tuple(_d.values())))

</pallas_src>

<mosaic_0001>
#map = affine_map<(d0, d1) -> (0, 0)>
#map1 = affine_map<(d0, d1) -> (0)>
module attributes {stable_mosaic.version = 14 : i64} {
  func.func @agg_kernel(%arg0: i32, %arg1: i32, %arg2: memref<10000x128xf32, #tpu.memory_space<hbm>>, %arg3: memref<320000xi32, #tpu.memory_space<hbm>>, %arg4: memref<320000xi32, #tpu.memory_space<hbm>>, %arg5: memref<625x128xf32, #tpu.memory_space<hbm>>, %arg6: memref<10000xf32, #tpu.memory_space<hbm>>, %arg7: memref<80xf32, #tpu.memory_space<hbm>>, %arg8: memref<10000x128xf32, #tpu.memory_space<hbm>>, %arg9: memref<10000x128xf32, #tpu.memory_space<hbm>>, %arg10: memref<2x10000xf32, #tpu.memory_space<hbm>>, %arg11: memref<10000x128xf32, #tpu.memory_space<vmem_shared>>, %arg12: memref<10000xi32, #tpu.memory_space<vmem>>, %arg13: memref<3x80xi32, #tpu.memory_space<vmem>>, %arg14: memref<3x80x128xf32, #tpu.memory_space<vmem>>, %arg15: memref<!tpu.dma_semaphore, #tpu.memory_space<semaphore_mem>>, %arg16: memref<!tpu.dma_semaphore, #tpu.memory_space<semaphore_mem>>, %arg17: memref<!tpu.dma_semaphore, #tpu.memory_space<semaphore_mem>>, %arg18: memref<!tpu.dma_semaphore, #tpu.memory_space<semaphore_mem>>, %arg19: memref<!tpu.dma_semaphore, #tpu.memory_space<semaphore_mem>>, %arg20: memref<!tpu.dma_semaphore, #tpu.memory_space<semaphore_mem>>, %arg21: memref<!tpu.dma_semaphore, #tpu.memory_space<semaphore_mem>>, %arg22: memref<!tpu.dma_semaphore, #tpu.memory_space<semaphore_mem>>, %arg23: memref<!tpu.dma_semaphore, #tpu.memory_space<semaphore_mem>>, %arg24: memref<!tpu.dma_semaphore, #tpu.memory_space<semaphore_mem>>, %arg25: memref<!tpu.dma_semaphore, #tpu.memory_space<semaphore_mem>>, %arg26: memref<!tpu.dma_semaphore, #tpu.memory_space<semaphore_mem>>, %arg27: memref<10000xf32, #tpu.memory_space<vmem_shared>>, %arg28: memref<80xf32, #tpu.memory_space<vmem>>) attributes {dimension_semantics = [#tpu.dimension_semantics<core_parallel>, #tpu.dimension_semantics<subcore_parallel>], iteration_bounds = array<i64: 2, 16>, scalar_prefetch = 0 : i64, scratch_operands = 18 : i64, tpu.core_type = #tpu.core_type<sc_vector_subcore>, window_params = [{transform_indices = #map}, {transform_indices = #map1}, {transform_indices = #map1}, {transform_indices = #map}, {transform_indices = #map1}, {transform_indices = #map1}, {transform_indices = #map}, {transform_indices = #map}, {transform_indices = #map}]} {
    %mul3A = arith.constant 16 : i32
    %mul3A_0 = arith.muli %arg0, %mul3A : i32
    %add3A = arith.addi %mul3A_0, %arg1 : i32
    %mul3A_1 = arith.constant 10000 : i32
    %mul3A_2 = arith.muli %add3A, %mul3A_1 : i32
    %dma_start3A = tpu.memref_slice %arg3[%mul3A_2] : memref<320000xi32, #tpu.memory_space<hbm>> -> memref<10000xi32, #tpu.memory_space<hbm>>
    %dma_start3A_3 = tpu.memref_slice %arg3[%mul3A_2] : memref<320000xi32, #tpu.memory_space<hbm>> -> memref<10000xi32, #tpu.memory_space<hbm>>
    tpu.enqueue_dma source(%dma_start3A_3 : memref<10000xi32, #tpu.memory_space<hbm>>) target(%arg12 : memref<10000xi32, #tpu.memory_space<vmem>>) target_semaphore(%arg15 : memref<!tpu.dma_semaphore, #tpu.memory_space<semaphore_mem>>)
    %mul3A_4 = arith.constant 625 : i32
    %mul3A_5 = arith.muli %arg1, %mul3A_4 : i32
    %dma_start3A_6 = arith.constant 0 : i32
    %dma_start3A_7 = tpu.memref_slice %arg11[%mul3A_5, %dma_start3A_6] : memref<10000x128xf32, #tpu.memory_space<vmem_shared>> -> memref<625x128xf32, #tpu.memory_space<vmem_shared>>
    tpu.enqueue_dma source(%arg5 : memref<625x128xf32, #tpu.memory_space<hbm>>) target(%dma_start3A_7 : memref<625x128xf32, #tpu.memory_space<vmem_shared>>) target_semaphore(%arg16 : memref<!tpu.dma_semaphore, #tpu.memory_space<semaphore_mem>>)
    %eq3A = arith.constant 0 : i32
    %eq3A_8 = arith.cmpi eq, %arg1, %eq3A : i32
    %convert_element_type3A = arith.extui %eq3A_8 : i1 to i32
    %cond3A = arith.constant 0 : i32
    %cond3A_9 = arith.cmpi ne, %convert_element_type3A, %cond3A : i32
    scf.if %cond3A_9 {
      tpu.enqueue_dma source(%arg6 : memref<10000xf32, #tpu.memory_space<hbm>>) target(%arg27 : memref<10000xf32, #tpu.memory_space<vmem_shared>>) target_semaphore(%arg18 : memref<!tpu.dma_semaphore, #tpu.memory_space<semaphore_mem>>)
      tpu.wait_dma2 semaphore(%arg18 : memref<!tpu.dma_semaphore, #tpu.memory_space<semaphore_mem>>) src(%arg6 : memref<10000xf32, #tpu.memory_space<hbm>>) dst(%arg27 : memref<10000xf32, #tpu.memory_space<vmem_shared>>)
    } else {
    }
    tpu.enqueue_dma source(%arg7 : memref<80xf32, #tpu.memory_space<hbm>>) target(%arg28 : memref<80xf32, #tpu.memory_space<vmem>>) target_semaphore(%arg19 : memref<!tpu.dma_semaphore, #tpu.memory_space<semaphore_mem>>)
    tpu.wait_dma2 semaphore(%arg19 : memref<!tpu.dma_semaphore, #tpu.memory_space<semaphore_mem>>) src(%arg7 : memref<80xf32, #tpu.memory_space<hbm>>) dst(%arg28 : memref<80xf32, #tpu.memory_space<vmem>>)
    %dma_wait3A = tpu.memref_slice %arg3[%mul3A_2] : memref<320000xi32, #tpu.memory_space<hbm>> -> memref<10000xi32, #tpu.memory_space<hbm>>
    %dma_wait3A_10 = tpu.memref_slice %arg3[%mul3A_2] : memref<320000xi32, #tpu.memory_space<hbm>> -> memref<10000xi32, #tpu.memory_space<hbm>>
    tpu.wait_dma2 semaphore(%arg15 : memref<!tpu.dma_semaphore, #tpu.memory_space<semaphore_mem>>) src(%dma_wait3A_10 : memref<10000xi32, #tpu.memory_space<hbm>>) dst(%arg12 : memref<10000xi32, #tpu.memory_space<vmem>>)
    %mul3A_11 = arith.constant 625 : i32
    %mul3A_12 = arith.muli %arg1, %mul3A_11 : i32
    %dma_wait3A_13 = arith.constant 0 : i32
    %dma_wait3A_14 = tpu.memref_slice %arg11[%mul3A_12, %dma_wait3A_13] : memref<10000x128xf32, #tpu.memory_space<vmem_shared>> -> memref<625x128xf32, #tpu.memory_space<vmem_shared>>
    tpu.wait_dma2 semaphore(%arg16 : memref<!tpu.dma_semaphore, #tpu.memory_space<semaphore_mem>>) src(%arg5 : memref<625x128xf32, #tpu.memory_space<hbm>>) dst(%dma_wait3A_14 : memref<625x128xf32, #tpu.memory_space<vmem_shared>>)
    %barrier3A = arith.constant 0 : index
    tpu.barrier barrier_id(%barrier3A)
    %dma_start3A_15 = arith.constant 0 : i32
    %dma_start3A_16 = arith.constant 0 : i32
    %dma_start3A_17 = arith.constant 0 : i32
    %dma_start3A_18 = tpu.memref_slice %arg14[%dma_start3A_15, %dma_start3A_16, %dma_start3A_17] : memref<3x80x128xf32, #tpu.memory_space<vmem>> -> memref<1x80x128xf32, #tpu.memory_space<vmem>>
    %dma_start3A_19 = tpu.memref_squeeze %dma_start3A_18 : memref<1x80x128xf32, #tpu.memory_space<vmem>> -> memref<80x128xf32, #tpu.memory_space<vmem>>
    %dma_start3A_20 = arith.constant 0 : i32
    %dma_start3A_21 = tpu.memref_slice %arg12[%dma_start3A_20] : memref<10000xi32, #tpu.memory_space<vmem>> -> memref<80xi32, #tpu.memory_space<vmem>>
    %dma_start3A_22 = arith.constant 0 : i32
    %dma_start3A_23 = arith.constant 0 : i32
    %dma_start3A_24 = tpu.memref_slice %arg2[%dma_start3A_22, %dma_start3A_23] : memref<10000x128xf32, #tpu.memory_space<hbm>> -> memref<10000x128xf32, #tpu.memory_space<hbm>>
    tpu.enqueue_indirect_dma source(%dma_start3A_24 : memref<10000x128xf32, #tpu.memory_space<hbm>>) target(%dma_start3A_19 : memref<80x128xf32, #tpu.memory_space<vmem>>) offsets(%dma_start3A_21 : memref<80xi32, #tpu.memory_space<vmem>>) semaphore(%arg15 : memref<!tpu.dma_semaphore, #tpu.memory_space<semaphore_mem>>)
    %add3A_25 = arith.constant 0 : i32
    %add3A_26 = arith.addi %mul3A_2, %add3A_25 : i32
    %dma_start3A_27 = arith.constant 0 : i32
    %dma_start3A_28 = arith.constant 0 : i32
    %dma_start3A_29 = tpu.memref_slice %arg13[%dma_start3A_27, %dma_start3A_28] : memref<3x80xi32, #tpu.memory_space<vmem>> -> memref<1x80xi32, #tpu.memory_space<vmem>>
    %dma_start3A_30 = tpu.memref_squeeze %dma_start3A_29 : memref<1x80xi32, #tpu.memory_space<vmem>> -> memref<80xi32, #tpu.memory_space<vmem>>
    %dma_start3A_31 = tpu.memref_slice %arg4[%add3A_26] : memref<320000xi32, #tpu.memory_space<hbm>> -> memref<80xi32, #tpu.memory_space<hbm>>
    %dma_start3A_32 = arith.constant 0 : i32
    %dma_start3A_33 = tpu.memref_slice %arg13[%dma_start3A_27, %dma_start3A_32] : memref<3x80xi32, #tpu.memory_space<vmem>> -> memref<1x80xi32, #tpu.memory_space<vmem>>
    %dma_start3A_34 = tpu.memref_squeeze %dma_start3A_33 : memref<1x80xi32, #tpu.memory_space<vmem>> -> memref<80xi32, #tpu.memory_space<vmem>>
    %dma_start3A_35 = tpu.memref_slice %arg4[%add3A_26] : memref<320000xi32, #tpu.memory_space<hbm>> -> memref<80xi32, #tpu.memory_space<hbm>>
    tpu.enqueue_dma source(%dma_start3A_35 : memref<80xi32, #tpu.memory_space<hbm>>) target(%dma_start3A_34 : memref<80xi32, #tpu.memory_space<vmem>>) target_semaphore(%arg18 : memref<!tpu.dma_semaphore, #tpu.memory_space<semaphore_mem>>)
    %dma_start3A_36 = arith.constant 1 : i32
    %dma_start3A_37 = arith.constant 0 : i32
    %dma_start3A_38 = arith.constant 0 : i32
    %dma_start3A_39 = tpu.memref_slice %arg14[%dma_start3A_36, %dma_start3A_37, %dma_start3A_38] : memref<3x80x128xf32, #tpu.memory_space<vmem>> -> memref<1x80x128xf32, #tpu.memory_space<vmem>>
    %dma_start3A_40 = tpu.memref_squeeze %dma_start3A_39 : memref<1x80x128xf32, #tpu.memory_space<vmem>> -> memref<80x128xf32, #tpu.memory_space<vmem>>
    %dma_start3A_41 = arith.constant 80 : i32
    %dma_start3A_42 = tpu.memref_slice %arg12[%dma_start3A_41] : memref<10000xi32, #tpu.memory_space<vmem>> -> memref<80xi32, #tpu.memory_space<vmem>>
    %dma_start3A_43 = arith.constant 0 : i32
    %dma_start3A_44 = arith.constant 0 : i32
    %dma_start3A_45 = tpu.memref_slice %arg2[%dma_start3A_43, %dma_start3A_44] : memref<10000x128xf32, #tpu.memory_space<hbm>> -> memref<10000x128xf32, #tpu.memory_space<hbm>>
    tpu.enqueue_indirect_dma source(%dma_start3A_45 : memref<10000x128xf32, #tpu.memory_space<hbm>>) target(%dma_start3A_40 : memref<80x128xf32, #tpu.memory_space<vmem>>) offsets(%dma_start3A_42 : memref<80xi32, #tpu.memory_space<vmem>>) semaphore(%arg16 : memref<!tpu.dma_semaphore, #tpu.memory_space<semaphore_mem>>)
    %add3A_46 = arith.constant 80 : i32
    %add3A_47 = arith.addi %mul3A_2, %add3A_46 : i32
    %dma_start3A_48 = arith.constant 1 : i32
    %dma_start3A_49 = arith.constant 0 : i32
    %dma_start3A_50 = tpu.memref_slice %arg13[%dma_start3A_48, %dma_start3A_49] : memref<3x80xi32, #tpu.memory_space<vmem>> -> memref<1x80xi32, #tpu.memory_space<vmem>>
    %dma_start3A_51 = tpu.memref_squeeze %dma_start3A_50 : memref<1x80xi32, #tpu.memory_space<vmem>> -> memref<80xi32, #tpu.memory_space<vmem>>
    %dma_start3A_52 = tpu.memref_slice %arg4[%add3A_47] : memref<320000xi32, #tpu.memory_space<hbm>> -> memref<80xi32, #tpu.memory_space<hbm>>
    %dma_start3A_53 = arith.constant 0 : i32
    %dma_start3A_54 = tpu.memref_slice %arg13[%dma_start3A_48, %dma_start3A_53] : memref<3x80xi32, #tpu.memory_space<vmem>> -> memref<1x80xi32, #tpu.memory_space<vmem>>
    %dma_start3A_55 = tpu.memref_squeeze %dma_start3A_54 : memref<1x80xi32, #tpu.memory_space<vmem>> -> memref<80xi32, #tpu.memory_space<vmem>>
    %dma_start3A_56 = tpu.memref_slice %arg4[%add3A_47] : memref<320000xi32, #tpu.memory_space<hbm>> -> memref<80xi32, #tpu.memory_space<hbm>>
    tpu.enqueue_dma source(%dma_start3A_56 : memref<80xi32, #tpu.memory_space<hbm>>) target(%dma_start3A_55 : memref<80xi32, #tpu.memory_space<vmem>>) target_semaphore(%arg19 : memref<!tpu.dma_semaphore, #tpu.memory_space<semaphore_mem>>)
    %dma_wait3A_57 = arith.constant 0 : i32
    %dma_wait3A_58 = arith.constant 0 : i32
    %dma_wait3A_59 = arith.constant 0 : i32
    %dma_wait3A_60 = tpu.memref_slice %arg14[%dma_wait3A_57, %dma_wait3A_58, %dma_wait3A_59] : memref<3x80x128xf32, #tpu.memory_space<vmem>> -> memref<1x80x128xf32, #tpu.memory_space<vmem>>
    %dma_wait3A_61 = tpu.memref_squeeze %dma_wait3A_60 : memref<1x80x128xf32, #tpu.memory_space<vmem>> -> memref<80x128xf32, #tpu.memory_space<vmem>>
    %dma_wait3A_62 = arith.constant 0 : i32
    %dma_wait3A_63 = arith.constant 0 : i32
    %dma_wait3A_64 = tpu.memref_slice %arg2[%dma_wait3A_62, %dma_wait3A_63] : memref<10000x128xf32, #tpu.memory_space<hbm>> -> memref<80x128xf32, #tpu.memory_space<hbm>>
    %dma_wait3A_65 = arith.constant 0 : i32
    %dma_wait3A_66 = arith.constant 0 : i32
    %dma_wait3A_67 = tpu.memref_slice %arg14[%dma_wait3A_57, %dma_wait3A_65, %dma_wait3A_66] : memref<3x80x128xf32, #tpu.memory_space<vmem>> -> memref<1x80x128xf32, #tpu.memory_space<vmem>>
    %dma_wait3A_68 = tpu.memref_squeeze %dma_wait3A_67 : memref<1x80x128xf32, #tpu.memory_space<vmem>> -> memref<80x128xf32, #tpu.memory_space<vmem>>
    %dma_wait3A_69 = arith.constant 0 : i32
    %dma_wait3A_70 = arith.constant 0 : i32
    %dma_wait3A_71 = tpu.memref_slice %arg2[%dma_wait3A_69, %dma_wait3A_70] : memref<10000x128xf32, #tpu.memory_space<hbm>> -> memref<80x128xf32, #tpu.memory_space<hbm>>
    tpu.wait_dma2 semaphore(%arg15 : memref<!tpu.dma_semaphore, #tpu.memory_space<semaphore_mem>>) src(%dma_wait3A_71 : memref<80x128xf32, #tpu.memory_space<hbm>>) dst(%dma_wait3A_68 : memref<80x128xf32, #tpu.memory_space<vmem>>)
    %dma_wait3A_72 = arith.constant 0 : i32
    %dma_wait3A_73 = arith.constant 0 : i32
    %dma_wait3A_74 = tpu.memref_slice %arg13[%dma_wait3A_72, %dma_wait3A_73] : memref<3x80xi32, #tpu.memory_space<vmem>> -> memref<1x80xi32, #tpu.memory_space<vmem>>
    %dma_wait3A_75 = tpu.memref_squeeze %dma_wait3A_74 : memref<1x80xi32, #tpu.memory_space<vmem>> -> memref<80xi32, #tpu.memory_space<vmem>>
    %dma_wait3A_76 = arith.constant 0 : i32
    %dma_wait3A_77 = tpu.memref_slice %arg4[%dma_wait3A_76] : memref<320000xi32, #tpu.memory_space<hbm>> -> memref<80xi32, #tpu.memory_space<hbm>>
    %dma_wait3A_78 = arith.constant 0 : i32
    %dma_wait3A_79 = tpu.memref_slice %arg13[%dma_wait3A_72, %dma_wait3A_78] : memref<3x80xi32, #tpu.memory_space<vmem>> -> memref<1x80xi32, #tpu.memory_space<vmem>>
    %dma_wait3A_80 = tpu.memref_squeeze %dma_wait3A_79 : memref<1x80xi32, #tpu.memory_space<vmem>> -> memref<80xi32, #tpu.memory_space<vmem>>
    %dma_wait3A_81 = arith.constant 0 : i32
    %dma_wait3A_82 = tpu.memref_slice %arg4[%dma_wait3A_81] : memref<320000xi32, #tpu.memory_space<hbm>> -> memref<80xi32, #tpu.memory_space<hbm>>
    tpu.wait_dma2 semaphore(%arg18 : memref<!tpu.dma_semaphore, #tpu.memory_space<semaphore_mem>>) src(%dma_wait3A_82 : memref<80xi32, #tpu.memory_space<hbm>>) dst(%dma_wait3A_80 : memref<80xi32, #tpu.memory_space<vmem>>)
    %dma_start3A_83 = arith.constant 0 : i32
    %dma_start3A_84 = arith.constant 0 : i32
    %dma_start3A_85 = arith.constant 0 : i32
    %dma_start3A_86 = arith.constant 0 : i32
    %dma_start3A_87 = tpu.memref_slice %arg14[%dma_start3A_83, %dma_start3A_85, %dma_start3A_86] : memref<3x80x128xf32, #tpu.memory_space<vmem>> -> memref<1x80x128xf32, #tpu.memory_space<vmem>>
    %dma_start3A_88 = tpu.memref_squeeze %dma_start3A_87 : memref<1x80x128xf32, #tpu.memory_space<vmem>> -> memref<80x128xf32, #tpu.memory_space<vmem>>
    %dma_start3A_89 = arith.constant 0 : i32
    %dma_start3A_90 = tpu.memref_slice %arg13[%dma_start3A_84, %dma_start3A_89] : memref<3x80xi32, #tpu.memory_space<vmem>> -> memref<1x80xi32, #tpu.memory_space<vmem>>
    %dma_start3A_91 = tpu.memref_squeeze %dma_start3A_90 : memref<1x80xi32, #tpu.memory_space<vmem>> -> memref<80xi32, #tpu.memory_space<vmem>>
    %dma_start3A_92 = arith.constant 0 : i32
    %dma_start3A_93 = arith.constant 0 : i32
    %dma_start3A_94 = tpu.memref_slice %arg11[%dma_start3A_92, %dma_start3A_93] : memref<10000x128xf32, #tpu.memory_space<vmem_shared>> -> memref<10000x128xf32, #tpu.memory_space<vmem_shared>>
    tpu.enqueue_indirect_dma source(%dma_start3A_88 : memref<80x128xf32, #tpu.memory_space<vmem>>) target(%dma_start3A_94 : memref<10000x128xf32, #tpu.memory_space<vmem_shared>>) offsets(%dma_start3A_91 : memref<80xi32, #tpu.memory_space<vmem>>) semaphore(%arg21 : memref<!tpu.dma_semaphore, #tpu.memory_space<semaphore_mem>>) {add = true}
    %dma_start3A_95 = arith.constant 0 : i32
    %dma_start3A_96 = arith.constant 0 : i32
    %dma_start3A_97 = tpu.memref_slice %arg13[%dma_start3A_95, %dma_start3A_96] : memref<3x80xi32, #tpu.memory_space<vmem>> -> memref<1x80xi32, #tpu.memory_space<vmem>>
    %dma_start3A_98 = tpu.memref_squeeze %dma_start3A_97 : memref<1x80xi32, #tpu.memory_space<vmem>> -> memref<80xi32, #tpu.memory_space<vmem>>
    %dma_start3A_99 = arith.constant 0 : i32
    %dma_start3A_100 = tpu.memref_slice %arg27[%dma_start3A_99] : memref<10000xf32, #tpu.memory_space<vmem_shared>> -> memref<10000xf32, #tpu.memory_space<vmem_shared>>
    tpu.enqueue_indirect_dma source(%arg28 : memref<80xf32, #tpu.memory_space<vmem>>) target(%dma_start3A_100 : memref<10000xf32, #tpu.memory_space<vmem_shared>>) offsets(%dma_start3A_98 : memref<80xi32, #tpu.memory_space<vmem>>) semaphore(%arg24 : memref<!tpu.dma_semaphore, #tpu.memory_space<semaphore_mem>>) {add = true}
    %dma_start3A_101 = arith.constant 2 : i32
    %dma_start3A_102 = arith.constant 0 : i32
    %dma_start3A_103 = arith.constant 0 : i32
    %dma_start3A_104 = tpu.memref_slice %arg14[%dma_start3A_101, %dma_start3A_102, %dma_start3A_103] : memref<3x80x128xf32, #tpu.memory_space<vmem>> -> memref<1x80x128xf32, #tpu.memory_space<vmem>>
    %dma_start3A_105 = tpu.memref_squeeze %dma_start3A_104 : memref<1x80x128xf32, #tpu.memory_space<vmem>> -> memref<80x128xf32, #tpu.memory_space<vmem>>
    %dma_start3A_106 = arith.constant 160 : i32
    %dma_start3A_107 = tpu.memref_slice %arg12[%dma_start3A_106] : memref<10000xi32, #tpu.memory_space<vmem>> -> memref<80xi32, #tpu.memory_space<vmem>>
    %dma_start3A_108 = arith.constant 0 : i32
    %dma_start3A_109 = arith.constant 0 : i32
    %dma_start3A_110 = tpu.memref_slice %arg2[%dma_start3A_108, %dma_start3A_109] : memref<10000x128xf32, #tpu.memory_space<hbm>> -> memref<10000x128xf32, #tpu.memory_space<hbm>>
    tpu.enqueue_indirect_dma source(%dma_start3A_110 : memref<10000x128xf32, #tpu.memory_space<hbm>>) target(%dma_start3A_105 : memref<80x128xf32, #tpu.memory_space<vmem>>) offsets(%dma_start3A_107 : memref<80xi32, #tpu.memory_space<vmem>>) semaphore(%arg17 : memref<!tpu.dma_semaphore, #tpu.memory_space<semaphore_mem>>)
    %add3A_111 = arith.constant 160 : i32
    %add3A_112 = arith.addi %mul3A_2, %add3A_111 : i32
    %dma_start3A_113 = arith.constant 2 : i32
    %dma_start3A_114 = arith.constant 0 : i32
    %dma_start3A_115 = tpu.memref_slice %arg13[%dma_start3A_113, %dma_start3A_114] : memref<3x80xi32, #tpu.memory_space<vmem>> -> memref<1x80xi32, #tpu.memory_space<vmem>>
    %dma_start3A_116 = tpu.memref_squeeze %dma_start3A_115 : memref<1x80xi32, #tpu.memory_space<vmem>> -> memref<80xi32, #tpu.memory_space<vmem>>
    %dma_start3A_117 = tpu.memref_slice %arg4[%add3A_112] : memref<320000xi32, #tpu.memory_space<hbm>> -> memref<80xi32, #tpu.memory_space<hbm>>
    %dma_start3A_118 = arith.constant 0 : i32
    %dma_start3A_119 = tpu.memref_slice %arg13[%dma_start3A_113, %dma_start3A_118] : memref<3x80xi32, #tpu.memory_space<vmem>> -> memref<1x80xi32, #tpu.memory_space<vmem>>
    %dma_start3A_120 = tpu.memref_squeeze %dma_start3A_119 : memref<1x80xi32, #tpu.memory_space<vmem>> -> memref<80xi32, #tpu.memory_space<vmem>>
    %dma_start3A_121 = tpu.memref_slice %arg4[%add3A_112] : memref<320000xi32, #tpu.memory_space<hbm>> -> memref<80xi32, #tpu.memory_space<hbm>>
    tpu.enqueue_dma source(%dma_start3A_121 : memref<80xi32, #tpu.memory_space<hbm>>) target(%dma_start3A_120 : memref<80xi32, #tpu.memory_space<vmem>>) target_semaphore(%arg20 : memref<!tpu.dma_semaphore, #tpu.memory_space<semaphore_mem>>)
    %dma_wait3A_122 = arith.constant 1 : i32
    %dma_wait3A_123 = arith.constant 0 : i32
    %dma_wait3A_124 = arith.constant 0 : i32
    %dma_wait3A_125 = tpu.memref_slice %arg14[%dma_wait3A_122, %dma_wait3A_123, %dma_wait3A_124] : memref<3x80x128xf32, #tpu.memory_space<vmem>> -> memref<1x80x128xf32, #tpu.memory_space<vmem>>
    %dma_wait3A_126 = tpu.memref_squeeze %dma_wait3A_125 : memref<1x80x128xf32, #tpu.memory_space<vmem>> -> memref<80x128xf32, #tpu.memory_space<vmem>>
    %dma_wait3A_127 = arith.constant 0 : i32
    %dma_wait3A_128 = arith.constant 0 : i32
    %dma_wait3A_129 = tpu.memref_slice %arg2[%dma_wait3A_127, %dma_wait3A_128] : memref<10000x128xf32, #tpu.memory_space<hbm>> -> memref<80x128xf32, #tpu.memory_space<hbm>>
    %dma_wait3A_130 = arith.constant 0 : i32
    %dma_wait3A_131 = arith.constant 0 : i32
    %dma_wait3A_132 = tpu.memref_slice %arg14[%dma_wait3A_122, %dma_wait3A_130, %dma_wait3A_131] : memref<3x80x128xf32, #tpu.memory_space<vmem>> -> memref<1x80x128xf32, #tpu.memory_space<vmem>>
    %dma_wait3A_133 = tpu.memref_squeeze %dma_wait3A_132 : memref<1x80x128xf32, #tpu.memory_space<vmem>> -> memref<80x128xf32, #tpu.memory_space<vmem>>
    %dma_wait3A_134 = arith.constant 0 : i32
    %dma_wait3A_135 = arith.constant 0 : i32
    %dma_wait3A_136 = tpu.memref_slice %arg2[%dma_wait3A_134, %dma_wait3A_135] : memref<10000x128xf32, #tpu.memory_space<hbm>> -> memref<80x128xf32, #tpu.memory_space<hbm>>
    tpu.wait_dma2 semaphore(%arg16 : memref<!tpu.dma_semaphore, #tpu.memory_space<semaphore_mem>>) src(%dma_wait3A_136 : memref<80x128xf32, #tpu.memory_space<hbm>>) dst(%dma_wait3A_133 : memref<80x128xf32, #tpu.memory_space<vmem>>)
    %dma_wait3A_137 = arith.constant 1 : i32
    %dma_wait3A_138 = arith.constant 0 : i32
    %dma_wait3A_139 = tpu.memref_slice %arg13[%dma_wait3A_137, %dma_wait3A_138] : memref<3x80xi32, #tpu.memory_space<vmem>> -> memref<1x80xi32, #tpu.memory_space<vmem>>
    %dma_wait3A_140 = tpu.memref_squeeze %dma_wait3A_139 : memref<1x80xi32, #tpu.memory_space<vmem>> -> memref<80xi32, #tpu.memory_space<vmem>>
    %dma_wait3A_141 = arith.constant 0 : i32
    %dma_wait3A_142 = tpu.memref_slice %arg4[%dma_wait3A_141] : memref<320000xi32, #tpu.memory_space<hbm>> -> memref<80xi32, #tpu.memory_space<hbm>>
    %dma_wait3A_143 = arith.constant 0 : i32
    %dma_wait3A_144 = tpu.memref_slice %arg13[%dma_wait3A_137, %dma_wait3A_143] : memref<3x80xi32, #tpu.memory_space<vmem>> -> memref<1x80xi32, #tpu.memory_space<vmem>>
    %dma_wait3A_145 = tpu.memref_squeeze %dma_wait3A_144 : memref<1x80xi32, #tpu.memory_space<vmem>> -> memref<80xi32, #tpu.memory_space<vmem>>
    %dma_wait3A_146 = arith.constant 0 : i32
    %dma_wait3A_147 = tpu.memref_slice %arg4[%dma_wait3A_146] : memref<320000xi32, #tpu.memory_space<hbm>> -> memref<80xi32, #tpu.memory_space<hbm>>
    tpu.wait_dma2 semaphore(%arg19 : memref<!tpu.dma_semaphore, #tpu.memory_space<semaphore_mem>>) src(%dma_wait3A_147 : memref<80xi32, #tpu.memory_space<hbm>>) dst(%dma_wait3A_145 : memref<80xi32, #tpu.memory_space<vmem>>)
    %dma_start3A_148 = arith.constant 1 : i32
    %dma_start3A_149 = arith.constant 1 : i32
    %dma_start3A_150 = arith.constant 0 : i32
    %dma_start3A_151 = arith.constant 0 : i32
    %dma_start3A_152 = tpu.memref_slice %arg14[%dma_start3A_148, %dma_start3A_150, %dma_start3A_151] : memref<3x80x128xf32, #tpu.memory_space<vmem>> -> memref<1x80x128xf32, #tpu.memory_space<vmem>>
    %dma_start3A_153 = tpu.memref_squeeze %dma_start3A_152 : memref<1x80x128xf32, #tpu.memory_space<vmem>> -> memref<80x128xf32, #tpu.memory_space<vmem>>
    %dma_start3A_154 = arith.constant 0 : i32
    %dma_start3A_155 = tpu.memref_slice %arg13[%dma_start3A_149, %dma_start3A_154] : memref<3x80xi32, #tpu.memory_space<vmem>> -> memref<1x80xi32, #tpu.memory_space<vmem>>
    %dma_start3A_156 = tpu.memref_squeeze %dma_start3A_155 : memref<1x80xi32, #tpu.memory_space<vmem>> -> memref<80xi32, #tpu.memory_space<vmem>>
    %dma_start3A_157 = arith.constant 0 : i32
    %dma_start3A_158 = arith.constant 0 : i32
    %dma_start3A_159 = tpu.memref_slice %arg11[%dma_start3A_157, %dma_start3A_158] : memref<10000x128xf32, #tpu.memory_space<vmem_shared>> -> memref<10000x128xf32, #tpu.memory_space<vmem_shared>>
    tpu.enqueue_indirect_dma source(%dma_start3A_153 : memref<80x128xf32, #tpu.memory_space<vmem>>) target(%dma_start3A_159 : memref<10000x128xf32, #tpu.memory_space<vmem_shared>>) offsets(%dma_start3A_156 : memref<80xi32, #tpu.memory_space<vmem>>) semaphore(%arg22 : memref<!tpu.dma_semaphore, #tpu.memory_space<semaphore_mem>>) {add = true}
    %dma_start3A_160 = arith.constant 1 : i32
    %dma_start3A_161 = arith.constant 0 : i32
    %dma_start3A_162 = tpu.memref_slice %arg13[%dma_start3A_160, %dma_start3A_161] : memref<3x80xi32, #tpu.memory_space<vmem>> -> memref<1x80xi32, #tpu.memory_space<vmem>>
    %dma_start3A_163 = tpu.memref_squeeze %dma_start3A_162 : memref<1x80xi32, #tpu.memory_space<vmem>> -> memref<80xi32, #tpu.memory_space<vmem>>
    %dma_start3A_164 = arith.constant 0 : i32
    %dma_start3A_165 = tpu.memref_slice %arg27[%dma_start3A_164] : memref<10000xf32, #tpu.memory_space<vmem_shared>> -> memref<10000xf32, #tpu.memory_space<vmem_shared>>
    tpu.enqueue_indirect_dma source(%arg28 : memref<80xf32, #tpu.memory_space<vmem>>) target(%dma_start3A_165 : memref<10000xf32, #tpu.memory_space<vmem_shared>>) offsets(%dma_start3A_163 : memref<80xi32, #tpu.memory_space<vmem>>) semaphore(%arg25 : memref<!tpu.dma_semaphore, #tpu.memory_space<semaphore_mem>>) {add = true}
    %dma_wait3A_166 = arith.constant 0 : i32
    %dma_wait3A_167 = arith.constant 0 : i32
    %dma_wait3A_168 = arith.constant 0 : i32
    %dma_wait3A_169 = tpu.memref_slice %arg14[%dma_wait3A_166, %dma_wait3A_167, %dma_wait3A_168] : memref<3x80x128xf32, #tpu.memory_space<vmem>> -> memref<1x80x128xf32, #tpu.memory_space<vmem>>
    %dma_wait3A_170 = tpu.memref_squeeze %dma_wait3A_169 : memref<1x80x128xf32, #tpu.memory_space<vmem>> -> memref<80x128xf32, #tpu.memory_space<vmem>>
    %dma_wait3A_171 = arith.constant 0 : i32
    %dma_wait3A_172 = arith.constant 0 : i32
    %dma_wait3A_173 = tpu.memref_slice %arg11[%dma_wait3A_171, %dma_wait3A_172] : memref<10000x128xf32, #tpu.memory_space<vmem_shared>> -> memref<80x128xf32, #tpu.memory_space<vmem_shared>>
    %dma_wait3A_174 = arith.constant 0 : i32
    %dma_wait3A_175 = arith.constant 0 : i32
    %dma_wait3A_176 = tpu.memref_slice %arg11[%dma_wait3A_174, %dma_wait3A_175] : memref<10000x128xf32, #tpu.memory_space<vmem_shared>> -> memref<80x128xf32, #tpu.memory_space<vmem_shared>>
    %dma_wait3A_177 = arith.constant 0 : i32
    %dma_wait3A_178 = arith.constant 0 : i32
    %dma_wait3A_179 = tpu.memref_slice %arg14[%dma_wait3A_166, %dma_wait3A_177, %dma_wait3A_178] : memref<3x80x128xf32, #tpu.memory_space<vmem>> -> memref<1x80x128xf32, #tpu.memory_space<vmem>>
    %dma_wait3A_180 = tpu.memref_squeeze %dma_wait3A_179 : memref<1x80x128xf32, #tpu.memory_space<vmem>> -> memref<80x128xf32, #tpu.memory_space<vmem>>
    tpu.wait_dma2 semaphore(%arg21 : memref<!tpu.dma_semaphore, #tpu.memory_space<semaphore_mem>>) src(%dma_wait3A_180 : memref<80x128xf32, #tpu.memory_space<vmem>>) dst(%dma_wait3A_176 : memref<80x128xf32, #tpu.memory_space<vmem_shared>>)
    %dma_wait3A_181 = arith.constant 0 : i32
    %dma_wait3A_182 = tpu.memref_slice %arg27[%dma_wait3A_181] : memref<10000xf32, #tpu.memory_space<vmem_shared>> -> memref<80xf32, #tpu.memory_space<vmem_shared>>
    %dma_wait3A_183 = arith.constant 0 : i32
    %dma_wait3A_184 = tpu.memref_slice %arg27[%dma_wait3A_183] : memref<10000xf32, #tpu.memory_space<vmem_shared>> -> memref<80xf32, #tpu.memory_space<vmem_shared>>
    tpu.wait_dma2 semaphore(%arg24 : memref<!tpu.dma_semaphore, #tpu.memory_space<semaphore_mem>>) src(%arg28 : memref<80xf32, #tpu.memory_space<vmem>>) dst(%dma_wait3A_184 : memref<80xf32, #tpu.memory_space<vmem_shared>>)
    %dma_start3A_185 = arith.constant 0 : i32
    %dma_start3A_186 = arith.constant 0 : i32
    %dma_start3A_187 = arith.constant 0 : i32
    %dma_start3A_188 = tpu.memref_slice %arg14[%dma_start3A_185, %dma_start3A_186, %dma_start3A_187] : memref<3x80x128xf32, #tpu.memory_space<vmem>> -> memref<1x80x128xf32, #tpu.memory_space<vmem>>
    %dma_start3A_189 = tpu.memref_squeeze %dma_start3A_188 : memref<1x80x128xf32, #tpu.memory_space<vmem>> -> memref<80x128xf32, #tpu.memory_space<vmem>>
    %dma_start3A_190 = arith.constant 240 : i32
    %dma_start3A_191 = tpu.memref_slice %arg12[%dma_start3A_190] : memref<10000xi32, #tpu.memory_space<vmem>> -> memref<80xi32, #tpu.memory_space<vmem>>
    %dma_start3A_192 = arith.constant 0 : i32
    %dma_start3A_193 = arith.constant 0 : i32
    %dma_start3A_194 = tpu.memref_slice %arg2[%dma_start3A_192, %dma_start3A_193] : memref<10000x128xf32, #tpu.memory_space<hbm>> -> memref<10000x128xf32, #tpu.memory_space<hbm>>
    tpu.enqueue_indirect_dma source(%dma_start3A_194 : memref<10000x128xf32, #tpu.memory_space<hbm>>) target(%dma_start3A_189 : memref<80x128xf32, #tpu.memory_space<vmem>>) offsets(%dma_start3A_191 : memref<80xi32, #tpu.memory_space<vmem>>) semaphore(%arg15 : memref<!tpu.dma_semaphore, #tpu.memory_space<semaphore_mem>>)
    %add3A_195 = arith.constant 240 : i32
    %add3A_196 = arith.addi %mul3A_2, %add3A_195 : i32
    %dma_start3A_197 = arith.constant 0 : i32
    %dma_start3A_198 = arith.constant 0 : i32
    %dma_start3A_199 = tpu.memref_slice %arg13[%dma_start3A_197, %dma_start3A_198] : memref<3x80xi32, #tpu.memory_space<vmem>> -> memref<1x80xi32, #tpu.memory_space<vmem>>
    %dma_start3A_200 = tpu.memref_squeeze %dma_start3A_199 : memref<1x80xi32, #tpu.memory_space<vmem>> -> memref<80xi32, #tpu.memory_space<vmem>>
    %dma_start3A_201 = tpu.memref_slice %arg4[%add3A_196] : memref<320000xi32, #tpu.memory_space<hbm>> -> memref<80xi32, #tpu.memory_space<hbm>>
    %dma_start3A_202 = arith.constant 0 : i32
    %dma_start3A_203 = tpu.memref_slice %arg13[%dma_start3A_197, %dma_start3A_202] : memref<3x80xi32, #tpu.memory_space<vmem>> -> memref<1x80xi32, #tpu.memory_space<vmem>>
    %dma_start3A_204 = tpu.memref_squeeze %dma_start3A_203 : memref<1x80xi32, #tpu.memory_space<vmem>> -> memref<80xi32, #tpu.memory_space<vmem>>
    %dma_start3A_205 = tpu.memref_slice %arg4[%add3A_196] : memref<320000xi32, #tpu.memory_space<hbm>> -> memref<80xi32, #tpu.memory_space<hbm>>
    tpu.enqueue_dma source(%dma_start3A_205 : memref<80xi32, #tpu.memory_space<hbm>>) target(%dma_start3A_204 : memref<80xi32, #tpu.memory_space<vmem>>) target_semaphore(%arg18 : memref<!tpu.dma_semaphore, #tpu.memory_space<semaphore_mem>>)
    %dma_wait3A_206 = arith.constant 2 : i32
    %dma_wait3A_207 = arith.constant 0 : i32
    %dma_wait3A_208 = arith.constant 0 : i32
    %dma_wait3A_209 = tpu.memref_slice %arg14[%dma_wait3A_206, %dma_wait3A_207, %dma_wait3A_208] : memref<3x80x128xf32, #tpu.memory_space<vmem>> -> memref<1x80x128xf32, #tpu.memory_space<vmem>>
    %dma_wait3A_210 = tpu.memref_squeeze %dma_wait3A_209 : memref<1x80x128xf32, #tpu.memory_space<vmem>> -> memref<80x128xf32, #tpu.memory_space<vmem>>
    %dma_wait3A_211 = arith.constant 0 : i32
    %dma_wait3A_212 = arith.constant 0 : i32
    %dma_wait3A_213 = tpu.memref_slice %arg2[%dma_wait3A_211, %dma_wait3A_212] : memref<10000x128xf32, #tpu.memory_space<hbm>> -> memref<80x128xf32, #tpu.memory_space<hbm>>
    %dma_wait3A_214 = arith.constant 0 : i32
    %dma_wait3A_215 = arith.constant 0 : i32
    %dma_wait3A_216 = tpu.memref_slice %arg14[%dma_wait3A_206, %dma_wait3A_214, %dma_wait3A_215] : memref<3x80x128xf32, #tpu.memory_space<vmem>> -> memref<1x80x128xf32, #tpu.memory_space<vmem>>
    %dma_wait3A_217 = tpu.memref_squeeze %dma_wait3A_216 : memref<1x80x128xf32, #tpu.memory_space<vmem>> -> memref<80x128xf32, #tpu.memory_space<vmem>>
    %dma_wait3A_218 = arith.constant 0 : i32
    %dma_wait3A_219 = arith.constant 0 : i32
    %dma_wait3A_220 = tpu.memref_slice %arg2[%dma_wait3A_218, %dma_wait3A_219] : memref<10000x128xf32, #tpu.memory_space<hbm>> -> memref<80x128xf32, #tpu.memory_space<hbm>>
    tpu.wait_dma2 semaphore(%arg17 : memref<!tpu.dma_semaphore, #tpu.memory_space<semaphore_mem>>) src(%dma_wait3A_220 : memref<80x128xf32, #tpu.memory_space<hbm>>) dst(%dma_wait3A_217 : memref<80x128xf32, #tpu.memory_space<vmem>>)
    %dma_wait3A_221 = arith.constant 2 : i32
    %dma_wait3A_222 = arith.constant 0 : i32
    %dma_wait3A_223 = tpu.memref_slice %arg13[%dma_wait3A_221, %dma_wait3A_222] : memref<3x80xi32, #tpu.memory_space<vmem>> -> memref<1x80xi32, #tpu.memory_space<vmem>>
    %dma_wait3A_224 = tpu.memref_squeeze %dma_wait3A_223 : memref<1x80xi32, #tpu.memory_space<vmem>> -> memref<80xi32, #tpu.memory_space<vmem>>
    %dma_wait3A_225 = arith.constant 0 : i32
    %dma_wait3A_226 = tpu.memref_slice %arg4[%dma_wait3A_225] : memref<320000xi32, #tpu.memory_space<hbm>> -> memref<80xi32, #tpu.memory_space<hbm>>
    %dma_wait3A_227 = arith.constant 0 : i32
    %dma_wait3A_228 = tpu.memref_slice %arg13[%dma_wait3A_221, %dma_wait3A_227] : memref<3x80xi32, #tpu.memory_space<vmem>> -> memref<1x80xi32, #tpu.memory_space<vmem>>
    %dma_wait3A_229 = tpu.memref_squeeze %dma_wait3A_228 : memref<1x80xi32, #tpu.memory_space<vmem>> -> memref<80xi32, #tpu.memory_space<vmem>>
    %dma_wait3A_230 = arith.constant 0 : i32
    %dma_wait3A_231 = tpu.memref_slice %arg4[%dma_wait3A_230] : memref<320000xi32, #tpu.memory_space<hbm>> -> memref<80xi32, #tpu.memory_space<hbm>>
    tpu.wait_dma2 semaphore(%arg20 : memref<!tpu.dma_semaphore, #tpu.memory_space<semaphore_mem>>) src(%dma_wait3A_231 : memref<80xi32, #tpu.memory_space<hbm>>) dst(%dma_wait3A_229 : memref<80xi32, #tpu.memory_space<vmem>>)
    %dma_start3A_232 = arith.constant 2 : i32
    %dma_start3A_233 = arith.constant 2 : i32
    %dma_start3A_234 = arith.constant 0 : i32
    %dma_start3A_235 = arith.constant 0 : i32
    %dma_start3A_236 = tpu.memref_slice %arg14[%dma_start3A_232, %dma_start3A_234, %dma_start3A_235] : memref<3x80x128xf32, #tpu.memory_space<vmem>> -> memref<1x80x128xf32, #tpu.memory_space<vmem>>
    %dma_start3A_237 = tpu.memref_squeeze %dma_start3A_236 : memref<1x80x128xf32, #tpu.memory_space<vmem>> -> memref<80x128xf32, #tpu.memory_space<vmem>>
    %dma_start3A_238 = arith.constant 0 : i32
    %dma_start3A_239 = tpu.memref_slice %arg13[%dma_start3A_233, %dma_start3A_238] : memref<3x80xi32, #tpu.memory_space<vmem>> -> memref<1x80xi32, #tpu.memory_space<vmem>>
    %dma_start3A_240 = tpu.memref_squeeze %dma_start3A_239 : memref<1x80xi32, #tpu.memory_space<vmem>> -> memref<80xi32, #tpu.memory_space<vmem>>
    %dma_start3A_241 = arith.constant 0 : i32
    %dma_start3A_242 = arith.constant 0 : i32
    %dma_start3A_243 = tpu.memref_slice %arg11[%dma_start3A_241, %dma_start3A_242] : memref<10000x128xf32, #tpu.memory_space<vmem_shared>> -> memref<10000x128xf32, #tpu.memory_space<vmem_shared>>
    tpu.enqueue_indirect_dma source(%dma_start3A_237 : memref<80x128xf32, #tpu.memory_space<vmem>>) target(%dma_start3A_243 : memref<10000x128xf32, #tpu.memory_space<vmem_shared>>) offsets(%dma_start3A_240 : memref<80xi32, #tpu.memory_space<vmem>>) semaphore(%arg23 : memref<!tpu.dma_semaphore, #tpu.memory_space<semaphore_mem>>) {add = true}
    %dma_start3A_244 = arith.constant 2 : i32
    %dma_start3A_245 = arith.constant 0 : i32
    %dma_start3A_246 = tpu.memref_slice %arg13[%dma_start3A_244, %dma_start3A_245] : memref<3x80xi32, #tpu.memory_space<vmem>> -> memref<1x80xi32, #tpu.memory_space<vmem>>
    %dma_start3A_247 = tpu.memref_squeeze %dma_start3A_246 : memref<1x80xi32, #tpu.memory_space<vmem>> -> memref<80xi32, #tpu.memory_space<vmem>>
    %dma_start3A_248 = arith.constant 0 : i32
    %dma_start3A_249 = tpu.memref_slice %arg27[%dma_start3A_248] : memref<10000xf32, #tpu.memory_space<vmem_shared>> -> memref<10000xf32, #tpu.memory_space<vmem_shared>>
    tpu.enqueue_indirect_dma source(%arg28 : memref<80xf32, #tpu.memory_space<vmem>>) target(%dma_start3A_249 : memref<10000xf32, #tpu.memory_space<vmem_shared>>) offsets(%dma_start3A_247 : memref<80xi32, #tpu.memory_space<vmem>>) semaphore(%arg26 : memref<!tpu.dma_semaphore, #tpu.memory_space<semaphore_mem>>) {add = true}
    %dma_wait3A_250 = arith.constant 1 : i32
    %dma_wait3A_251 = arith.constant 0 : i32
    %dma_wait3A_252 = arith.constant 0 : i32
    %dma_wait3A_253 = tpu.memref_slice %arg14[%dma_wait3A_250, %dma_wait3A_251, %dma_wait3A_252] : memref<3x80x128xf32, #tpu.memory_space<vmem>> -> memref<1x80x128xf32, #tpu.memory_space<vmem>>
    %dma_wait3A_254 = tpu.memref_squeeze %dma_wait3A_253 : memref<1x80x128xf32, #tpu.memory_space<vmem>> -> memref<80x128xf32, #tpu.memory_space<vmem>>
    %dma_wait3A_255 = arith.constant 0 : i32
    %dma_wait3A_256 = arith.constant 0 : i32
    %dma_wait3A_257 = tpu.memref_slice %arg11[%dma_wait3A_255, %dma_wait3A_256] : memref<10000x128xf32, #tpu.memory_space<vmem_shared>> -> memref<80x128xf32, #tpu.memory_space<vmem_shared>>
    %dma_wait3A_258 = arith.constant 0 : i32
    %dma_wait3A_259 = arith.constant 0 : i32
    %dma_wait3A_260 = tpu.memref_slice %arg11[%dma_wait3A_258, %dma_wait3A_259] : memref<10000x128xf32, #tpu.memory_space<vmem_shared>> -> memref<80x128xf32, #tpu.memory_space<vmem_shared>>
    %dma_wait3A_261 = arith.constant 0 : i32
    %dma_wait3A_262 = arith.constant 0 : i32
    %dma_wait3A_263 = tpu.memref_slice %arg14[%dma_wait3A_250, %dma_wait3A_261, %dma_wait3A_262] : memref<3x80x128xf32, #tpu.memory_space<vmem>> -> memref<1x80x128xf32, #tpu.memory_space<vmem>>
    %dma_wait3A_264 = tpu.memref_squeeze %dma_wait3A_263 : memref<1x80x128xf32, #tpu.memory_space<vmem>> -> memref<80x128xf32, #tpu.memory_space<vmem>>
    tpu.wait_dma2 semaphore(%arg22 : memref<!tpu.dma_semaphore, #tpu.memory_space<semaphore_mem>>) src(%dma_wait3A_264 : memref<80x128xf32, #tpu.memory_space<vmem>>) dst(%dma_wait3A_260 : memref<80x128xf32, #tpu.memory_space<vmem_shared>>)
    %dma_wait3A_265 = arith.constant 0 : i32
    %dma_wait3A_266 = tpu.memref_slice %arg27[%dma_wait3A_265] : memref<10000xf32, #tpu.memory_space<vmem_shared>> -> memref<80xf32, #tpu.memory_space<vmem_shared>>
    %dma_wait3A_267 = arith.constant 0 : i32
    %dma_wait3A_268 = tpu.memref_slice %arg27[%dma_wait3A_267] : memref<10000xf32, #tpu.memory_space<vmem_shared>> -> memref<80xf32, #tpu.memory_space<vmem_shared>>
    tpu.wait_dma2 semaphore(%arg25 : memref<!tpu.dma_semaphore, #tpu.memory_space<semaphore_mem>>) src(%arg28 : memref<80xf32, #tpu.memory_space<vmem>>) dst(%dma_wait3A_268 : memref<80xf32, #tpu.memory_space<vmem_shared>>)
    %dma_start3A_269 = arith.constant 1 : i32
    %dma_start3A_270 = arith.constant 0 : i32
    %dma_start3A_271 = arith.constant 0 : i32
    %dma_start3A_272 = tpu.memref_slice %arg14[%dma_start3A_269, %dma_start3A_270, %dma_start3A_271] : memref<3x80x128xf32, #tpu.memory_space<vmem>> -> memref<1x80x128xf32, #tpu.memory_space<vmem>>
    %dma_start3A_273 = tpu.memref_squeeze %dma_start3A_272 : memref<1x80x128xf32, #tpu.memory_space<vmem>> -> memref<80x128xf32, #tpu.memory_space<vmem>>
    %dma_start3A_274 = arith.constant 320 : i32
    %dma_start3A_275 = tpu.memref_slice %arg12[%dma_start3A_274] : memref<10000xi32, #tpu.memory_space<vmem>> -> memref<80xi32, #tpu.memory_space<vmem>>
    %dma_start3A_276 = arith.constant 0 : i32
    %dma_start3A_277 = arith.constant 0 : i32
    %dma_start3A_278 = tpu.memref_slice %arg2[%dma_start3A_276, %dma_start3A_277] : memref<10000x128xf32, #tpu.memory_space<hbm>> -> memref<10000x128xf32, #tpu.memory_space<hbm>>
    tpu.enqueue_indirect_dma source(%dma_start3A_278 : memref<10000x128xf32, #tpu.memory_space<hbm>>) target(%dma_start3A_273 : memref<80x128xf32, #tpu.memory_space<vmem>>) offsets(%dma_start3A_275 : memref<80xi32, #tpu.memory_space<vmem>>) semaphore(%arg16 : memref<!tpu.dma_semaphore, #tpu.memory_space<semaphore_mem>>)
    %add3A_279 = arith.constant 320 : i32
    %add3A_280 = arith.addi %mul3A_2, %add3A_279 : i32
    %dma_start3A_281 = arith.constant 1 : i32
    %dma_start3A_282 = arith.constant 0 : i32
    %dma_start3A_283 = tpu.memref_slice %arg13[%dma_start3A_281, %dma_start3A_282] : memref<3x80xi32, #tpu.memory_space<vmem>> -> memref<1x80xi32, #tpu.memory_space<vmem>>
    %dma_start3A_284 = tpu.memref_squeeze %dma_start3A_283 : memref<1x80xi32, #tpu.memory_space<vmem>> -> memref<80xi32, #tpu.memory_space<vmem>>
    %dma_start3A_285 = tpu.memref_slice %arg4[%add3A_280] : memref<320000xi32, #tpu.memory_space<hbm>> -> memref<80xi32, #tpu.memory_space<hbm>>
    %dma_start3A_286 = arith.constant 0 : i32
    %dma_start3A_287 = tpu.memref_slice %arg13[%dma_start3A_281, %dma_start3A_286] : memref<3x80xi32, #tpu.memory_space<vmem>> -> memref<1x80xi32, #tpu.memory_space<vmem>>
    %dma_start3A_288 = tpu.memref_squeeze %dma_start3A_287 : memref<1x80xi32, #tpu.memory_space<vmem>> -> memref<80xi32, #tpu.memory_space<vmem>>
    %dma_start3A_289 = tpu.memref_slice %arg4[%add3A_280] : memref<320000xi32, #tpu.memory_space<hbm>> -> memref<80xi32, #tpu.memory_space<hbm>>
    tpu.enqueue_dma source(%dma_start3A_289 : memref<80xi32, #tpu.memory_space<hbm>>) target(%dma_start3A_288 : memref<80xi32, #tpu.memory_space<vmem>>) target_semaphore(%arg19 : memref<!tpu.dma_semaphore, #tpu.memory_space<semaphore_mem>>)
    %scan3A = arith.constant 0 : i32
    %scan3A_290 = arith.constant 0 : i32
    %scan3A_291 = arith.constant 40 : i32
    %scan3A_292 = arith.addi %scan3A_290, %scan3A_291 : i32
    %scan3A_293 = arith.constant 1 : i32
    scf.for %scan3A_476 = %scan3A_290 to %scan3A_292 step %scan3A_293  : i32 {
      %mul3A_477 = arith.constant 3 : i32
      %mul3A_478 = arith.muli %scan3A_476, %mul3A_477 : i32
      %add3A_479 = arith.constant 3 : i32
      %add3A_480 = arith.addi %add3A_479, %mul3A_478 : i32
      %add3A_481 = arith.constant 0 : i32
      %add3A_482 = arith.addi %add3A_480, %add3A_481 : i32
      %dma_wait3A_483 = arith.constant 0 : i32
      %dma_wait3A_484 = arith.constant 0 : i32
      %dma_wait3A_485 = arith.constant 0 : i32
      %dma_wait3A_486 = tpu.memref_slice %arg14[%dma_wait3A_483, %dma_wait3A_484, %dma_wait3A_485] : memref<3x80x128xf32, #tpu.memory_space<vmem>> -> memref<1x80x128xf32, #tpu.memory_space<vmem>>
      %dma_wait3A_487 = tpu.memref_squeeze %dma_wait3A_486 : memref<1x80x128xf32, #tpu.memory_space<vmem>> -> memref<80x128xf32, #tpu.memory_space<vmem>>
      %dma_wait3A_488 = arith.constant 0 : i32
      %dma_wait3A_489 = arith.constant 0 : i32
      %dma_wait3A_490 = tpu.memref_slice %arg2[%dma_wait3A_488, %dma_wait3A_489] : memref<10000x128xf32, #tpu.memory_space<hbm>> -> memref<80x128xf32, #tpu.memory_space<hbm>>
      %dma_wait3A_491 = arith.constant 0 : i32
      %dma_wait3A_492 = arith.constant 0 : i32
      %dma_wait3A_493 = tpu.memref_slice %arg14[%dma_wait3A_483, %dma_wait3A_491, %dma_wait3A_492] : memref<3x80x128xf32, #tpu.memory_space<vmem>> -> memref<1x80x128xf32, #tpu.memory_space<vmem>>
      %dma_wait3A_494 = tpu.memref_squeeze %dma_wait3A_493 : memref<1x80x128xf32, #tpu.memory_space<vmem>> -> memref<80x128xf32, #tpu.memory_space<vmem>>
      %dma_wait3A_495 = arith.constant 0 : i32
      %dma_wait3A_496 = arith.constant 0 : i32
      %dma_wait3A_497 = tpu.memref_slice %arg2[%dma_wait3A_495, %dma_wait3A_496] : memref<10000x128xf32, #tpu.memory_space<hbm>> -> memref<80x128xf32, #tpu.memory_space<hbm>>
      tpu.wait_dma2 semaphore(%arg15 : memref<!tpu.dma_semaphore, #tpu.memory_space<semaphore_mem>>) src(%dma_wait3A_497 : memref<80x128xf32, #tpu.memory_space<hbm>>) dst(%dma_wait3A_494 : memref<80x128xf32, #tpu.memory_space<vmem>>)
      %dma_wait3A_498 = arith.constant 0 : i32
      %dma_wait3A_499 = arith.constant 0 : i32
      %dma_wait3A_500 = tpu.memref_slice %arg13[%dma_wait3A_498, %dma_wait3A_499] : memref<3x80xi32, #tpu.memory_space<vmem>> -> memref<1x80xi32, #tpu.memory_space<vmem>>
      %dma_wait3A_501 = tpu.memref_squeeze %dma_wait3A_500 : memref<1x80xi32, #tpu.memory_space<vmem>> -> memref<80xi32, #tpu.memory_space<vmem>>
      %dma_wait3A_502 = arith.constant 0 : i32
      %dma_wait3A_503 = tpu.memref_slice %arg4[%dma_wait3A_502] : memref<320000xi32, #tpu.memory_space<hbm>> -> memref<80xi32, #tpu.memory_space<hbm>>
      %dma_wait3A_504 = arith.constant 0 : i32
      %dma_wait3A_505 = tpu.memref_slice %arg13[%dma_wait3A_498, %dma_wait3A_504] : memref<3x80xi32, #tpu.memory_space<vmem>> -> memref<1x80xi32, #tpu.memory_space<vmem>>
      %dma_wait3A_506 = tpu.memref_squeeze %dma_wait3A_505 : memref<1x80xi32, #tpu.memory_space<vmem>> -> memref<80xi32, #tpu.memory_space<vmem>>
      %dma_wait3A_507 = arith.constant 0 : i32
      %dma_wait3A_508 = tpu.memref_slice %arg4[%dma_wait3A_507] : memref<320000xi32, #tpu.memory_space<hbm>> -> memref<80xi32, #tpu.memory_space<hbm>>
      tpu.wait_dma2 semaphore(%arg18 : memref<!tpu.dma_semaphore, #tpu.memory_space<semaphore_mem>>) src(%dma_wait3A_508 : memref<80xi32, #tpu.memory_space<hbm>>) dst(%dma_wait3A_506 : memref<80xi32, #tpu.memory_space<vmem>>)
      %dma_start3A_509 = arith.constant 0 : i32
      %dma_start3A_510 = arith.constant 0 : i32
      %dma_start3A_511 = arith.constant 0 : i32
      %dma_start3A_512 = arith.constant 0 : i32
      %dma_start3A_513 = tpu.memref_slice %arg14[%dma_start3A_509, %dma_start3A_511, %dma_start3A_512] : memref<3x80x128xf32, #tpu.memory_space<vmem>> -> memref<1x80x128xf32, #tpu.memory_space<vmem>>
      %dma_start3A_514 = tpu.memref_squeeze %dma_start3A_513 : memref<1x80x128xf32, #tpu.memory_space<vmem>> -> memref<80x128xf32, #tpu.memory_space<vmem>>
      %dma_start3A_515 = arith.constant 0 : i32
      %dma_start3A_516 = tpu.memref_slice %arg13[%dma_start3A_510, %dma_start3A_515] : memref<3x80xi32, #tpu.memory_space<vmem>> -> memref<1x80xi32, #tpu.memory_space<vmem>>
      %dma_start3A_517 = tpu.memref_squeeze %dma_start3A_516 : memref<1x80xi32, #tpu.memory_space<vmem>> -> memref<80xi32, #tpu.memory_space<vmem>>
      %dma_start3A_518 = arith.constant 0 : i32
      %dma_start3A_519 = arith.constant 0 : i32
      %dma_start3A_520 = tpu.memref_slice %arg11[%dma_start3A_518, %dma_start3A_519] : memref<10000x128xf32, #tpu.memory_space<vmem_shared>> -> memref<10000x128xf32, #tpu.memory_space<vmem_shared>>
      tpu.enqueue_indirect_dma source(%dma_start3A_514 : memref<80x128xf32, #tpu.memory_space<vmem>>) target(%dma_start3A_520 : memref<10000x128xf32, #tpu.memory_space<vmem_shared>>) offsets(%dma_start3A_517 : memref<80xi32, #tpu.memory_space<vmem>>) semaphore(%arg21 : memref<!tpu.dma_semaphore, #tpu.memory_space<semaphore_mem>>) {add = true}
      %dma_start3A_521 = arith.constant 0 : i32
      %dma_start3A_522 = arith.constant 0 : i32
      %dma_start3A_523 = tpu.memref_slice %arg13[%dma_start3A_521, %dma_start3A_522] : memref<3x80xi32, #tpu.memory_space<vmem>> -> memref<1x80xi32, #tpu.memory_space<vmem>>
      %dma_start3A_524 = tpu.memref_squeeze %dma_start3A_523 : memref<1x80xi32, #tpu.memory_space<vmem>> -> memref<80xi32, #tpu.memory_space<vmem>>
      %dma_start3A_525 = arith.constant 0 : i32
      %dma_start3A_526 = tpu.memref_slice %arg27[%dma_start3A_525] : memref<10000xf32, #tpu.memory_space<vmem_shared>> -> memref<10000xf32, #tpu.memory_space<vmem_shared>>
      tpu.enqueue_indirect_dma source(%arg28 : memref<80xf32, #tpu.memory_space<vmem>>) target(%dma_start3A_526 : memref<10000xf32, #tpu.memory_space<vmem_shared>>) offsets(%dma_start3A_524 : memref<80xi32, #tpu.memory_space<vmem>>) semaphore(%arg24 : memref<!tpu.dma_semaphore, #tpu.memory_space<semaphore_mem>>) {add = true}
      %dma_wait3A_527 = arith.constant 2 : i32
      %dma_wait3A_528 = arith.constant 0 : i32
      %dma_wait3A_529 = arith.constant 0 : i32
      %dma_wait3A_530 = tpu.memref_slice %arg14[%dma_wait3A_527, %dma_wait3A_528, %dma_wait3A_529] : memref<3x80x128xf32, #tpu.memory_space<vmem>> -> memref<1x80x128xf32, #tpu.memory_space<vmem>>
      %dma_wait3A_531 = tpu.memref_squeeze %dma_wait3A_530 : memref<1x80x128xf32, #tpu.memory_space<vmem>> -> memref<80x128xf32, #tpu.memory_space<vmem>>
      %dma_wait3A_532 = arith.constant 0 : i32
      %dma_wait3A_533 = arith.constant 0 : i32
      %dma_wait3A_534 = tpu.memref_slice %arg11[%dma_wait3A_532, %dma_wait3A_533] : memref<10000x128xf32, #tpu.memory_space<vmem_shared>> -> memref<80x128xf32, #tpu.memory_space<vmem_shared>>
      %dma_wait3A_535 = arith.constant 0 : i32
      %dma_wait3A_536 = arith.constant 0 : i32
      %dma_wait3A_537 = tpu.memref_slice %arg11[%dma_wait3A_535, %dma_wait3A_536] : memref<10000x128xf32, #tpu.memory_space<vmem_shared>> -> memref<80x128xf32, #tpu.memory_space<vmem_shared>>
      %dma_wait3A_538 = arith.constant 0 : i32
      %dma_wait3A_539 = arith.constant 0 : i32
      %dma_wait3A_540 = tpu.memref_slice %arg14[%dma_wait3A_527, %dma_wait3A_538, %dma_wait3A_539] : memref<3x80x128xf32, #tpu.memory_space<vmem>> -> memref<1x80x128xf32, #tpu.memory_space<vmem>>
      %dma_wait3A_541 = tpu.memref_squeeze %dma_wait3A_540 : memref<1x80x128xf32, #tpu.memory_space<vmem>> -> memref<80x128xf32, #tpu.memory_space<vmem>>
      tpu.wait_dma2 semaphore(%arg23 : memref<!tpu.dma_semaphore, #tpu.memory_space<semaphore_mem>>) src(%dma_wait3A_541 : memref<80x128xf32, #tpu.memory_space<vmem>>) dst(%dma_wait3A_537 : memref<80x128xf32, #tpu.memory_space<vmem_shared>>)
      %dma_wait3A_542 = arith.constant 0 : i32
      %dma_wait3A_543 = tpu.memref_slice %arg27[%dma_wait3A_542] : memref<10000xf32, #tpu.memory_space<vmem_shared>> -> memref<80xf32, #tpu.memory_space<vmem_shared>>
      %dma_wait3A_544 = arith.constant 0 : i32
      %dma_wait3A_545 = tpu.memref_slice %arg27[%dma_wait3A_544] : memref<10000xf32, #tpu.memory_space<vmem_shared>> -> memref<80xf32, #tpu.memory_space<vmem_shared>>
      tpu.wait_dma2 semaphore(%arg26 : memref<!tpu.dma_semaphore, #tpu.memory_space<semaphore_mem>>) src(%arg28 : memref<80xf32, #tpu.memory_space<vmem>>) dst(%dma_wait3A_545 : memref<80xf32, #tpu.memory_space<vmem_shared>>)
      %add3A_546 = arith.constant 2 : i32
      %add3A_547 = arith.addi %add3A_482, %add3A_546 : i32
      %lt3A_548 = arith.constant 125 : i32
      %lt3A_549 = arith.cmpi slt, %add3A_547, %lt3A_548 : i32
      %convert_element_type3A_550 = arith.extui %lt3A_549 : i1 to i32
      %cond3A_551 = arith.constant 0 : i32
      %cond3A_552 = arith.cmpi ne, %convert_element_type3A_550, %cond3A_551 : i32
      scf.if %cond3A_552 {
        %add3A_705 = arith.constant 2 : i32
        %add3A_706 = arith.addi %add3A_482, %add3A_705 : i32
        %mul3A_707 = arith.constant 80 : i32
        %mul3A_708 = arith.muli %add3A_706, %mul3A_707 : i32
        %dma_start3A_709 = arith.constant 2 : i32
        %dma_start3A_710 = arith.constant 0 : i32
        %dma_start3A_711 = arith.constant 0 : i32
        %dma_start3A_712 = tpu.memref_slice %arg14[%dma_start3A_709, %dma_start3A_710, %dma_start3A_711] : memref<3x80x128xf32, #tpu.memory_space<vmem>> -> memref<1x80x128xf32, #tpu.memory_space<vmem>>
        %dma_start3A_713 = tpu.memref_squeeze %dma_start3A_712 : memref<1x80x128xf32, #tpu.memory_space<vmem>> -> memref<80x128xf32, #tpu.memory_space<vmem>>
        %dma_start3A_714 = tpu.memref_slice %arg12[%mul3A_708] : memref<10000xi32, #tpu.memory_space<vmem>> -> memref<80xi32, #tpu.memory_space<vmem>>
        %dma_start3A_715 = arith.constant 0 : i32
        %dma_start3A_716 = arith.constant 0 : i32
        %dma_start3A_717 = tpu.memref_slice %arg2[%dma_start3A_715, %dma_start3A_716] : memref<10000x128xf32, #tpu.memory_space<hbm>> -> memref<10000x128xf32, #tpu.memory_space<hbm>>
        tpu.enqueue_indirect_dma source(%dma_start3A_717 : memref<10000x128xf32, #tpu.memory_space<hbm>>) target(%dma_start3A_713 : memref<80x128xf32, #tpu.memory_space<vmem>>) offsets(%dma_start3A_714 : memref<80xi32, #tpu.memory_space<vmem>>) semaphore(%arg17 : memref<!tpu.dma_semaphore, #tpu.memory_space<semaphore_mem>>)
        %mul3A_718 = arith.constant 80 : i32
        %mul3A_719 = arith.muli %add3A_706, %mul3A_718 : i32
        %add3A_720 = arith.addi %mul3A_2, %mul3A_719 : i32
        %dma_start3A_721 = arith.constant 2 : i32
        %dma_start3A_722 = arith.constant 0 : i32
        %dma_start3A_723 = tpu.memref_slice %arg13[%dma_start3A_721, %dma_start3A_722] : memref<3x80xi32, #tpu.memory_space<vmem>> -> memref<1x80xi32, #tpu.memory_space<vmem>>
        %dma_start3A_724 = tpu.memref_squeeze %dma_start3A_723 : memref<1x80xi32, #tpu.memory_space<vmem>> -> memref<80xi32, #tpu.memory_space<vmem>>
        %dma_start3A_725 = tpu.memref_slice %arg4[%add3A_720] : memref<320000xi32, #tpu.memory_space<hbm>> -> memref<80xi32, #tpu.memory_space<hbm>>
        %dma_start3A_726 = arith.constant 0 : i32
        %dma_start3A_727 = tpu.memref_slice %arg13[%dma_start3A_721, %dma_start3A_726] : memref<3x80xi32, #tpu.memory_space<vmem>> -> memref<1x80xi32, #tpu.memory_space<vmem>>
        %dma_start3A_728 = tpu.memref_squeeze %dma_start3A_727 : memref<1x80xi32, #tpu.memory_space<vmem>> -> memref<80xi32, #tpu.memory_space<vmem>>
        %dma_start3A_729 = tpu.memref_slice %arg4[%add3A_720] : memref<320000xi32, #tpu.memory_space<hbm>> -> memref<80xi32, #tpu.memory_space<hbm>>
        tpu.enqueue_dma source(%dma_start3A_729 : memref<80xi32, #tpu.memory_space<hbm>>) target(%dma_start3A_728 : memref<80xi32, #tpu.memory_space<vmem>>) target_semaphore(%arg20 : memref<!tpu.dma_semaphore, #tpu.memory_space<semaphore_mem>>)
      } else {
      }
      %mul3A_553 = arith.constant 3 : i32
      %mul3A_554 = arith.muli %scan3A_476, %mul3A_553 : i32
      %add3A_555 = arith.constant 3 : i32
      %add3A_556 = arith.addi %add3A_555, %mul3A_554 : i32
      %add3A_557 = arith.constant 1 : i32
      %add3A_558 = arith.addi %add3A_556, %add3A_557 : i32
      %dma_wait3A_559 = arith.constant 1 : i32
      %dma_wait3A_560 = arith.constant 0 : i32
      %dma_wait3A_561 = arith.constant 0 : i32
      %dma_wait3A_562 = tpu.memref_slice %arg14[%dma_wait3A_559, %dma_wait3A_560, %dma_wait3A_561] : memref<3x80x128xf32, #tpu.memory_space<vmem>> -> memref<1x80x128xf32, #tpu.memory_space<vmem>>
      %dma_wait3A_563 = tpu.memref_squeeze %dma_wait3A_562 : memref<1x80x128xf32, #tpu.memory_space<vmem>> -> memref<80x128xf32, #tpu.memory_space<vmem>>
      %dma_wait3A_564 = arith.constant 0 : i32
      %dma_wait3A_565 = arith.constant 0 : i32
      %dma_wait3A_566 = tpu.memref_slice %arg2[%dma_wait3A_564, %dma_wait3A_565] : memref<10000x128xf32, #tpu.memory_space<hbm>> -> memref<80x128xf32, #tpu.memory_space<hbm>>
      %dma_wait3A_567 = arith.constant 0 : i32
      %dma_wait3A_568 = arith.constant 0 : i32
      %dma_wait3A_569 = tpu.memref_slice %arg14[%dma_wait3A_559, %dma_wait3A_567, %dma_wait3A_568] : memref<3x80x128xf32, #tpu.memory_space<vmem>> -> memref<1x80x128xf32, #tpu.memory_space<vmem>>
      %dma_wait3A_570 = tpu.memref_squeeze %dma_wait3A_569 : memref<1x80x128xf32, #tpu.memory_space<vmem>> -> memref<80x128xf32, #tpu.memory_space<vmem>>
      %dma_wait3A_571 = arith.constant 0 : i32
      %dma_wait3A_572 = arith.constant 0 : i32
      %dma_wait3A_573 = tpu.memref_slice %arg2[%dma_wait3A_571, %dma_wait3A_572] : memref<10000x128xf32, #tpu.memory_space<hbm>> -> memref<80x128xf32, #tpu.memory_space<hbm>>
      tpu.wait_dma2 semaphore(%arg16 : memref<!tpu.dma_semaphore, #tpu.memory_space<semaphore_mem>>) src(%dma_wait3A_573 : memref<80x128xf32, #tpu.memory_space<hbm>>) dst(%dma_wait3A_570 : memref<80x128xf32, #tpu.memory_space<vmem>>)
      %dma_wait3A_574 = arith.constant 1 : i32
      %dma_wait3A_575 = arith.constant 0 : i32
      %dma_wait3A_576 = tpu.memref_slice %arg13[%dma_wait3A_574, %dma_wait3A_575] : memref<3x80xi32, #tpu.memory_space<vmem>> -> memref<1x80xi32, #tpu.memory_space<vmem>>
      %dma_wait3A_577 = tpu.memref_squeeze %dma_wait3A_576 : memref<1x80xi32, #tpu.memory_space<vmem>> -> memref<80xi32, #tpu.memory_space<vmem>>
      %dma_wait3A_578 = arith.constant 0 : i32
      %dma_wait3A_579 = tpu.memref_slice %arg4[%dma_wait3A_578] : memref<320000xi32, #tpu.memory_space<hbm>> -> memref<80xi32, #tpu.memory_space<hbm>>
      %dma_wait3A_580 = arith.constant 0 : i32
      %dma_wait3A_581 = tpu.memref_slice %arg13[%dma_wait3A_574, %dma_wait3A_580] : memref<3x80xi32, #tpu.memory_space<vmem>> -> memref<1x80xi32, #tpu.memory_space<vmem>>
      %dma_wait3A_582 = tpu.memref_squeeze %dma_wait3A_581 : memref<1x80xi32, #tpu.memory_space<vmem>> -> memref<80xi32, #tpu.memory_space<vmem>>
      %dma_wait3A_583 = arith.constant 0 : i32
      %dma_wait3A_584 = tpu.memref_slice %arg4[%dma_wait3A_583] : memref<320000xi32, #tpu.memory_space<hbm>> -> memref<80xi32, #tpu.memory_space<hbm>>
      tpu.wait_dma2 semaphore(%arg19 : memref<!tpu.dma_semaphore, #tpu.memory_space<semaphore_mem>>) src(%dma_wait3A_584 : memref<80xi32, #tpu.memory_space<hbm>>) dst(%dma_wait3A_582 : memref<80xi32, #tpu.memory_space<vmem>>)
      %dma_start3A_585 = arith.constant 1 : i32
      %dma_start3A_586 = arith.constant 1 : i32
      %dma_start3A_587 = arith.constant 0 : i32
      %dma_start3A_588 = arith.constant 0 : i32
      %dma_start3A_589 = tpu.memref_slice %arg14[%dma_start3A_585, %dma_start3A_587, %dma_start3A_588] : memref<3x80x128xf32, #tpu.memory_space<vmem>> -> memref<1x80x128xf32, #tpu.memory_space<vmem>>
      %dma_start3A_590 = tpu.memref_squeeze %dma_start3A_589 : memref<1x80x128xf32, #tpu.memory_space<vmem>> -> memref<80x128xf32, #tpu.memory_space<vmem>>
      %dma_start3A_591 = arith.constant 0 : i32
      %dma_start3A_592 = tpu.memref_slice %arg13[%dma_start3A_586, %dma_start3A_591] : memref<3x80xi32, #tpu.memory_space<vmem>> -> memref<1x80xi32, #tpu.memory_space<vmem>>
      %dma_start3A_593 = tpu.memref_squeeze %dma_start3A_592 : memref<1x80xi32, #tpu.memory_space<vmem>> -> memref<80xi32, #tpu.memory_space<vmem>>
      %dma_start3A_594 = arith.constant 0 : i32
      %dma_start3A_595 = arith.constant 0 : i32
      %dma_start3A_596 = tpu.memref_slice %arg11[%dma_start3A_594, %dma_start3A_595] : memref<10000x128xf32, #tpu.memory_space<vmem_shared>> -> memref<10000x128xf32, #tpu.memory_space<vmem_shared>>
      tpu.enqueue_indirect_dma source(%dma_start3A_590 : memref<80x128xf32, #tpu.memory_space<vmem>>) target(%dma_start3A_596 : memref<10000x128xf32, #tpu.memory_space<vmem_shared>>) offsets(%dma_start3A_593 : memref<80xi32, #tpu.memory_space<vmem>>) semaphore(%arg22 : memref<!tpu.dma_semaphore, #tpu.memory_space<semaphore_mem>>) {add = true}
      %dma_start3A_597 = arith.constant 1 : i32
      %dma_start3A_598 = arith.constant 0 : i32
      %dma_start3A_599 = tpu.memref_slice %arg13[%dma_start3A_597, %dma_start3A_598] : memref<3x80xi32, #tpu.memory_space<vmem>> -> memref<1x80xi32, #tpu.memory_space<vmem>>
      %dma_start3A_600 = tpu.memref_squeeze %dma_start3A_599 : memref<1x80xi32, #tpu.memory_space<vmem>> -> memref<80xi32, #tpu.memory_space<vmem>>
      %dma_start3A_601 = arith.constant 0 : i32
      %dma_start3A_602 = tpu.memref_slice %arg27[%dma_start3A_601] : memref<10000xf32, #tpu.memory_space<vmem_shared>> -> memref<10000xf32, #tpu.memory_space<vmem_shared>>
      tpu.enqueue_indirect_dma source(%arg28 : memref<80xf32, #tpu.memory_space<vmem>>) target(%dma_start3A_602 : memref<10000xf32, #tpu.memory_space<vmem_shared>>) offsets(%dma_start3A_600 : memref<80xi32, #tpu.memory_space<vmem>>) semaphore(%arg25 : memref<!tpu.dma_semaphore, #tpu.memory_space<semaphore_mem>>) {add = true}
      %dma_wait3A_603 = arith.constant 0 : i32
      %dma_wait3A_604 = arith.constant 0 : i32
      %dma_wait3A_605 = arith.constant 0 : i32
      %dma_wait3A_606 = tpu.memref_slice %arg14[%dma_wait3A_603, %dma_wait3A_604, %dma_wait3A_605] : memref<3x80x128xf32, #tpu.memory_space<vmem>> -> memref<1x80x128xf32, #tpu.memory_space<vmem>>
      %dma_wait3A_607 = tpu.memref_squeeze %dma_wait3A_606 : memref<1x80x128xf32, #tpu.memory_space<vmem>> -> memref<80x128xf32, #tpu.memory_space<vmem>>
      %dma_wait3A_608 = arith.constant 0 : i32
      %dma_wait3A_609 = arith.constant 0 : i32
      %dma_wait3A_610 = tpu.memref_slice %arg11[%dma_wait3A_608, %dma_wait3A_609] : memref<10000x128xf32, #tpu.memory_space<vmem_shared>> -> memref<80x128xf32, #tpu.memory_space<vmem_shared>>
      %dma_wait3A_611 = arith.constant 0 : i32
      %dma_wait3A_612 = arith.constant 0 : i32
      %dma_wait3A_613 = tpu.memref_slice %arg11[%dma_wait3A_611, %dma_wait3A_612] : memref<10000x128xf32, #tpu.memory_space<vmem_shared>> -> memref<80x128xf32, #tpu.memory_space<vmem_shared>>
      %dma_wait3A_614 = arith.constant 0 : i32
      %dma_wait3A_615 = arith.constant 0 : i32
      %dma_wait3A_616 = tpu.memref_slice %arg14[%dma_wait3A_603, %dma_wait3A_614, %dma_wait3A_615] : memref<3x80x128xf32, #tpu.memory_space<vmem>> -> memref<1x80x128xf32, #tpu.memory_space<vmem>>
      %dma_wait3A_617 = tpu.memref_squeeze %dma_wait3A_616 : memref<1x80x128xf32, #tpu.memory_space<vmem>> -> memref<80x128xf32, #tpu.memory_space<vmem>>
      tpu.wait_dma2 semaphore(%arg21 : memref<!tpu.dma_semaphore, #tpu.memory_space<semaphore_mem>>) src(%dma_wait3A_617 : memref<80x128xf32, #tpu.memory_space<vmem>>) dst(%dma_wait3A_613 : memref<80x128xf32, #tpu.memory_space<vmem_shared>>)
      %dma_wait3A_618 = arith.constant 0 : i32
      %dma_wait3A_619 = tpu.memref_slice %arg27[%dma_wait3A_618] : memref<10000xf32, #tpu.memory_space<vmem_shared>> -> memref<80xf32, #tpu.memory_space<vmem_shared>>
      %dma_wait3A_620 = arith.constant 0 : i32
      %dma_wait3A_621 = tpu.memref_slice %arg27[%dma_wait3A_620] : memref<10000xf32, #tpu.memory_space<vmem_shared>> -> memref<80xf32, #tpu.memory_space<vmem_shared>>
      tpu.wait_dma2 semaphore(%arg24 : memref<!tpu.dma_semaphore, #tpu.memory_space<semaphore_mem>>) src(%arg28 : memref<80xf32, #tpu.memory_space<vmem>>) dst(%dma_wait3A_621 : memref<80xf32, #tpu.memory_space<vmem_shared>>)
      %add3A_622 = arith.constant 2 : i32
      %add3A_623 = arith.addi %add3A_558, %add3A_622 : i32
      %lt3A_624 = arith.constant 125 : i32
      %lt3A_625 = arith.cmpi slt, %add3A_623, %lt3A_624 : i32
      %convert_element_type3A_626 = arith.extui %lt3A_625 : i1 to i32
      %cond3A_627 = arith.constant 0 : i32
      %cond3A_628 = arith.cmpi ne, %convert_element_type3A_626, %cond3A_627 : i32
      scf.if %cond3A_628 {
        %add3A_705 = arith.constant 2 : i32
        %add3A_706 = arith.addi %add3A_558, %add3A_705 : i32
        %mul3A_707 = arith.constant 80 : i32
        %mul3A_708 = arith.muli %add3A_706, %mul3A_707 : i32
        %dma_start3A_709 = arith.constant 0 : i32
        %dma_start3A_710 = arith.constant 0 : i32
        %dma_start3A_711 = arith.constant 0 : i32
        %dma_start3A_712 = tpu.memref_slice %arg14[%dma_start3A_709, %dma_start3A_710, %dma_start3A_711] : memref<3x80x128xf32, #tpu.memory_space<vmem>> -> memref<1x80x128xf32, #tpu.memory_space<vmem>>
        %dma_start3A_713 = tpu.memref_squeeze %dma_start3A_712 : memref<1x80x128xf32, #tpu.memory_space<vmem>> -> memref<80x128xf32, #tpu.memory_space<vmem>>
        %dma_start3A_714 = tpu.memref_slice %arg12[%mul3A_708] : memref<10000xi32, #tpu.memory_space<vmem>> -> memref<80xi32, #tpu.memory_space<vmem>>
        %dma_start3A_715 = arith.constant 0 : i32
        %dma_start3A_716 = arith.constant 0 : i32
        %dma_start3A_717 = tpu.memref_slice %arg2[%dma_start3A_715, %dma_start3A_716] : memref<10000x128xf32, #tpu.memory_space<hbm>> -> memref<10000x128xf32, #tpu.memory_space<hbm>>
        tpu.enqueue_indirect_dma source(%dma_start3A_717 : memref<10000x128xf32, #tpu.memory_space<hbm>>) target(%dma_start3A_713 : memref<80x128xf32, #tpu.memory_space<vmem>>) offsets(%dma_start3A_714 : memref<80xi32, #tpu.memory_space<vmem>>) semaphore(%arg15 : memref<!tpu.dma_semaphore, #tpu.memory_space<semaphore_mem>>)
        %mul3A_718 = arith.constant 80 : i32
        %mul3A_719 = arith.muli %add3A_706, %mul3A_718 : i32
        %add3A_720 = arith.addi %mul3A_2, %mul3A_719 : i32
        %dma_start3A_721 = arith.constant 0 : i32
        %dma_start3A_722 = arith.constant 0 : i32
        %dma_start3A_723 = tpu.memref_slice %arg13[%dma_start3A_721, %dma_start3A_722] : memref<3x80xi32, #tpu.memory_space<vmem>> -> memref<1x80xi32, #tpu.memory_space<vmem>>
        %dma_start3A_724 = tpu.memref_squeeze %dma_start3A_723 : memref<1x80xi32, #tpu.memory_space<vmem>> -> memref<80xi32, #tpu.memory_space<vmem>>
        %dma_start3A_725 = tpu.memref_slice %arg4[%add3A_720] : memref<320000xi32, #tpu.memory_space<hbm>> -> memref<80xi32, #tpu.memory_space<hbm>>
        %dma_start3A_726 = arith.constant 0 : i32
        %dma_start3A_727 = tpu.memref_slice %arg13[%dma_start3A_721, %dma_start3A_726] : memref<3x80xi32, #tpu.memory_space<vmem>> -> memref<1x80xi32, #tpu.memory_space<vmem>>
        %dma_start3A_728 = tpu.memref_squeeze %dma_start3A_727 : memref<1x80xi32, #tpu.memory_space<vmem>> -> memref<80xi32, #tpu.memory_space<vmem>>
        %dma_start3A_729 = tpu.memref_slice %arg4[%add3A_720] : memref<320000xi32, #tpu.memory_space<hbm>> -> memref<80xi32, #tpu.memory_space<hbm>>
        tpu.enqueue_dma source(%dma_start3A_729 : memref<80xi32, #tpu.memory_space<hbm>>) target(%dma_start3A_728 : memref<80xi32, #tpu.memory_space<vmem>>) target_semaphore(%arg18 : memref<!tpu.dma_semaphore, #tpu.memory_space<semaphore_mem>>)
      } else {
      }
      %mul3A_629 = arith.constant 3 : i32
      %mul3A_630 = arith.muli %scan3A_476, %mul3A_629 : i32
      %add3A_631 = arith.constant 3 : i32
      %add3A_632 = arith.addi %add3A_631, %mul3A_630 : i32
      %add3A_633 = arith.constant 2 : i32
      %add3A_634 = arith.addi %add3A_632, %add3A_633 : i32
      %dma_wait3A_635 = arith.constant 2 : i32
      %dma_wait3A_636 = arith.constant 0 : i32
      %dma_wait3A_637 = arith.constant 0 : i32
      %dma_wait3A_638 = tpu.memref_slice %arg14[%dma_wait3A_635, %dma_wait3A_636, %dma_wait3A_637] : memref<3x80x128xf32, #tpu.memory_space<vmem>> -> memref<1x80x128xf32, #tpu.memory_space<vmem>>
      %dma_wait3A_639 = tpu.memref_squeeze %dma_wait3A_638 : memref<1x80x128xf32, #tpu.memory_space<vmem>> -> memref<80x128xf32, #tpu.memory_space<vmem>>
      %dma_wait3A_640 = arith.constant 0 : i32
      %dma_wait3A_641 = arith.constant 0 : i32
      %dma_wait3A_642 = tpu.memref_slice %arg2[%dma_wait3A_640, %dma_wait3A_641] : memref<10000x128xf32, #tpu.memory_space<hbm>> -> memref<80x128xf32, #tpu.memory_space<hbm>>
      %dma_wait3A_643 = arith.constant 0 : i32
      %dma_wait3A_644 = arith.constant 0 : i32
      %dma_wait3A_645 = tpu.memref_slice %arg14[%dma_wait3A_635, %dma_wait3A_643, %dma_wait3A_644] : memref<3x80x128xf32, #tpu.memory_space<vmem>> -> memref<1x80x128xf32, #tpu.memory_space<vmem>>
      %dma_wait3A_646 = tpu.memref_squeeze %dma_wait3A_645 : memref<1x80x128xf32, #tpu.memory_space<vmem>> -> memref<80x128xf32, #tpu.memory_space<vmem>>
      %dma_wait3A_647 = arith.constant 0 : i32
      %dma_wait3A_648 = arith.constant 0 : i32
      %dma_wait3A_649 = tpu.memref_slice %arg2[%dma_wait3A_647, %dma_wait3A_648] : memref<10000x128xf32, #tpu.memory_space<hbm>> -> memref<80x128xf32, #tpu.memory_space<hbm>>
      tpu.wait_dma2 semaphore(%arg17 : memref<!tpu.dma_semaphore, #tpu.memory_space<semaphore_mem>>) src(%dma_wait3A_649 : memref<80x128xf32, #tpu.memory_space<hbm>>) dst(%dma_wait3A_646 : memref<80x128xf32, #tpu.memory_space<vmem>>)
      %dma_wait3A_650 = arith.constant 2 : i32
      %dma_wait3A_651 = arith.constant 0 : i32
      %dma_wait3A_652 = tpu.memref_slice %arg13[%dma_wait3A_650, %dma_wait3A_651] : memref<3x80xi32, #tpu.memory_space<vmem>> -> memref<1x80xi32, #tpu.memory_space<vmem>>
      %dma_wait3A_653 = tpu.memref_squeeze %dma_wait3A_652 : memref<1x80xi32, #tpu.memory_space<vmem>> -> memref<80xi32, #tpu.memory_space<vmem>>
      %dma_wait3A_654 = arith.constant 0 : i32
      %dma_wait3A_655 = tpu.memref_slice %arg4[%dma_wait3A_654] : memref<320000xi32, #tpu.memory_space<hbm>> -> memref<80xi32, #tpu.memory_space<hbm>>
      %dma_wait3A_656 = arith.constant 0 : i32
      %dma_wait3A_657 = tpu.memref_slice %arg13[%dma_wait3A_650, %dma_wait3A_656] : memref<3x80xi32, #tpu.memory_space<vmem>> -> memref<1x80xi32, #tpu.memory_space<vmem>>
      %dma_wait3A_658 = tpu.memref_squeeze %dma_wait3A_657 : memref<1x80xi32, #tpu.memory_space<vmem>> -> memref<80xi32, #tpu.memory_space<vmem>>
      %dma_wait3A_659 = arith.constant 0 : i32
      %dma_wait3A_660 = tpu.memref_slice %arg4[%dma_wait3A_659] : memref<320000xi32, #tpu.memory_space<hbm>> -> memref<80xi32, #tpu.memory_space<hbm>>
      tpu.wait_dma2 semaphore(%arg20 : memref<!tpu.dma_semaphore, #tpu.memory_space<semaphore_mem>>) src(%dma_wait3A_660 : memref<80xi32, #tpu.memory_space<hbm>>) dst(%dma_wait3A_658 : memref<80xi32, #tpu.memory_space<vmem>>)
      %dma_start3A_661 = arith.constant 2 : i32
      %dma_start3A_662 = arith.constant 2 : i32
      %dma_start3A_663 = arith.constant 0 : i32
      %dma_start3A_664 = arith.constant 0 : i32
      %dma_start3A_665 = tpu.memref_slice %arg14[%dma_start3A_661, %dma_start3A_663, %dma_start3A_664] : memref<3x80x128xf32, #tpu.memory_space<vmem>> -> memref<1x80x128xf32, #tpu.memory_space<vmem>>
      %dma_start3A_666 = tpu.memref_squeeze %dma_start3A_665 : memref<1x80x128xf32, #tpu.memory_space<vmem>> -> memref<80x128xf32, #tpu.memory_space<vmem>>
      %dma_start3A_667 = arith.constant 0 : i32
      %dma_start3A_668 = tpu.memref_slice %arg13[%dma_start3A_662, %dma_start3A_667] : memref<3x80xi32, #tpu.memory_space<vmem>> -> memref<1x80xi32, #tpu.memory_space<vmem>>
      %dma_start3A_669 = tpu.memref_squeeze %dma_start3A_668 : memref<1x80xi32, #tpu.memory_space<vmem>> -> memref<80xi32, #tpu.memory_space<vmem>>
      %dma_start3A_670 = arith.constant 0 : i32
      %dma_start3A_671 = arith.constant 0 : i32
      %dma_start3A_672 = tpu.memref_slice %arg11[%dma_start3A_670, %dma_start3A_671] : memref<10000x128xf32, #tpu.memory_space<vmem_shared>> -> memref<10000x128xf32, #tpu.memory_space<vmem_shared>>
      tpu.enqueue_indirect_dma source(%dma_start3A_666 : memref<80x128xf32, #tpu.memory_space<vmem>>) target(%dma_start3A_672 : memref<10000x128xf32, #tpu.memory_space<vmem_shared>>) offsets(%dma_start3A_669 : memref<80xi32, #tpu.memory_space<vmem>>) semaphore(%arg23 : memref<!tpu.dma_semaphore, #tpu.memory_space<semaphore_mem>>) {add = true}
      %dma_start3A_673 = arith.constant 2 : i32
      %dma_start3A_674 = arith.constant 0 : i32
      %dma_start3A_675 = tpu.memref_slice %arg13[%dma_start3A_673, %dma_start3A_674] : memref<3x80xi32, #tpu.memory_space<vmem>> -> memref<1x80xi32, #tpu.memory_space<vmem>>
      %dma_start3A_676 = tpu.memref_squeeze %dma_start3A_675 : memref<1x80xi32, #tpu.memory_space<vmem>> -> memref<80xi32, #tpu.memory_space<vmem>>
      %dma_start3A_677 = arith.constant 0 : i32
      %dma_start3A_678 = tpu.memref_slice %arg27[%dma_start3A_677] : memref<10000xf32, #tpu.memory_space<vmem_shared>> -> memref<10000xf32, #tpu.memory_space<vmem_shared>>
      tpu.enqueue_indirect_dma source(%arg28 : memref<80xf32, #tpu.memory_space<vmem>>) target(%dma_start3A_678 : memref<10000xf32, #tpu.memory_space<vmem_shared>>) offsets(%dma_start3A_676 : memref<80xi32, #tpu.memory_space<vmem>>) semaphore(%arg26 : memref<!tpu.dma_semaphore, #tpu.memory_space<semaphore_mem>>) {add = true}
      %dma_wait3A_679 = arith.constant 1 : i32
      %dma_wait3A_680 = arith.constant 0 : i32
      %dma_wait3A_681 = arith.constant 0 : i32
      %dma_wait3A_682 = tpu.memref_slice %arg14[%dma_wait3A_679, %dma_wait3A_680, %dma_wait3A_681] : memref<3x80x128xf32, #tpu.memory_space<vmem>> -> memref<1x80x128xf32, #tpu.memory_space<vmem>>
      %dma_wait3A_683 = tpu.memref_squeeze %dma_wait3A_682 : memref<1x80x128xf32, #tpu.memory_space<vmem>> -> memref<80x128xf32, #tpu.memory_space<vmem>>
      %dma_wait3A_684 = arith.constant 0 : i32
      %dma_wait3A_685 = arith.constant 0 : i32
      %dma_wait3A_686 = tpu.memref_slice %arg11[%dma_wait3A_684, %dma_wait3A_685] : memref<10000x128xf32, #tpu.memory_space<vmem_shared>> -> memref<80x128xf32, #tpu.memory_space<vmem_shared>>
      %dma_wait3A_687 = arith.constant 0 : i32
      %dma_wait3A_688 = arith.constant 0 : i32
      %dma_wait3A_689 = tpu.memref_slice %arg11[%dma_wait3A_687, %dma_wait3A_688] : memref<10000x128xf32, #tpu.memory_space<vmem_shared>> -> memref<80x128xf32, #tpu.memory_space<vmem_shared>>
      %dma_wait3A_690 = arith.constant 0 : i32
      %dma_wait3A_691 = arith.constant 0 : i32
      %dma_wait3A_692 = tpu.memref_slice %arg14[%dma_wait3A_679, %dma_wait3A_690, %dma_wait3A_691] : memref<3x80x128xf32, #tpu.memory_space<vmem>> -> memref<1x80x128xf32, #tpu.memory_space<vmem>>
      %dma_wait3A_693 = tpu.memref_squeeze %dma_wait3A_692 : memref<1x80x128xf32, #tpu.memory_space<vmem>> -> memref<80x128xf32, #tpu.memory_space<vmem>>
      tpu.wait_dma2 semaphore(%arg22 : memref<!tpu.dma_semaphore, #tpu.memory_space<semaphore_mem>>) src(%dma_wait3A_693 : memref<80x128xf32, #tpu.memory_space<vmem>>) dst(%dma_wait3A_689 : memref<80x128xf32, #tpu.memory_space<vmem_shared>>)
      %dma_wait3A_694 = arith.constant 0 : i32
      %dma_wait3A_695 = tpu.memref_slice %arg27[%dma_wait3A_694] : memref<10000xf32, #tpu.memory_space<vmem_shared>> -> memref<80xf32, #tpu.memory_space<vmem_shared>>
      %dma_wait3A_696 = arith.constant 0 : i32
      %dma_wait3A_697 = tpu.memref_slice %arg27[%dma_wait3A_696] : memref<10000xf32, #tpu.memory_space<vmem_shared>> -> memref<80xf32, #tpu.memory_space<vmem_shared>>
      tpu.wait_dma2 semaphore(%arg25 : memref<!tpu.dma_semaphore, #tpu.memory_space<semaphore_mem>>) src(%arg28 : memref<80xf32, #tpu.memory_space<vmem>>) dst(%dma_wait3A_697 : memref<80xf32, #tpu.memory_space<vmem_shared>>)
      %add3A_698 = arith.constant 2 : i32
      %add3A_699 = arith.addi %add3A_634, %add3A_698 : i32
      %lt3A_700 = arith.constant 125 : i32
      %lt3A_701 = arith.cmpi slt, %add3A_699, %lt3A_700 : i32
      %convert_element_type3A_702 = arith.extui %lt3A_701 : i1 to i32
      %cond3A_703 = arith.constant 0 : i32
      %cond3A_704 = arith.cmpi ne, %convert_element_type3A_702, %cond3A_703 : i32
      scf.if %cond3A_704 {
        %add3A_705 = arith.constant 2 : i32
        %add3A_706 = arith.addi %add3A_634, %add3A_705 : i32
        %mul3A_707 = arith.constant 80 : i32
        %mul3A_708 = arith.muli %add3A_706, %mul3A_707 : i32
        %dma_start3A_709 = arith.constant 1 : i32
        %dma_start3A_710 = arith.constant 0 : i32
        %dma_start3A_711 = arith.constant 0 : i32
        %dma_start3A_712 = tpu.memref_slice %arg14[%dma_start3A_709, %dma_start3A_710, %dma_start3A_711] : memref<3x80x128xf32, #tpu.memory_space<vmem>> -> memref<1x80x128xf32, #tpu.memory_space<vmem>>
        %dma_start3A_713 = tpu.memref_squeeze %dma_start3A_712 : memref<1x80x128xf32, #tpu.memory_space<vmem>> -> memref<80x128xf32, #tpu.memory_space<vmem>>
        %dma_start3A_714 = tpu.memref_slice %arg12[%mul3A_708] : memref<10000xi32, #tpu.memory_space<vmem>> -> memref<80xi32, #tpu.memory_space<vmem>>
        %dma_start3A_715 = arith.constant 0 : i32
        %dma_start3A_716 = arith.constant 0 : i32
        %dma_start3A_717 = tpu.memref_slice %arg2[%dma_start3A_715, %dma_start3A_716] : memref<10000x128xf32, #tpu.memory_space<hbm>> -> memref<10000x128xf32, #tpu.memory_space<hbm>>
        tpu.enqueue_indirect_dma source(%dma_start3A_717 : memref<10000x128xf32, #tpu.memory_space<hbm>>) target(%dma_start3A_713 : memref<80x128xf32, #tpu.memory_space<vmem>>) offsets(%dma_start3A_714 : memref<80xi32, #tpu.memory_space<vmem>>) semaphore(%arg16 : memref<!tpu.dma_semaphore, #tpu.memory_space<semaphore_mem>>)
        %mul3A_718 = arith.constant 80 : i32
        %mul3A_719 = arith.muli %add3A_706, %mul3A_718 : i32
        %add3A_720 = arith.addi %mul3A_2, %mul3A_719 : i32
        %dma_start3A_721 = arith.constant 1 : i32
        %dma_start3A_722 = arith.constant 0 : i32
        %dma_start3A_723 = tpu.memref_slice %arg13[%dma_start3A_721, %dma_start3A_722] : memref<3x80xi32, #tpu.memory_space<vmem>> -> memref<1x80xi32, #tpu.memory_space<vmem>>
        %dma_start3A_724 = tpu.memref_squeeze %dma_start3A_723 : memref<1x80xi32, #tpu.memory_space<vmem>> -> memref<80xi32, #tpu.memory_space<vmem>>
        %dma_start3A_725 = tpu.memref_slice %arg4[%add3A_720] : memref<320000xi32, #tpu.memory_space<hbm>> -> memref<80xi32, #tpu.memory_space<hbm>>
        %dma_start3A_726 = arith.constant 0 : i32
        %dma_start3A_727 = tpu.memref_slice %arg13[%dma_start3A_721, %dma_start3A_726] : memref<3x80xi32, #tpu.memory_space<vmem>> -> memref<1x80xi32, #tpu.memory_space<vmem>>
        %dma_start3A_728 = tpu.memref_squeeze %dma_start3A_727 : memref<1x80xi32, #tpu.memory_space<vmem>> -> memref<80xi32, #tpu.memory_space<vmem>>
        %dma_start3A_729 = tpu.memref_slice %arg4[%add3A_720] : memref<320000xi32, #tpu.memory_space<hbm>> -> memref<80xi32, #tpu.memory_space<hbm>>
        tpu.enqueue_dma source(%dma_start3A_729 : memref<80xi32, #tpu.memory_space<hbm>>) target(%dma_start3A_728 : memref<80xi32, #tpu.memory_space<vmem>>) target_semaphore(%arg19 : memref<!tpu.dma_semaphore, #tpu.memory_space<semaphore_mem>>)
      } else {
      }
    }
    %scan3A_294 = arith.constant 40 : i32
    %dma_wait3A_295 = arith.constant 0 : i32
    %dma_wait3A_296 = arith.constant 0 : i32
    %dma_wait3A_297 = arith.constant 0 : i32
    %dma_wait3A_298 = tpu.memref_slice %arg14[%dma_wait3A_295, %dma_wait3A_296, %dma_wait3A_297] : memref<3x80x128xf32, #tpu.memory_space<vmem>> -> memref<1x80x128xf32, #tpu.memory_space<vmem>>
    %dma_wait3A_299 = tpu.memref_squeeze %dma_wait3A_298 : memref<1x80x128xf32, #tpu.memory_space<vmem>> -> memref<80x128xf32, #tpu.memory_space<vmem>>
    %dma_wait3A_300 = arith.constant 0 : i32
    %dma_wait3A_301 = arith.constant 0 : i32
    %dma_wait3A_302 = tpu.memref_slice %arg2[%dma_wait3A_300, %dma_wait3A_301] : memref<10000x128xf32, #tpu.memory_space<hbm>> -> memref<80x128xf32, #tpu.memory_space<hbm>>
    %dma_wait3A_303 = arith.constant 0 : i32
    %dma_wait3A_304 = arith.constant 0 : i32
    %dma_wait3A_305 = tpu.memref_slice %arg14[%dma_wait3A_295, %dma_wait3A_303, %dma_wait3A_304] : memref<3x80x128xf32, #tpu.memory_space<vmem>> -> memref<1x80x128xf32, #tpu.memory_space<vmem>>
    %dma_wait3A_306 = tpu.memref_squeeze %dma_wait3A_305 : memref<1x80x128xf32, #tpu.memory_space<vmem>> -> memref<80x128xf32, #tpu.memory_space<vmem>>
    %dma_wait3A_307 = arith.constant 0 : i32
    %dma_wait3A_308 = arith.constant 0 : i32
    %dma_wait3A_309 = tpu.memref_slice %arg2[%dma_wait3A_307, %dma_wait3A_308] : memref<10000x128xf32, #tpu.memory_space<hbm>> -> memref<80x128xf32, #tpu.memory_space<hbm>>
    tpu.wait_dma2 semaphore(%arg15 : memref<!tpu.dma_semaphore, #tpu.memory_space<semaphore_mem>>) src(%dma_wait3A_309 : memref<80x128xf32, #tpu.memory_space<hbm>>) dst(%dma_wait3A_306 : memref<80x128xf32, #tpu.memory_space<vmem>>)
    %dma_wait3A_310 = arith.constant 0 : i32
    %dma_wait3A_311 = arith.constant 0 : i32
    %dma_wait3A_312 = tpu.memref_slice %arg13[%dma_wait3A_310, %dma_wait3A_311] : memref<3x80xi32, #tpu.memory_space<vmem>> -> memref<1x80xi32, #tpu.memory_space<vmem>>
    %dma_wait3A_313 = tpu.memref_squeeze %dma_wait3A_312 : memref<1x80xi32, #tpu.memory_space<vmem>> -> memref<80xi32, #tpu.memory_space<vmem>>
    %dma_wait3A_314 = arith.constant 0 : i32
    %dma_wait3A_315 = tpu.memref_slice %arg4[%dma_wait3A_314] : memref<320000xi32, #tpu.memory_space<hbm>> -> memref<80xi32, #tpu.memory_space<hbm>>
    %dma_wait3A_316 = arith.constant 0 : i32
    %dma_wait3A_317 = tpu.memref_slice %arg13[%dma_wait3A_310, %dma_wait3A_316] : memref<3x80xi32, #tpu.memory_space<vmem>> -> memref<1x80xi32, #tpu.memory_space<vmem>>
    %dma_wait3A_318 = tpu.memref_squeeze %dma_wait3A_317 : memref<1x80xi32, #tpu.memory_space<vmem>> -> memref<80xi32, #tpu.memory_space<vmem>>
    %dma_wait3A_319 = arith.constant 0 : i32
    %dma_wait3A_320 = tpu.memref_slice %arg4[%dma_wait3A_319] : memref<320000xi32, #tpu.memory_space<hbm>> -> memref<80xi32, #tpu.memory_space<hbm>>
    tpu.wait_dma2 semaphore(%arg18 : memref<!tpu.dma_semaphore, #tpu.memory_space<semaphore_mem>>) src(%dma_wait3A_320 : memref<80xi32, #tpu.memory_space<hbm>>) dst(%dma_wait3A_318 : memref<80xi32, #tpu.memory_space<vmem>>)
    %dma_start3A_321 = arith.constant 0 : i32
    %dma_start3A_322 = arith.constant 0 : i32
    %dma_start3A_323 = arith.constant 0 : i32
    %dma_start3A_324 = arith.constant 0 : i32
    %dma_start3A_325 = tpu.memref_slice %arg14[%dma_start3A_321, %dma_start3A_323, %dma_start3A_324] : memref<3x80x128xf32, #tpu.memory_space<vmem>> -> memref<1x80x128xf32, #tpu.memory_space<vmem>>
    %dma_start3A_326 = tpu.memref_squeeze %dma_start3A_325 : memref<1x80x128xf32, #tpu.memory_space<vmem>> -> memref<80x128xf32, #tpu.memory_space<vmem>>
    %dma_start3A_327 = arith.constant 0 : i32
    %dma_start3A_328 = tpu.memref_slice %arg13[%dma_start3A_322, %dma_start3A_327] : memref<3x80xi32, #tpu.memory_space<vmem>> -> memref<1x80xi32, #tpu.memory_space<vmem>>
    %dma_start3A_329 = tpu.memref_squeeze %dma_start3A_328 : memref<1x80xi32, #tpu.memory_space<vmem>> -> memref<80xi32, #tpu.memory_space<vmem>>
    %dma_start3A_330 = arith.constant 0 : i32
    %dma_start3A_331 = arith.constant 0 : i32
    %dma_start3A_332 = tpu.memref_slice %arg11[%dma_start3A_330, %dma_start3A_331] : memref<10000x128xf32, #tpu.memory_space<vmem_shared>> -> memref<10000x128xf32, #tpu.memory_space<vmem_shared>>
    tpu.enqueue_indirect_dma source(%dma_start3A_326 : memref<80x128xf32, #tpu.memory_space<vmem>>) target(%dma_start3A_332 : memref<10000x128xf32, #tpu.memory_space<vmem_shared>>) offsets(%dma_start3A_329 : memref<80xi32, #tpu.memory_space<vmem>>) semaphore(%arg21 : memref<!tpu.dma_semaphore, #tpu.memory_space<semaphore_mem>>) {add = true}
    %dma_start3A_333 = arith.constant 0 : i32
    %dma_start3A_334 = arith.constant 0 : i32
    %dma_start3A_335 = tpu.memref_slice %arg13[%dma_start3A_333, %dma_start3A_334] : memref<3x80xi32, #tpu.memory_space<vmem>> -> memref<1x80xi32, #tpu.memory_space<vmem>>
    %dma_start3A_336 = tpu.memref_squeeze %dma_start3A_335 : memref<1x80xi32, #tpu.memory_space<vmem>> -> memref<80xi32, #tpu.memory_space<vmem>>
    %dma_start3A_337 = arith.constant 0 : i32
    %dma_start3A_338 = tpu.memref_slice %arg27[%dma_start3A_337] : memref<10000xf32, #tpu.memory_space<vmem_shared>> -> memref<10000xf32, #tpu.memory_space<vmem_shared>>
    tpu.enqueue_indirect_dma source(%arg28 : memref<80xf32, #tpu.memory_space<vmem>>) target(%dma_start3A_338 : memref<10000xf32, #tpu.memory_space<vmem_shared>>) offsets(%dma_start3A_336 : memref<80xi32, #tpu.memory_space<vmem>>) semaphore(%arg24 : memref<!tpu.dma_semaphore, #tpu.memory_space<semaphore_mem>>) {add = true}
    %dma_wait3A_339 = arith.constant 2 : i32
    %dma_wait3A_340 = arith.constant 0 : i32
    %dma_wait3A_341 = arith.constant 0 : i32
    %dma_wait3A_342 = tpu.memref_slice %arg14[%dma_wait3A_339, %dma_wait3A_340, %dma_wait3A_341] : memref<3x80x128xf32, #tpu.memory_space<vmem>> -> memref<1x80x128xf32, #tpu.memory_space<vmem>>
    %dma_wait3A_343 = tpu.memref_squeeze %dma_wait3A_342 : memref<1x80x128xf32, #tpu.memory_space<vmem>> -> memref<80x128xf32, #tpu.memory_space<vmem>>
    %dma_wait3A_344 = arith.constant 0 : i32
    %dma_wait3A_345 = arith.constant 0 : i32
    %dma_wait3A_346 = tpu.memref_slice %arg11[%dma_wait3A_344, %dma_wait3A_345] : memref<10000x128xf32, #tpu.memory_space<vmem_shared>> -> memref<80x128xf32, #tpu.memory_space<vmem_shared>>
    %dma_wait3A_347 = arith.constant 0 : i32
    %dma_wait3A_348 = arith.constant 0 : i32
    %dma_wait3A_349 = tpu.memref_slice %arg11[%dma_wait3A_347, %dma_wait3A_348] : memref<10000x128xf32, #tpu.memory_space<vmem_shared>> -> memref<80x128xf32, #tpu.memory_space<vmem_shared>>
    %dma_wait3A_350 = arith.constant 0 : i32
    %dma_wait3A_351 = arith.constant 0 : i32
    %dma_wait3A_352 = tpu.memref_slice %arg14[%dma_wait3A_339, %dma_wait3A_350, %dma_wait3A_351] : memref<3x80x128xf32, #tpu.memory_space<vmem>> -> memref<1x80x128xf32, #tpu.memory_space<vmem>>
    %dma_wait3A_353 = tpu.memref_squeeze %dma_wait3A_352 : memref<1x80x128xf32, #tpu.memory_space<vmem>> -> memref<80x128xf32, #tpu.memory_space<vmem>>
    tpu.wait_dma2 semaphore(%arg23 : memref<!tpu.dma_semaphore, #tpu.memory_space<semaphore_mem>>) src(%dma_wait3A_353 : memref<80x128xf32, #tpu.memory_space<vmem>>) dst(%dma_wait3A_349 : memref<80x128xf32, #tpu.memory_space<vmem_shared>>)
    %dma_wait3A_354 = arith.constant 0 : i32
    %dma_wait3A_355 = tpu.memref_slice %arg27[%dma_wait3A_354] : memref<10000xf32, #tpu.memory_space<vmem_shared>> -> memref<80xf32, #tpu.memory_space<vmem_shared>>
    %dma_wait3A_356 = arith.constant 0 : i32
    %dma_wait3A_357 = tpu.memref_slice %arg27[%dma_wait3A_356] : memref<10000xf32, #tpu.memory_space<vmem_shared>> -> memref<80xf32, #tpu.memory_space<vmem_shared>>
    tpu.wait_dma2 semaphore(%arg26 : memref<!tpu.dma_semaphore, #tpu.memory_space<semaphore_mem>>) src(%arg28 : memref<80xf32, #tpu.memory_space<vmem>>) dst(%dma_wait3A_357 : memref<80xf32, #tpu.memory_space<vmem_shared>>)
    %dma_wait3A_358 = arith.constant 1 : i32
    %dma_wait3A_359 = arith.constant 0 : i32
    %dma_wait3A_360 = arith.constant 0 : i32
    %dma_wait3A_361 = tpu.memref_slice %arg14[%dma_wait3A_358, %dma_wait3A_359, %dma_wait3A_360] : memref<3x80x128xf32, #tpu.memory_space<vmem>> -> memref<1x80x128xf32, #tpu.memory_space<vmem>>
    %dma_wait3A_362 = tpu.memref_squeeze %dma_wait3A_361 : memref<1x80x128xf32, #tpu.memory_space<vmem>> -> memref<80x128xf32, #tpu.memory_space<vmem>>
    %dma_wait3A_363 = arith.constant 0 : i32
    %dma_wait3A_364 = arith.constant 0 : i32
    %dma_wait3A_365 = tpu.memref_slice %arg2[%dma_wait3A_363, %dma_wait3A_364] : memref<10000x128xf32, #tpu.memory_space<hbm>> -> memref<80x128xf32, #tpu.memory_space<hbm>>
    %dma_wait3A_366 = arith.constant 0 : i32
    %dma_wait3A_367 = arith.constant 0 : i32
    %dma_wait3A_368 = tpu.memref_slice %arg14[%dma_wait3A_358, %dma_wait3A_366, %dma_wait3A_367] : memref<3x80x128xf32, #tpu.memory_space<vmem>> -> memref<1x80x128xf32, #tpu.memory_space<vmem>>
    %dma_wait3A_369 = tpu.memref_squeeze %dma_wait3A_368 : memref<1x80x128xf32, #tpu.memory_space<vmem>> -> memref<80x128xf32, #tpu.memory_space<vmem>>
    %dma_wait3A_370 = arith.constant 0 : i32
    %dma_wait3A_371 = arith.constant 0 : i32
    %dma_wait3A_372 = tpu.memref_slice %arg2[%dma_wait3A_370, %dma_wait3A_371] : memref<10000x128xf32, #tpu.memory_space<hbm>> -> memref<80x128xf32, #tpu.memory_space<hbm>>
    tpu.wait_dma2 semaphore(%arg16 : memref<!tpu.dma_semaphore, #tpu.memory_space<semaphore_mem>>) src(%dma_wait3A_372 : memref<80x128xf32, #tpu.memory_space<hbm>>) dst(%dma_wait3A_369 : memref<80x128xf32, #tpu.memory_space<vmem>>)
    %dma_wait3A_373 = arith.constant 1 : i32
    %dma_wait3A_374 = arith.constant 0 : i32
    %dma_wait3A_375 = tpu.memref_slice %arg13[%dma_wait3A_373, %dma_wait3A_374] : memref<3x80xi32, #tpu.memory_space<vmem>> -> memref<1x80xi32, #tpu.memory_space<vmem>>
    %dma_wait3A_376 = tpu.memref_squeeze %dma_wait3A_375 : memref<1x80xi32, #tpu.memory_space<vmem>> -> memref<80xi32, #tpu.memory_space<vmem>>
    %dma_wait3A_377 = arith.constant 0 : i32
    %dma_wait3A_378 = tpu.memref_slice %arg4[%dma_wait3A_377] : memref<320000xi32, #tpu.memory_space<hbm>> -> memref<80xi32, #tpu.memory_space<hbm>>
    %dma_wait3A_379 = arith.constant 0 : i32
    %dma_wait3A_380 = tpu.memref_slice %arg13[%dma_wait3A_373, %dma_wait3A_379] : memref<3x80xi32, #tpu.memory_space<vmem>> -> memref<1x80xi32, #tpu.memory_space<vmem>>
    %dma_wait3A_381 = tpu.memref_squeeze %dma_wait3A_380 : memref<1x80xi32, #tpu.memory_space<vmem>> -> memref<80xi32, #tpu.memory_space<vmem>>
    %dma_wait3A_382 = arith.constant 0 : i32
    %dma_wait3A_383 = tpu.memref_slice %arg4[%dma_wait3A_382] : memref<320000xi32, #tpu.memory_space<hbm>> -> memref<80xi32, #tpu.memory_space<hbm>>
    tpu.wait_dma2 semaphore(%arg19 : memref<!tpu.dma_semaphore, #tpu.memory_space<semaphore_mem>>) src(%dma_wait3A_383 : memref<80xi32, #tpu.memory_space<hbm>>) dst(%dma_wait3A_381 : memref<80xi32, #tpu.memory_space<vmem>>)
    %dma_start3A_384 = arith.constant 1 : i32
    %dma_start3A_385 = arith.constant 1 : i32
    %dma_start3A_386 = arith.constant 0 : i32
    %dma_start3A_387 = arith.constant 0 : i32
    %dma_start3A_388 = tpu.memref_slice %arg14[%dma_start3A_384, %dma_start3A_386, %dma_start3A_387] : memref<3x80x128xf32, #tpu.memory_space<vmem>> -> memref<1x80x128xf32, #tpu.memory_space<vmem>>
    %dma_start3A_389 = tpu.memref_squeeze %dma_start3A_388 : memref<1x80x128xf32, #tpu.memory_space<vmem>> -> memref<80x128xf32, #tpu.memory_space<vmem>>
    %dma_start3A_390 = arith.constant 0 : i32
    %dma_start3A_391 = tpu.memref_slice %arg13[%dma_start3A_385, %dma_start3A_390] : memref<3x80xi32, #tpu.memory_space<vmem>> -> memref<1x80xi32, #tpu.memory_space<vmem>>
    %dma_start3A_392 = tpu.memref_squeeze %dma_start3A_391 : memref<1x80xi32, #tpu.memory_space<vmem>> -> memref<80xi32, #tpu.memory_space<vmem>>
    %dma_start3A_393 = arith.constant 0 : i32
    %dma_start3A_394 = arith.constant 0 : i32
    %dma_start3A_395 = tpu.memref_slice %arg11[%dma_start3A_393, %dma_start3A_394] : memref<10000x128xf32, #tpu.memory_space<vmem_shared>> -> memref<10000x128xf32, #tpu.memory_space<vmem_shared>>
    tpu.enqueue_indirect_dma source(%dma_start3A_389 : memref<80x128xf32, #tpu.memory_space<vmem>>) target(%dma_start3A_395 : memref<10000x128xf32, #tpu.memory_space<vmem_shared>>) offsets(%dma_start3A_392 : memref<80xi32, #tpu.memory_space<vmem>>) semaphore(%arg22 : memref<!tpu.dma_semaphore, #tpu.memory_space<semaphore_mem>>) {add = true}
    %dma_start3A_396 = arith.constant 1 : i32
    %dma_start3A_397 = arith.constant 0 : i32
    %dma_start3A_398 = tpu.memref_slice %arg13[%dma_start3A_396, %dma_start3A_397] : memref<3x80xi32, #tpu.memory_space<vmem>> -> memref<1x80xi32, #tpu.memory_space<vmem>>
    %dma_start3A_399 = tpu.memref_squeeze %dma_start3A_398 : memref<1x80xi32, #tpu.memory_space<vmem>> -> memref<80xi32, #tpu.memory_space<vmem>>
    %dma_start3A_400 = arith.constant 0 : i32
    %dma_start3A_401 = tpu.memref_slice %arg27[%dma_start3A_400] : memref<10000xf32, #tpu.memory_space<vmem_shared>> -> memref<10000xf32, #tpu.memory_space<vmem_shared>>
    tpu.enqueue_indirect_dma source(%arg28 : memref<80xf32, #tpu.memory_space<vmem>>) target(%dma_start3A_401 : memref<10000xf32, #tpu.memory_space<vmem_shared>>) offsets(%dma_start3A_399 : memref<80xi32, #tpu.memory_space<vmem>>) semaphore(%arg25 : memref<!tpu.dma_semaphore, #tpu.memory_space<semaphore_mem>>) {add = true}
    %dma_wait3A_402 = arith.constant 0 : i32
    %dma_wait3A_403 = arith.constant 0 : i32
    %dma_wait3A_404 = arith.constant 0 : i32
    %dma_wait3A_405 = tpu.memref_slice %arg14[%dma_wait3A_402, %dma_wait3A_403, %dma_wait3A_404] : memref<3x80x128xf32, #tpu.memory_space<vmem>> -> memref<1x80x128xf32, #tpu.memory_space<vmem>>
    %dma_wait3A_406 = tpu.memref_squeeze %dma_wait3A_405 : memref<1x80x128xf32, #tpu.memory_space<vmem>> -> memref<80x128xf32, #tpu.memory_space<vmem>>
    %dma_wait3A_407 = arith.constant 0 : i32
    %dma_wait3A_408 = arith.constant 0 : i32
    %dma_wait3A_409 = tpu.memref_slice %arg11[%dma_wait3A_407, %dma_wait3A_408] : memref<10000x128xf32, #tpu.memory_space<vmem_shared>> -> memref<80x128xf32, #tpu.memory_space<vmem_shared>>
    %dma_wait3A_410 = arith.constant 0 : i32
    %dma_wait3A_411 = arith.constant 0 : i32
    %dma_wait3A_412 = tpu.memref_slice %arg11[%dma_wait3A_410, %dma_wait3A_411] : memref<10000x128xf32, #tpu.memory_space<vmem_shared>> -> memref<80x128xf32, #tpu.memory_space<vmem_shared>>
    %dma_wait3A_413 = arith.constant 0 : i32
    %dma_wait3A_414 = arith.constant 0 : i32
    %dma_wait3A_415 = tpu.memref_slice %arg14[%dma_wait3A_402, %dma_wait3A_413, %dma_wait3A_414] : memref<3x80x128xf32, #tpu.memory_space<vmem>> -> memref<1x80x128xf32, #tpu.memory_space<vmem>>
    %dma_wait3A_416 = tpu.memref_squeeze %dma_wait3A_415 : memref<1x80x128xf32, #tpu.memory_space<vmem>> -> memref<80x128xf32, #tpu.memory_space<vmem>>
    tpu.wait_dma2 semaphore(%arg21 : memref<!tpu.dma_semaphore, #tpu.memory_space<semaphore_mem>>) src(%dma_wait3A_416 : memref<80x128xf32, #tpu.memory_space<vmem>>) dst(%dma_wait3A_412 : memref<80x128xf32, #tpu.memory_space<vmem_shared>>)
    %dma_wait3A_417 = arith.constant 0 : i32
    %dma_wait3A_418 = tpu.memref_slice %arg27[%dma_wait3A_417] : memref<10000xf32, #tpu.memory_space<vmem_shared>> -> memref<80xf32, #tpu.memory_space<vmem_shared>>
    %dma_wait3A_419 = arith.constant 0 : i32
    %dma_wait3A_420 = tpu.memref_slice %arg27[%dma_wait3A_419] : memref<10000xf32, #tpu.memory_space<vmem_shared>> -> memref<80xf32, #tpu.memory_space<vmem_shared>>
    tpu.wait_dma2 semaphore(%arg24 : memref<!tpu.dma_semaphore, #tpu.memory_space<semaphore_mem>>) src(%arg28 : memref<80xf32, #tpu.memory_space<vmem>>) dst(%dma_wait3A_420 : memref<80xf32, #tpu.memory_space<vmem_shared>>)
    %dma_wait3A_421 = arith.constant 1 : i32
    %dma_wait3A_422 = arith.constant 0 : i32
    %dma_wait3A_423 = arith.constant 0 : i32
    %dma_wait3A_424 = tpu.memref_slice %arg14[%dma_wait3A_421, %dma_wait3A_422, %dma_wait3A_423] : memref<3x80x128xf32, #tpu.memory_space<vmem>> -> memref<1x80x128xf32, #tpu.memory_space<vmem>>
    %dma_wait3A_425 = tpu.memref_squeeze %dma_wait3A_424 : memref<1x80x128xf32, #tpu.memory_space<vmem>> -> memref<80x128xf32, #tpu.memory_space<vmem>>
    %dma_wait3A_426 = arith.constant 0 : i32
    %dma_wait3A_427 = arith.constant 0 : i32
    %dma_wait3A_428 = tpu.memref_slice %arg11[%dma_wait3A_426, %dma_wait3A_427] : memref<10000x128xf32, #tpu.memory_space<vmem_shared>> -> memref<80x128xf32, #tpu.memory_space<vmem_shared>>
    %dma_wait3A_429 = arith.constant 0 : i32
    %dma_wait3A_430 = arith.constant 0 : i32
    %dma_wait3A_431 = tpu.memref_slice %arg11[%dma_wait3A_429, %dma_wait3A_430] : memref<10000x128xf32, #tpu.memory_space<vmem_shared>> -> memref<80x128xf32, #tpu.memory_space<vmem_shared>>
    %dma_wait3A_432 = arith.constant 0 : i32
    %dma_wait3A_433 = arith.constant 0 : i32
    %dma_wait3A_434 = tpu.memref_slice %arg14[%dma_wait3A_421, %dma_wait3A_432, %dma_wait3A_433] : memref<3x80x128xf32, #tpu.memory_space<vmem>> -> memref<1x80x128xf32, #tpu.memory_space<vmem>>
    %dma_wait3A_435 = tpu.memref_squeeze %dma_wait3A_434 : memref<1x80x128xf32, #tpu.memory_space<vmem>> -> memref<80x128xf32, #tpu.memory_space<vmem>>
    tpu.wait_dma2 semaphore(%arg22 : memref<!tpu.dma_semaphore, #tpu.memory_space<semaphore_mem>>) src(%dma_wait3A_435 : memref<80x128xf32, #tpu.memory_space<vmem>>) dst(%dma_wait3A_431 : memref<80x128xf32, #tpu.memory_space<vmem_shared>>)
    %dma_wait3A_436 = arith.constant 0 : i32
    %dma_wait3A_437 = tpu.memref_slice %arg27[%dma_wait3A_436] : memref<10000xf32, #tpu.memory_space<vmem_shared>> -> memref<80xf32, #tpu.memory_space<vmem_shared>>
    %dma_wait3A_438 = arith.constant 0 : i32
    %dma_wait3A_439 = tpu.memref_slice %arg27[%dma_wait3A_438] : memref<10000xf32, #tpu.memory_space<vmem_shared>> -> memref<80xf32, #tpu.memory_space<vmem_shared>>
    tpu.wait_dma2 semaphore(%arg25 : memref<!tpu.dma_semaphore, #tpu.memory_space<semaphore_mem>>) src(%arg28 : memref<80xf32, #tpu.memory_space<vmem>>) dst(%dma_wait3A_439 : memref<80xf32, #tpu.memory_space<vmem_shared>>)
    %barrier3A_440 = arith.constant 0 : index
    tpu.barrier barrier_id(%barrier3A_440)
    %lt3A = arith.constant 15 : i32
    %lt3A_441 = arith.cmpi slt, %arg1, %lt3A : i32
    %eq3A_442 = arith.constant 0 : i32
    %eq3A_443 = arith.cmpi eq, %arg0, %eq3A_442 : i32
    %and3A = arith.andi %lt3A_441, %eq3A_443 : i1
    %convert_element_type3A_444 = arith.extui %and3A : i1 to i32
    %cond3A_445 = arith.constant 0 : i32
    %cond3A_446 = arith.cmpi ne, %convert_element_type3A_444, %cond3A_445 : i32
    scf.if %cond3A_446 {
      %mul3A_476 = arith.constant 624 : i32
      %mul3A_477 = arith.muli %arg1, %mul3A_476 : i32
      %mul3A_478 = arith.constant 624 : i32
      %mul3A_479 = arith.muli %arg1, %mul3A_478 : i32
      "tpu.region"() ({
        %run_scoped3A = tpu.sem_alloc : memref<!tpu.dma_semaphore, #tpu.memory_space<semaphore_mem>>
        %dma_start3A_480 = arith.constant 0 : i32
        %dma_start3A_481 = tpu.memref_slice %arg8[%mul3A_479, %dma_start3A_480] : memref<10000x128xf32, #tpu.memory_space<hbm>> -> memref<624x128xf32, #tpu.memory_space<hbm>>
        %dma_start3A_482 = arith.constant 0 : i32
        %dma_start3A_483 = tpu.memref_slice %arg11[%mul3A_477, %dma_start3A_482] : memref<10000x128xf32, #tpu.memory_space<vmem_shared>> -> memref<624x128xf32, #tpu.memory_space<vmem_shared>>
        tpu.enqueue_dma source(%dma_start3A_483 : memref<624x128xf32, #tpu.memory_space<vmem_shared>>) target(%dma_start3A_481 : memref<624x128xf32, #tpu.memory_space<hbm>>) target_semaphore(%run_scoped3A : memref<!tpu.dma_semaphore, #tpu.memory_space<semaphore_mem>>)
        %dma_wait3A_484 = arith.constant 0 : i32
        %dma_wait3A_485 = tpu.memref_slice %arg8[%mul3A_479, %dma_wait3A_484] : memref<10000x128xf32, #tpu.memory_space<hbm>> -> memref<624x128xf32, #tpu.memory_space<hbm>>
        %dma_wait3A_486 = arith.constant 0 : i32
        %dma_wait3A_487 = tpu.memref_slice %arg11[%mul3A_477, %dma_wait3A_486] : memref<10000x128xf32, #tpu.memory_space<vmem_shared>> -> memref<624x128xf32, #tpu.memory_space<vmem_shared>>
        tpu.wait_dma2 semaphore(%run_scoped3A : memref<!tpu.dma_semaphore, #tpu.memory_space<semaphore_mem>>) src(%dma_wait3A_487 : memref<624x128xf32, #tpu.memory_space<vmem_shared>>) dst(%dma_wait3A_485 : memref<624x128xf32, #tpu.memory_space<hbm>>)
        tpu.yield
      }) : () -> ()
    } else {
    }
    %eq3A_447 = arith.constant 15 : i32
    %eq3A_448 = arith.cmpi eq, %arg1, %eq3A_447 : i32
    %eq3A_449 = arith.constant 0 : i32
    %eq3A_450 = arith.cmpi eq, %arg0, %eq3A_449 : i32
    %and3A_451 = arith.andi %eq3A_448, %eq3A_450 : i1
    %convert_element_type3A_452 = arith.extui %and3A_451 : i1 to i32
    %cond3A_453 = arith.constant 0 : i32
    %cond3A_454 = arith.cmpi ne, %convert_element_type3A_452, %cond3A_453 : i32
    scf.if %cond3A_454 {
      "tpu.region"() ({
        %run_scoped3A = tpu.sem_alloc : memref<!tpu.dma_semaphore, #tpu.memory_space<semaphore_mem>>
        %dma_start3A_476 = arith.constant 9360 : i32
        %dma_start3A_477 = arith.constant 0 : i32
        %dma_start3A_478 = tpu.memref_slice %arg8[%dma_start3A_476, %dma_start3A_477] : memref<10000x128xf32, #tpu.memory_space<hbm>> -> memref<640x128xf32, #tpu.memory_space<hbm>>
        %dma_start3A_479 = arith.constant 9360 : i32
        %dma_start3A_480 = arith.constant 0 : i32
        %dma_start3A_481 = tpu.memref_slice %arg11[%dma_start3A_479, %dma_start3A_480] : memref<10000x128xf32, #tpu.memory_space<vmem_shared>> -> memref<640x128xf32, #tpu.memory_space<vmem_shared>>
        tpu.enqueue_dma source(%dma_start3A_481 : memref<640x128xf32, #tpu.memory_space<vmem_shared>>) target(%dma_start3A_478 : memref<640x128xf32, #tpu.memory_space<hbm>>) target_semaphore(%run_scoped3A : memref<!tpu.dma_semaphore, #tpu.memory_space<semaphore_mem>>)
        %dma_wait3A_482 = arith.constant 9360 : i32
        %dma_wait3A_483 = arith.constant 0 : i32
        %dma_wait3A_484 = tpu.memref_slice %arg8[%dma_wait3A_482, %dma_wait3A_483] : memref<10000x128xf32, #tpu.memory_space<hbm>> -> memref<640x128xf32, #tpu.memory_space<hbm>>
        %dma_wait3A_485 = arith.constant 9360 : i32
        %dma_wait3A_486 = arith.constant 0 : i32
        %dma_wait3A_487 = tpu.memref_slice %arg11[%dma_wait3A_485, %dma_wait3A_486] : memref<10000x128xf32, #tpu.memory_space<vmem_shared>> -> memref<640x128xf32, #tpu.memory_space<vmem_shared>>
        tpu.wait_dma2 semaphore(%run_scoped3A : memref<!tpu.dma_semaphore, #tpu.memory_space<semaphore_mem>>) src(%dma_wait3A_487 : memref<640x128xf32, #tpu.memory_space<vmem_shared>>) dst(%dma_wait3A_484 : memref<640x128xf32, #tpu.memory_space<hbm>>)
        tpu.yield
      }) : () -> ()
    } else {
    }
    %lt3A_455 = arith.constant 15 : i32
    %lt3A_456 = arith.cmpi slt, %arg1, %lt3A_455 : i32
    %eq3A_457 = arith.constant 1 : i32
    %eq3A_458 = arith.cmpi eq, %arg0, %eq3A_457 : i32
    %and3A_459 = arith.andi %lt3A_456, %eq3A_458 : i1
    %convert_element_type3A_460 = arith.extui %and3A_459 : i1 to i32
    %cond3A_461 = arith.constant 0 : i32
    %cond3A_462 = arith.cmpi ne, %convert_element_type3A_460, %cond3A_461 : i32
    scf.if %cond3A_462 {
      %mul3A_476 = arith.constant 624 : i32
      %mul3A_477 = arith.muli %arg1, %mul3A_476 : i32
      %mul3A_478 = arith.constant 624 : i32
      %mul3A_479 = arith.muli %arg1, %mul3A_478 : i32
      "tpu.region"() ({
        %run_scoped3A = tpu.sem_alloc : memref<!tpu.dma_semaphore, #tpu.memory_space<semaphore_mem>>
        %dma_start3A_480 = arith.constant 0 : i32
        %dma_start3A_481 = tpu.memref_slice %arg9[%mul3A_479, %dma_start3A_480] : memref<10000x128xf32, #tpu.memory_space<hbm>> -> memref<624x128xf32, #tpu.memory_space<hbm>>
        %dma_start3A_482 = arith.constant 0 : i32
        %dma_start3A_483 = tpu.memref_slice %arg11[%mul3A_477, %dma_start3A_482] : memref<10000x128xf32, #tpu.memory_space<vmem_shared>> -> memref<624x128xf32, #tpu.memory_space<vmem_shared>>
        tpu.enqueue_dma source(%dma_start3A_483 : memref<624x128xf32, #tpu.memory_space<vmem_shared>>) target(%dma_start3A_481 : memref<624x128xf32, #tpu.memory_space<hbm>>) target_semaphore(%run_scoped3A : memref<!tpu.dma_semaphore, #tpu.memory_space<semaphore_mem>>)
        %dma_wait3A_484 = arith.constant 0 : i32
        %dma_wait3A_485 = tpu.memref_slice %arg9[%mul3A_479, %dma_wait3A_484] : memref<10000x128xf32, #tpu.memory_space<hbm>> -> memref<624x128xf32, #tpu.memory_space<hbm>>
        %dma_wait3A_486 = arith.constant 0 : i32
        %dma_wait3A_487 = tpu.memref_slice %arg11[%mul3A_477, %dma_wait3A_486] : memref<10000x128xf32, #tpu.memory_space<vmem_shared>> -> memref<624x128xf32, #tpu.memory_space<vmem_shared>>
        tpu.wait_dma2 semaphore(%run_scoped3A : memref<!tpu.dma_semaphore, #tpu.memory_space<semaphore_mem>>) src(%dma_wait3A_487 : memref<624x128xf32, #tpu.memory_space<vmem_shared>>) dst(%dma_wait3A_485 : memref<624x128xf32, #tpu.memory_space<hbm>>)
        tpu.yield
      }) : () -> ()
    } else {
    }
    %eq3A_463 = arith.constant 15 : i32
    %eq3A_464 = arith.cmpi eq, %arg1, %eq3A_463 : i32
    %eq3A_465 = arith.constant 1 : i32
    %eq3A_466 = arith.cmpi eq, %arg0, %eq3A_465 : i32
    %and3A_467 = arith.andi %eq3A_464, %eq3A_466 : i1
    %convert_element_type3A_468 = arith.extui %and3A_467 : i1 to i32
    %cond3A_469 = arith.constant 0 : i32
    %cond3A_470 = arith.cmpi ne, %convert_element_type3A_468, %cond3A_469 : i32
    scf.if %cond3A_470 {
      "tpu.region"() ({
        %run_scoped3A = tpu.sem_alloc : memref<!tpu.dma_semaphore, #tpu.memory_space<semaphore_mem>>
        %dma_start3A_476 = arith.constant 9360 : i32
        %dma_start3A_477 = arith.constant 0 : i32
        %dma_start3A_478 = tpu.memref_slice %arg9[%dma_start3A_476, %dma_start3A_477] : memref<10000x128xf32, #tpu.memory_space<hbm>> -> memref<640x128xf32, #tpu.memory_space<hbm>>
        %dma_start3A_479 = arith.constant 9360 : i32
        %dma_start3A_480 = arith.constant 0 : i32
        %dma_start3A_481 = tpu.memref_slice %arg11[%dma_start3A_479, %dma_start3A_480] : memref<10000x128xf32, #tpu.memory_space<vmem_shared>> -> memref<640x128xf32, #tpu.memory_space<vmem_shared>>
        tpu.enqueue_dma source(%dma_start3A_481 : memref<640x128xf32, #tpu.memory_space<vmem_shared>>) target(%dma_start3A_478 : memref<640x128xf32, #tpu.memory_space<hbm>>) target_semaphore(%run_scoped3A : memref<!tpu.dma_semaphore, #tpu.memory_space<semaphore_mem>>)
        %dma_wait3A_482 = arith.constant 9360 : i32
        %dma_wait3A_483 = arith.constant 0 : i32
        %dma_wait3A_484 = tpu.memref_slice %arg9[%dma_wait3A_482, %dma_wait3A_483] : memref<10000x128xf32, #tpu.memory_space<hbm>> -> memref<640x128xf32, #tpu.memory_space<hbm>>
        %dma_wait3A_485 = arith.constant 9360 : i32
        %dma_wait3A_486 = arith.constant 0 : i32
        %dma_wait3A_487 = tpu.memref_slice %arg11[%dma_wait3A_485, %dma_wait3A_486] : memref<10000x128xf32, #tpu.memory_space<vmem_shared>> -> memref<640x128xf32, #tpu.memory_space<vmem_shared>>
        tpu.wait_dma2 semaphore(%run_scoped3A : memref<!tpu.dma_semaphore, #tpu.memory_space<semaphore_mem>>) src(%dma_wait3A_487 : memref<640x128xf32, #tpu.memory_space<vmem_shared>>) dst(%dma_wait3A_484 : memref<640x128xf32, #tpu.memory_space<hbm>>)
        tpu.yield
      }) : () -> ()
    } else {
    }
    %eq3A_471 = arith.constant 0 : i32
    %eq3A_472 = arith.cmpi eq, %arg1, %eq3A_471 : i32
    %convert_element_type3A_473 = arith.extui %eq3A_472 : i1 to i32
    %cond3A_474 = arith.constant 0 : i32
    %cond3A_475 = arith.cmpi ne, %convert_element_type3A_473, %cond3A_474 : i32
    scf.if %cond3A_475 {
      "tpu.region"() ({
        %run_scoped3A = tpu.sem_alloc : memref<!tpu.dma_semaphore, #tpu.memory_space<semaphore_mem>>
        %dma_start3A_476 = arith.constant 0 : i32
        %dma_start3A_477 = tpu.memref_slice %arg10[%arg0, %dma_start3A_476] : memref<2x10000xf32, #tpu.memory_space<hbm>> -> memref<1x10000xf32, #tpu.memory_space<hbm>>
        %dma_start3A_478 = tpu.memref_squeeze %dma_start3A_477 : memref<1x10000xf32, #tpu.memory_space<hbm>> -> memref<10000xf32, #tpu.memory_space<hbm>>
        tpu.enqueue_dma source(%arg27 : memref<10000xf32, #tpu.memory_space<vmem_shared>>) target(%dma_start3A_478 : memref<10000xf32, #tpu.memory_space<hbm>>) target_semaphore(%run_scoped3A : memref<!tpu.dma_semaphore, #tpu.memory_space<semaphore_mem>>)
        %dma_wait3A_479 = arith.constant 0 : i32
        %dma_wait3A_480 = tpu.memref_slice %arg10[%arg0, %dma_wait3A_479] : memref<2x10000xf32, #tpu.memory_space<hbm>> -> memref<1x10000xf32, #tpu.memory_space<hbm>>
        %dma_wait3A_481 = tpu.memref_squeeze %dma_wait3A_480 : memref<1x10000xf32, #tpu.memory_space<hbm>> -> memref<10000xf32, #tpu.memory_space<hbm>>
        tpu.wait_dma2 semaphore(%run_scoped3A : memref<!tpu.dma_semaphore, #tpu.memory_space<semaphore_mem>>) src(%arg27 : memref<10000xf32, #tpu.memory_space<vmem_shared>>) dst(%dma_wait3A_481 : memref<10000xf32, #tpu.memory_space<hbm>>)
        tpu.yield
      }) : () -> ()
    } else {
    }
    return
  }
}

#map = affine_map<(d0, d1) -> (0, 0)>
#map1 = affine_map<(d0, d1) -> (0)>
module attributes {stable_mosaic.version = 14 : i64} {
  func.func @agg_kernel(%arg0: i32, %arg1: i32, %arg2: memref<10000x128xf32, #tpu.memory_space<hbm>>, %arg3: memref<320000xi32, #tpu.memory_space<hbm>>, %arg4: memref<320000xi32, #tpu.memory_space<hbm>>, %arg5: memref<625x128xf32, #tpu.memory_space<hbm>>, %arg6: memref<10000xf32, #tpu.memory_space<hbm>>, %arg7: memref<80xf32, #tpu.memory_space<hbm>>, %arg8: memref<10000x128xf32, #tpu.memory_space<hbm>>, %arg9: memref<10000x128xf32, #tpu.memory_space<hbm>>, %arg10: memref<10000x128xf32, #tpu.memory_space<vmem_shared>>, %arg11: memref<10000xi32, #tpu.memory_space<vmem>>, %arg12: memref<3x80xi32, #tpu.memory_space<vmem>>, %arg13: memref<3x80x128xf32, #tpu.memory_space<vmem>>, %arg14: memref<!tpu.dma_semaphore, #tpu.memory_space<semaphore_mem>>, %arg15: memref<!tpu.dma_semaphore, #tpu.memory_space<semaphore_mem>>, %arg16: memref<!tpu.dma_semaphore, #tpu.memory_space<semaphore_mem>>, %arg17: memref<!tpu.dma_semaphore, #tpu.memory_space<semaphore_mem>>, %arg18: memref<!tpu.dma_semaphore, #tpu.memory_space<semaphore_mem>>, %arg19: memref<!tpu.dma_semaphore, #tpu.memory_space<semaphore_mem>>, %arg20: memref<!tpu.dma_semaphore, #tpu.memory_space<semaphore_mem>>, %arg21: memref<!tpu.dma_semaphore, #tpu.memory_space<semaphore_mem>>, %arg22: memref<!tpu.dma_semaphore, #tpu.memory_space<semaphore_mem>>) attributes {dimension_semantics = [#tpu.dimension_semantics<core_parallel>, #tpu.dimension_semantics<subcore_parallel>], iteration_bounds = array<i64: 2, 16>, scalar_prefetch = 0 : i64, scratch_operands = 13 : i64, tpu.core_type = #tpu.core_type<sc_vector_subcore>, window_params = [{transform_indices = #map}, {transform_indices = #map1}, {transform_indices = #map1}, {transform_indices = #map}, {transform_indices = #map1}, {transform_indices = #map1}, {transform_indices = #map}, {transform_indices = #map}]} {
    %mul3A = arith.constant 16 : i32
    %mul3A_0 = arith.muli %arg0, %mul3A : i32
    %add3A = arith.addi %mul3A_0, %arg1 : i32
    %mul3A_1 = arith.constant 10000 : i32
    %mul3A_2 = arith.muli %add3A, %mul3A_1 : i32
    %dma_start3A = tpu.memref_slice %arg3[%mul3A_2] : memref<320000xi32, #tpu.memory_space<hbm>> -> memref<10000xi32, #tpu.memory_space<hbm>>
    %dma_start3A_3 = tpu.memref_slice %arg3[%mul3A_2] : memref<320000xi32, #tpu.memory_space<hbm>> -> memref<10000xi32, #tpu.memory_space<hbm>>
    tpu.enqueue_dma source(%dma_start3A_3 : memref<10000xi32, #tpu.memory_space<hbm>>) target(%arg11 : memref<10000xi32, #tpu.memory_space<vmem>>) target_semaphore(%arg14 : memref<!tpu.dma_semaphore, #tpu.memory_space<semaphore_mem>>)
    %mul3A_4 = arith.constant 625 : i32
    %mul3A_5 = arith.muli %arg1, %mul3A_4 : i32
    %dma_start3A_6 = arith.constant 0 : i32
    %dma_start3A_7 = tpu.memref_slice %arg10[%mul3A_5, %dma_start3A_6] : memref<10000x128xf32, #tpu.memory_space<vmem_shared>> -> memref<625x128xf32, #tpu.memory_space<vmem_shared>>
    tpu.enqueue_dma source(%arg5 : memref<625x128xf32, #tpu.memory_space<hbm>>) target(%dma_start3A_7 : memref<625x128xf32, #tpu.memory_space<vmem_shared>>) target_semaphore(%arg15 : memref<!tpu.dma_semaphore, #tpu.memory_space<semaphore_mem>>)
    %dma_wait3A = tpu.memref_slice %arg3[%mul3A_2] : memref<320000xi32, #tpu.memory_space<hbm>> -> memref<10000xi32, #tpu.memory_space<hbm>>
    %dma_wait3A_8 = tpu.memref_slice %arg3[%mul3A_2] : memref<320000xi32, #tpu.memory_space<hbm>> -> memref<10000xi32, #tpu.memory_space<hbm>>
    tpu.wait_dma2 semaphore(%arg14 : memref<!tpu.dma_semaphore, #tpu.memory_space<semaphore_mem>>) src(%dma_wait3A_8 : memref<10000xi32, #tpu.memory_space<hbm>>) dst(%arg11 : memref<10000xi32, #tpu.memory_space<vmem>>)
    %mul3A_9 = arith.constant 625 : i32
    %mul3A_10 = arith.muli %arg1, %mul3A_9 : i32
    %dma_wait3A_11 = arith.constant 0 : i32
    %dma_wait3A_12 = tpu.memref_slice %arg10[%mul3A_10, %dma_wait3A_11] : memref<10000x128xf32, #tpu.memory_space<vmem_shared>> -> memref<625x128xf32, #tpu.memory_space<vmem_shared>>
    tpu.wait_dma2 semaphore(%arg15 : memref<!tpu.dma_semaphore, #tpu.memory_space<semaphore_mem>>) src(%arg5 : memref<625x128xf32, #tpu.memory_space<hbm>>) dst(%dma_wait3A_12 : memref<625x128xf32, #tpu.memory_space<vmem_shared>>)
    %barrier3A = arith.constant 0 : index
    tpu.barrier barrier_id(%barrier3A)
    %dma_start3A_13 = arith.constant 0 : i32
    %dma_start3A_14 = arith.constant 0 : i32
    %dma_start3A_15 = arith.constant 0 : i32
    %dma_start3A_16 = tpu.memref_slice %arg13[%dma_start3A_13, %dma_start3A_14, %dma_start3A_15] : memref<3x80x128xf32, #tpu.memory_space<vmem>> -> memref<1x80x128xf32, #tpu.memory_space<vmem>>
    %dma_start3A_17 = tpu.memref_squeeze %dma_start3A_16 : memref<1x80x128xf32, #tpu.memory_space<vmem>> -> memref<80x128xf32, #tpu.memory_space<vmem>>
    %dma_start3A_18 = arith.constant 0 : i32
    %dma_start3A_19 = tpu.memref_slice %arg11[%dma_start3A_18] : memref<10000xi32, #tpu.memory_space<vmem>> -> memref<80xi32, #tpu.memory_space<vmem>>
    %dma_start3A_20 = arith.constant 0 : i32
    %dma_start3A_21 = arith.constant 0 : i32
    %dma_start3A_22 = tpu.memref_slice %arg2[%dma_start3A_20, %dma_start3A_21] : memref<10000x128xf32, #tpu.memory_space<hbm>> -> memref<10000x128xf32, #tpu.memory_space<hbm>>
    tpu.enqueue_indirect_dma source(%dma_start3A_22 : memref<10000x128xf32, #tpu.memory_space<hbm>>) target(%dma_start3A_17 : memref<80x128xf32, #tpu.memory_space<vmem>>) offsets(%dma_start3A_19 : memref<80xi32, #tpu.memory_space<vmem>>) semaphore(%arg14 : memref<!tpu.dma_semaphore, #tpu.memory_space<semaphore_mem>>)
    %add3A_23 = arith.constant 0 : i32
    %add3A_24 = arith.addi %mul3A_2, %add3A_23 : i32
    %dma_start3A_25 = arith.constant 0 : i32
    %dma_start3A_26 = arith.constant 0 : i32
    %dma_start3A_27 = tpu.memref_slice %arg12[%dma_start3A_25, %dma_start3A_26] : memref<3x80xi32, #tpu.memory_space<vmem>> -> memref<1x80xi32, #tpu.memory_space<vmem>>
    %dma_start3A_28 = tpu.memref_squeeze %dma_start3A_27 : memref<1x80xi32, #tpu.memory_space<vmem>> -> memref<80xi32, #tpu.memory_space<vmem>>
    %dma_start3A_29 = tpu.memref_slice %arg4[%add3A_24] : memref<320000xi32, #tpu.memory_space<hbm>> -> memref<80xi32, #tpu.memory_space<hbm>>
    %dma_start3A_30 = arith.constant 0 : i32
    %dma_start3A_31 = tpu.memref_slice %arg12[%dma_start3A_25, %dma_start3A_30] : memref<3x80xi32, #tpu.memory_space<vmem>> -> memref<1x80xi32, #tpu.memory_space<vmem>>
    %dma_start3A_32 = tpu.memref_squeeze %dma_start3A_31 : memref<1x80xi32, #tpu.memory_space<vmem>> -> memref<80xi32, #tpu.memory_space<vmem>>
    %dma_start3A_33 = tpu.memref_slice %arg4[%add3A_24] : memref<320000xi32, #tpu.memory_space<hbm>> -> memref<80xi32, #tpu.memory_space<hbm>>
    tpu.enqueue_dma source(%dma_start3A_33 : memref<80xi32, #tpu.memory_space<hbm>>) target(%dma_start3A_32 : memref<80xi32, #tpu.memory_space<vmem>>) target_semaphore(%arg17 : memref<!tpu.dma_semaphore, #tpu.memory_space<semaphore_mem>>)
    %dma_start3A_34 = arith.constant 1 : i32
    %dma_start3A_35 = arith.constant 0 : i32
    %dma_start3A_36 = arith.constant 0 : i32
    %dma_start3A_37 = tpu.memref_slice %arg13[%dma_start3A_34, %dma_start3A_35, %dma_start3A_36] : memref<3x80x128xf32, #tpu.memory_space<vmem>> -> memref<1x80x128xf32, #tpu.memory_space<vmem>>
    %dma_start3A_38 = tpu.memref_squeeze %dma_start3A_37 : memref<1x80x128xf32, #tpu.memory_space<vmem>> -> memref<80x128xf32, #tpu.memory_space<vmem>>
    %dma_start3A_39 = arith.constant 80 : i32
    %dma_start3A_40 = tpu.memref_slice %arg11[%dma_start3A_39] : memref<10000xi32, #tpu.memory_space<vmem>> -> memref<80xi32, #tpu.memory_space<vmem>>
    %dma_start3A_41 = arith.constant 0 : i32
    %dma_start3A_42 = arith.constant 0 : i32
    %dma_start3A_43 = tpu.memref_slice %arg2[%dma_start3A_41, %dma_start3A_42] : memref<10000x128xf32, #tpu.memory_space<hbm>> -> memref<10000x128xf32, #tpu.memory_space<hbm>>
    tpu.enqueue_indirect_dma source(%dma_start3A_43 : memref<10000x128xf32, #tpu.memory_space<hbm>>) target(%dma_start3A_38 : memref<80x128xf32, #tpu.memory_space<vmem>>) offsets(%dma_start3A_40 : memref<80xi32, #tpu.memory_space<vmem>>) semaphore(%arg15 : memref<!tpu.dma_semaphore, #tpu.memory_space<semaphore_mem>>)
    %add3A_44 = arith.constant 80 : i32
    %add3A_45 = arith.addi %mul3A_2, %add3A_44 : i32
    %dma_start3A_46 = arith.constant 1 : i32
    %dma_start3A_47 = arith.constant 0 : i32
    %dma_start3A_48 = tpu.memref_slice %arg12[%dma_start3A_46, %dma_start3A_47] : memref<3x80xi32, #tpu.memory_space<vmem>> -> memref<1x80xi32, #tpu.memory_space<vmem>>
    %dma_start3A_49 = tpu.memref_squeeze %dma_start3A_48 : memref<1x80xi32, #tpu.memory_space<vmem>> -> memref<80xi32, #tpu.memory_space<vmem>>
    %dma_start3A_50 = tpu.memref_slice %arg4[%add3A_45] : memref<320000xi32, #tpu.memory_space<hbm>> -> memref<80xi32, #tpu.memory_space<hbm>>
    %dma_start3A_51 = arith.constant 0 : i32
    %dma_start3A_52 = tpu.memref_slice %arg12[%dma_start3A_46, %dma_start3A_51] : memref<3x80xi32, #tpu.memory_space<vmem>> -> memref<1x80xi32, #tpu.memory_space<vmem>>
    %dma_start3A_53 = tpu.memref_squeeze %dma_start3A_52 : memref<1x80xi32, #tpu.memory_space<vmem>> -> memref<80xi32, #tpu.memory_space<vmem>>
    %dma_start3A_54 = tpu.memref_slice %arg4[%add3A_45] : memref<320000xi32, #tpu.memory_space<hbm>> -> memref<80xi32, #tpu.memory_space<hbm>>
    tpu.enqueue_dma source(%dma_start3A_54 : memref<80xi32, #tpu.memory_space<hbm>>) target(%dma_start3A_53 : memref<80xi32, #tpu.memory_space<vmem>>) target_semaphore(%arg18 : memref<!tpu.dma_semaphore, #tpu.memory_space<semaphore_mem>>)
    %dma_wait3A_55 = arith.constant 0 : i32
    %dma_wait3A_56 = arith.constant 0 : i32
    %dma_wait3A_57 = arith.constant 0 : i32
    %dma_wait3A_58 = tpu.memref_slice %arg13[%dma_wait3A_55, %dma_wait3A_56, %dma_wait3A_57] : memref<3x80x128xf32, #tpu.memory_space<vmem>> -> memref<1x80x128xf32, #tpu.memory_space<vmem>>
    %dma_wait3A_59 = tpu.memref_squeeze %dma_wait3A_58 : memref<1x80x128xf32, #tpu.memory_space<vmem>> -> memref<80x128xf32, #tpu.memory_space<vmem>>
    %dma_wait3A_60 = arith.constant 0 : i32
    %dma_wait3A_61 = arith.constant 0 : i32
    %dma_wait3A_62 = tpu.memref_slice %arg2[%dma_wait3A_60, %dma_wait3A_61] : memref<10000x128xf32, #tpu.memory_space<hbm>> -> memref<80x128xf32, #tpu.memory_space<hbm>>
    %dma_wait3A_63 = arith.constant 0 : i32
    %dma_wait3A_64 = arith.constant 0 : i32
    %dma_wait3A_65 = tpu.memref_slice %arg13[%dma_wait3A_55, %dma_wait3A_63, %dma_wait3A_64] : memref<3x80x128xf32, #tpu.memory_space<vmem>> -> memref<1x80x128xf32, #tpu.memory_space<vmem>>
    %dma_wait3A_66 = tpu.memref_squeeze %dma_wait3A_65 : memref<1x80x128xf32, #tpu.memory_space<vmem>> -> memref<80x128xf32, #tpu.memory_space<vmem>>
    %dma_wait3A_67 = arith.constant 0 : i32
    %dma_wait3A_68 = arith.constant 0 : i32
    %dma_wait3A_69 = tpu.memref_slice %arg2[%dma_wait3A_67, %dma_wait3A_68] : memref<10000x128xf32, #tpu.memory_space<hbm>> -> memref<80x128xf32, #tpu.memory_space<hbm>>
    tpu.wait_dma2 semaphore(%arg14 : memref<!tpu.dma_semaphore, #tpu.memory_space<semaphore_mem>>) src(%dma_wait3A_69 : memref<80x128xf32, #tpu.memory_space<hbm>>) dst(%dma_wait3A_66 : memref<80x128xf32, #tpu.memory_space<vmem>>)
    %dma_wait3A_70 = arith.constant 0 : i32
    %dma_wait3A_71 = arith.constant 0 : i32
    %dma_wait3A_72 = tpu.memref_slice %arg12[%dma_wait3A_70, %dma_wait3A_71] : memref<3x80xi32, #tpu.memory_space<vmem>> -> memref<1x80xi32, #tpu.memory_space<vmem>>
    %dma_wait3A_73 = tpu.memref_squeeze %dma_wait3A_72 : memref<1x80xi32, #tpu.memory_space<vmem>> -> memref<80xi32, #tpu.memory_space<vmem>>
    %dma_wait3A_74 = arith.constant 0 : i32
    %dma_wait3A_75 = tpu.memref_slice %arg4[%dma_wait3A_74] : memref<320000xi32, #tpu.memory_space<hbm>> -> memref<80xi32, #tpu.memory_space<hbm>>
    %dma_wait3A_76 = arith.constant 0 : i32
    %dma_wait3A_77 = tpu.memref_slice %arg12[%dma_wait3A_70, %dma_wait3A_76] : memref<3x80xi32, #tpu.memory_space<vmem>> -> memref<1x80xi32, #tpu.memory_space<vmem>>
    %dma_wait3A_78 = tpu.memref_squeeze %dma_wait3A_77 : memref<1x80xi32, #tpu.memory_space<vmem>> -> memref<80xi32, #tpu.memory_space<vmem>>
    %dma_wait3A_79 = arith.constant 0 : i32
    %dma_wait3A_80 = tpu.memref_slice %arg4[%dma_wait3A_79] : memref<320000xi32, #tpu.memory_space<hbm>> -> memref<80xi32, #tpu.memory_space<hbm>>
    tpu.wait_dma2 semaphore(%arg17 : memref<!tpu.dma_semaphore, #tpu.memory_space<semaphore_mem>>) src(%dma_wait3A_80 : memref<80xi32, #tpu.memory_space<hbm>>) dst(%dma_wait3A_78 : memref<80xi32, #tpu.memory_space<vmem>>)
    %dma_start3A_81 = arith.constant 0 : i32
    %dma_start3A_82 = arith.constant 0 : i32
    %dma_start3A_83 = arith.constant 0 : i32
    %dma_start3A_84 = arith.constant 0 : i32
    %dma_start3A_85 = tpu.memref_slice %arg13[%dma_start3A_81, %dma_start3A_83, %dma_start3A_84] : memref<3x80x128xf32, #tpu.memory_space<vmem>> -> memref<1x80x128xf32, #tpu.memory_space<vmem>>
    %dma_start3A_86 = tpu.memref_squeeze %dma_start3A_85 : memref<1x80x128xf32, #tpu.memory_space<vmem>> -> memref<80x128xf32, #tpu.memory_space<vmem>>
    %dma_start3A_87 = arith.constant 0 : i32
    %dma_start3A_88 = tpu.memref_slice %arg12[%dma_start3A_82, %dma_start3A_87] : memref<3x80xi32, #tpu.memory_space<vmem>> -> memref<1x80xi32, #tpu.memory_space<vmem>>
    %dma_start3A_89 = tpu.memref_squeeze %dma_start3A_88 : memref<1x80xi32, #tpu.memory_space<vmem>> -> memref<80xi32, #tpu.memory_space<vmem>>
    %dma_start3A_90 = arith.constant 0 : i32
    %dma_start3A_91 = arith.constant 0 : i32
    %dma_start3A_92 = tpu.memref_slice %arg10[%dma_start3A_90, %dma_start3A_91] : memref<10000x128xf32, #tpu.memory_space<vmem_shared>> -> memref<10000x128xf32, #tpu.memory_space<vmem_shared>>
    tpu.enqueue_indirect_dma source(%dma_start3A_86 : memref<80x128xf32, #tpu.memory_space<vmem>>) target(%dma_start3A_92 : memref<10000x128xf32, #tpu.memory_space<vmem_shared>>) offsets(%dma_start3A_89 : memref<80xi32, #tpu.memory_space<vmem>>) semaphore(%arg20 : memref<!tpu.dma_semaphore, #tpu.memory_space<semaphore_mem>>) {add = true}
    %dma_start3A_93 = arith.constant 2 : i32
    %dma_start3A_94 = arith.constant 0 : i32
    %dma_start3A_95 = arith.constant 0 : i32
    %dma_start3A_96 = tpu.memref_slice %arg13[%dma_start3A_93, %dma_start3A_94, %dma_start3A_95] : memref<3x80x128xf32, #tpu.memory_space<vmem>> -> memref<1x80x128xf32, #tpu.memory_space<vmem>>
    %dma_start3A_97 = tpu.memref_squeeze %dma_start3A_96 : memref<1x80x128xf32, #tpu.memory_space<vmem>> -> memref<80x128xf32, #tpu.memory_space<vmem>>
    %dma_start3A_98 = arith.constant 160 : i32
    %dma_start3A_99 = tpu.memref_slice %arg11[%dma_start3A_98] : memref<10000xi32, #tpu.memory_space<vmem>> -> memref<80xi32, #tpu.memory_space<vmem>>
    %dma_start3A_100 = arith.constant 0 : i32
    %dma_start3A_101 = arith.constant 0 : i32
    %dma_start3A_102 = tpu.memref_slice %arg2[%dma_start3A_100, %dma_start3A_101] : memref<10000x128xf32, #tpu.memory_space<hbm>> -> memref<10000x128xf32, #tpu.memory_space<hbm>>
    tpu.enqueue_indirect_dma source(%dma_start3A_102 : memref<10000x128xf32, #tpu.memory_space<hbm>>) target(%dma_start3A_97 : memref<80x128xf32, #tpu.memory_space<vmem>>) offsets(%dma_start3A_99 : memref<80xi32, #tpu.memory_space<vmem>>) semaphore(%arg16 : memref<!tpu.dma_semaphore, #tpu.memory_space<semaphore_mem>>)
    %add3A_103 = arith.constant 160 : i32
    %add3A_104 = arith.addi %mul3A_2, %add3A_103 : i32
    %dma_start3A_105 = arith.constant 2 : i32
    %dma_start3A_106 = arith.constant 0 : i32
    %dma_start3A_107 = tpu.memref_slice %arg12[%dma_start3A_105, %dma_start3A_106] : memref<3x80xi32, #tpu.memory_space<vmem>> -> memref<1x80xi32, #tpu.memory_space<vmem>>
    %dma_start3A_108 = tpu.memref_squeeze %dma_start3A_107 : memref<1x80xi32, #tpu.memory_space<vmem>> -> memref<80xi32, #tpu.memory_space<vmem>>
    %dma_start3A_109 = tpu.memref_slice %arg4[%add3A_104] : memref<320000xi32, #tpu.memory_space<hbm>> -> memref<80xi32, #tpu.memory_space<hbm>>
    %dma_start3A_110 = arith.constant 0 : i32
    %dma_start3A_111 = tpu.memref_slice %arg12[%dma_start3A_105, %dma_start3A_110] : memref<3x80xi32, #tpu.memory_space<vmem>> -> memref<1x80xi32, #tpu.memory_space<vmem>>
    %dma_start3A_112 = tpu.memref_squeeze %dma_start3A_111 : memref<1x80xi32, #tpu.memory_space<vmem>> -> memref<80xi32, #tpu.memory_space<vmem>>
    %dma_start3A_113 = tpu.memref_slice %arg4[%add3A_104] : memref<320000xi32, #tpu.memory_space<hbm>> -> memref<80xi32, #tpu.memory_space<hbm>>
    tpu.enqueue_dma source(%dma_start3A_113 : memref<80xi32, #tpu.memory_space<hbm>>) target(%dma_start3A_112 : memref<80xi32, #tpu.memory_space<vmem>>) target_semaphore(%arg19 : memref<!tpu.dma_semaphore, #tpu.memory_space<semaphore_mem>>)
    %dma_wait3A_114 = arith.constant 1 : i32
    %dma_wait3A_115 = arith.constant 0 : i32
    %dma_wait3A_116 = arith.constant 0 : i32
    %dma_wait3A_117 = tpu.memref_slice %arg13[%dma_wait3A_114, %dma_wait3A_115, %dma_wait3A_116] : memref<3x80x128xf32, #tpu.memory_space<vmem>> -> memref<1x80x128xf32, #tpu.memory_space<vmem>>
    %dma_wait3A_118 = tpu.memref_squeeze %dma_wait3A_117 : memref<1x80x128xf32, #tpu.memory_space<vmem>> -> memref<80x128xf32, #tpu.memory_space<vmem>>
    %dma_wait3A_119 = arith.constant 0 : i32
    %dma_wait3A_120 = arith.constant 0 : i32
    %dma_wait3A_121 = tpu.memref_slice %arg2[%dma_wait3A_119, %dma_wait3A_120] : memref<10000x128xf32, #tpu.memory_space<hbm>> -> memref<80x128xf32, #tpu.memory_space<hbm>>
    %dma_wait3A_122 = arith.constant 0 : i32
    %dma_wait3A_123 = arith.constant 0 : i32
    %dma_wait3A_124 = tpu.memref_slice %arg13[%dma_wait3A_114, %dma_wait3A_122, %dma_wait3A_123] : memref<3x80x128xf32, #tpu.memory_space<vmem>> -> memref<1x80x128xf32, #tpu.memory_space<vmem>>
    %dma_wait3A_125 = tpu.memref_squeeze %dma_wait3A_124 : memref<1x80x128xf32, #tpu.memory_space<vmem>> -> memref<80x128xf32, #tpu.memory_space<vmem>>
    %dma_wait3A_126 = arith.constant 0 : i32
    %dma_wait3A_127 = arith.constant 0 : i32
    %dma_wait3A_128 = tpu.memref_slice %arg2[%dma_wait3A_126, %dma_wait3A_127] : memref<10000x128xf32, #tpu.memory_space<hbm>> -> memref<80x128xf32, #tpu.memory_space<hbm>>
    tpu.wait_dma2 semaphore(%arg15 : memref<!tpu.dma_semaphore, #tpu.memory_space<semaphore_mem>>) src(%dma_wait3A_128 : memref<80x128xf32, #tpu.memory_space<hbm>>) dst(%dma_wait3A_125 : memref<80x128xf32, #tpu.memory_space<vmem>>)
    %dma_wait3A_129 = arith.constant 1 : i32
    %dma_wait3A_130 = arith.constant 0 : i32
    %dma_wait3A_131 = tpu.memref_slice %arg12[%dma_wait3A_129, %dma_wait3A_130] : memref<3x80xi32, #tpu.memory_space<vmem>> -> memref<1x80xi32, #tpu.memory_space<vmem>>
    %dma_wait3A_132 = tpu.memref_squeeze %dma_wait3A_131 : memref<1x80xi32, #tpu.memory_space<vmem>> -> memref<80xi32, #tpu.memory_space<vmem>>
    %dma_wait3A_133 = arith.constant 0 : i32
    %dma_wait3A_134 = tpu.memref_slice %arg4[%dma_wait3A_133] : memref<320000xi32, #tpu.memory_space<hbm>> -> memref<80xi32, #tpu.memory_space<hbm>>
    %dma_wait3A_135 = arith.constant 0 : i32
    %dma_wait3A_136 = tpu.memref_slice %arg12[%dma_wait3A_129, %dma_wait3A_135] : memref<3x80xi32, #tpu.memory_space<vmem>> -> memref<1x80xi32, #tpu.memory_space<vmem>>
    %dma_wait3A_137 = tpu.memref_squeeze %dma_wait3A_136 : memref<1x80xi32, #tpu.memory_space<vmem>> -> memref<80xi32, #tpu.memory_space<vmem>>
    %dma_wait3A_138 = arith.constant 0 : i32
    %dma_wait3A_139 = tpu.memref_slice %arg4[%dma_wait3A_138] : memref<320000xi32, #tpu.memory_space<hbm>> -> memref<80xi32, #tpu.memory_space<hbm>>
    tpu.wait_dma2 semaphore(%arg18 : memref<!tpu.dma_semaphore, #tpu.memory_space<semaphore_mem>>) src(%dma_wait3A_139 : memref<80xi32, #tpu.memory_space<hbm>>) dst(%dma_wait3A_137 : memref<80xi32, #tpu.memory_space<vmem>>)
    %dma_start3A_140 = arith.constant 1 : i32
    %dma_start3A_141 = arith.constant 1 : i32
    %dma_start3A_142 = arith.constant 0 : i32
    %dma_start3A_143 = arith.constant 0 : i32
    %dma_start3A_144 = tpu.memref_slice %arg13[%dma_start3A_140, %dma_start3A_142, %dma_start3A_143] : memref<3x80x128xf32, #tpu.memory_space<vmem>> -> memref<1x80x128xf32, #tpu.memory_space<vmem>>
    %dma_start3A_145 = tpu.memref_squeeze %dma_start3A_144 : memref<1x80x128xf32, #tpu.memory_space<vmem>> -> memref<80x128xf32, #tpu.memory_space<vmem>>
    %dma_start3A_146 = arith.constant 0 : i32
    %dma_start3A_147 = tpu.memref_slice %arg12[%dma_start3A_141, %dma_start3A_146] : memref<3x80xi32, #tpu.memory_space<vmem>> -> memref<1x80xi32, #tpu.memory_space<vmem>>
    %dma_start3A_148 = tpu.memref_squeeze %dma_start3A_147 : memref<1x80xi32, #tpu.memory_space<vmem>> -> memref<80xi32, #tpu.memory_space<vmem>>
    %dma_start3A_149 = arith.constant 0 : i32
    %dma_start3A_150 = arith.constant 0 : i32
    %dma_start3A_151 = tpu.memref_slice %arg10[%dma_start3A_149, %dma_start3A_150] : memref<10000x128xf32, #tpu.memory_space<vmem_shared>> -> memref<10000x128xf32, #tpu.memory_space<vmem_shared>>
    tpu.enqueue_indirect_dma source(%dma_start3A_145 : memref<80x128xf32, #tpu.memory_space<vmem>>) target(%dma_start3A_151 : memref<10000x128xf32, #tpu.memory_space<vmem_shared>>) offsets(%dma_start3A_148 : memref<80xi32, #tpu.memory_space<vmem>>) semaphore(%arg21 : memref<!tpu.dma_semaphore, #tpu.memory_space<semaphore_mem>>) {add = true}
    %dma_wait3A_152 = arith.constant 0 : i32
    %dma_wait3A_153 = arith.constant 0 : i32
    %dma_wait3A_154 = arith.constant 0 : i32
    %dma_wait3A_155 = tpu.memref_slice %arg13[%dma_wait3A_152, %dma_wait3A_153, %dma_wait3A_154] : memref<3x80x128xf32, #tpu.memory_space<vmem>> -> memref<1x80x128xf32, #tpu.memory_space<vmem>>
    %dma_wait3A_156 = tpu.memref_squeeze %dma_wait3A_155 : memref<1x80x128xf32, #tpu.memory_space<vmem>> -> memref<80x128xf32, #tpu.memory_space<vmem>>
    %dma_wait3A_157 = arith.constant 0 : i32
    %dma_wait3A_158 = arith.constant 0 : i32
    %dma_wait3A_159 = tpu.memref_slice %arg10[%dma_wait3A_157, %dma_wait3A_158] : memref<10000x128xf32, #tpu.memory_space<vmem_shared>> -> memref<80x128xf32, #tpu.memory_space<vmem_shared>>
    %dma_wait3A_160 = arith.constant 0 : i32
    %dma_wait3A_161 = arith.constant 0 : i32
    %dma_wait3A_162 = tpu.memref_slice %arg10[%dma_wait3A_160, %dma_wait3A_161] : memref<10000x128xf32, #tpu.memory_space<vmem_shared>> -> memref<80x128xf32, #tpu.memory_space<vmem_shared>>
    %dma_wait3A_163 = arith.constant 0 : i32
    %dma_wait3A_164 = arith.constant 0 : i32
    %dma_wait3A_165 = tpu.memref_slice %arg13[%dma_wait3A_152, %dma_wait3A_163, %dma_wait3A_164] : memref<3x80x128xf32, #tpu.memory_space<vmem>> -> memref<1x80x128xf32, #tpu.memory_space<vmem>>
    %dma_wait3A_166 = tpu.memref_squeeze %dma_wait3A_165 : memref<1x80x128xf32, #tpu.memory_space<vmem>> -> memref<80x128xf32, #tpu.memory_space<vmem>>
    tpu.wait_dma2 semaphore(%arg20 : memref<!tpu.dma_semaphore, #tpu.memory_space<semaphore_mem>>) src(%dma_wait3A_166 : memref<80x128xf32, #tpu.memory_space<vmem>>) dst(%dma_wait3A_162 : memref<80x128xf32, #tpu.memory_space<vmem_shared>>)
    %dma_start3A_167 = arith.constant 0 : i32
    %dma_start3A_168 = arith.constant 0 : i32
    %dma_start3A_169 = arith.constant 0 : i32
    %dma_start3A_170 = tpu.memref_slice %arg13[%dma_start3A_167, %dma_start3A_168, %dma_start3A_169] : memref<3x80x128xf32, #tpu.memory_space<vmem>> -> memref<1x80x128xf32, #tpu.memory_space<vmem>>
    %dma_start3A_171 = tpu.memref_squeeze %dma_start3A_170 : memref<1x80x128xf32, #tpu.memory_space<vmem>> -> memref<80x128xf32, #tpu.memory_space<vmem>>
    %dma_start3A_172 = arith.constant 240 : i32
    %dma_start3A_173 = tpu.memref_slice %arg11[%dma_start3A_172] : memref<10000xi32, #tpu.memory_space<vmem>> -> memref<80xi32, #tpu.memory_space<vmem>>
    %dma_start3A_174 = arith.constant 0 : i32
    %dma_start3A_175 = arith.constant 0 : i32
    %dma_start3A_176 = tpu.memref_slice %arg2[%dma_start3A_174, %dma_start3A_175] : memref<10000x128xf32, #tpu.memory_space<hbm>> -> memref<10000x128xf32, #tpu.memory_space<hbm>>
    tpu.enqueue_indirect_dma source(%dma_start3A_176 : memref<10000x128xf32, #tpu.memory_space<hbm>>) target(%dma_start3A_171 : memref<80x128xf32, #tpu.memory_space<vmem>>) offsets(%dma_start3A_173 : memref<80xi32, #tpu.memory_space<vmem>>) semaphore(%arg14 : memref<!tpu.dma_semaphore, #tpu.memory_space<semaphore_mem>>)
    %add3A_177 = arith.constant 240 : i32
    %add3A_178 = arith.addi %mul3A_2, %add3A_177 : i32
    %dma_start3A_179 = arith.constant 0 : i32
    %dma_start3A_180 = arith.constant 0 : i32
    %dma_start3A_181 = tpu.memref_slice %arg12[%dma_start3A_179, %dma_start3A_180] : memref<3x80xi32, #tpu.memory_space<vmem>> -> memref<1x80xi32, #tpu.memory_space<vmem>>
    %dma_start3A_182 = tpu.memref_squeeze %dma_start3A_181 : memref<1x80xi32, #tpu.memory_space<vmem>> -> memref<80xi32, #tpu.memory_space<vmem>>
    %dma_start3A_183 = tpu.memref_slice %arg4[%add3A_178] : memref<320000xi32, #tpu.memory_space<hbm>> -> memref<80xi32, #tpu.memory_space<hbm>>
    %dma_start3A_184 = arith.constant 0 : i32
    %dma_start3A_185 = tpu.memref_slice %arg12[%dma_start3A_179, %dma_start3A_184] : memref<3x80xi32, #tpu.memory_space<vmem>> -> memref<1x80xi32, #tpu.memory_space<vmem>>
    %dma_start3A_186 = tpu.memref_squeeze %dma_start3A_185 : memref<1x80xi32, #tpu.memory_space<vmem>> -> memref<80xi32, #tpu.memory_space<vmem>>
    %dma_start3A_187 = tpu.memref_slice %arg4[%add3A_178] : memref<320000xi32, #tpu.memory_space<hbm>> -> memref<80xi32, #tpu.memory_space<hbm>>
    tpu.enqueue_dma source(%dma_start3A_187 : memref<80xi32, #tpu.memory_space<hbm>>) target(%dma_start3A_186 : memref<80xi32, #tpu.memory_space<vmem>>) target_semaphore(%arg17 : memref<!tpu.dma_semaphore, #tpu.memory_space<semaphore_mem>>)
    %dma_wait3A_188 = arith.constant 2 : i32
    %dma_wait3A_189 = arith.constant 0 : i32
    %dma_wait3A_190 = arith.constant 0 : i32
    %dma_wait3A_191 = tpu.memref_slice %arg13[%dma_wait3A_188, %dma_wait3A_189, %dma_wait3A_190] : memref<3x80x128xf32, #tpu.memory_space<vmem>> -> memref<1x80x128xf32, #tpu.memory_space<vmem>>
    %dma_wait3A_192 = tpu.memref_squeeze %dma_wait3A_191 : memref<1x80x128xf32, #tpu.memory_space<vmem>> -> memref<80x128xf32, #tpu.memory_space<vmem>>
    %dma_wait3A_193 = arith.constant 0 : i32
    %dma_wait3A_194 = arith.constant 0 : i32
    %dma_wait3A_195 = tpu.memref_slice %arg2[%dma_wait3A_193, %dma_wait3A_194] : memref<10000x128xf32, #tpu.memory_space<hbm>> -> memref<80x128xf32, #tpu.memory_space<hbm>>
    %dma_wait3A_196 = arith.constant 0 : i32
    %dma_wait3A_197 = arith.constant 0 : i32
    %dma_wait3A_198 = tpu.memref_slice %arg13[%dma_wait3A_188, %dma_wait3A_196, %dma_wait3A_197] : memref<3x80x128xf32, #tpu.memory_space<vmem>> -> memref<1x80x128xf32, #tpu.memory_space<vmem>>
    %dma_wait3A_199 = tpu.memref_squeeze %dma_wait3A_198 : memref<1x80x128xf32, #tpu.memory_space<vmem>> -> memref<80x128xf32, #tpu.memory_space<vmem>>
    %dma_wait3A_200 = arith.constant 0 : i32
    %dma_wait3A_201 = arith.constant 0 : i32
    %dma_wait3A_202 = tpu.memref_slice %arg2[%dma_wait3A_200, %dma_wait3A_201] : memref<10000x128xf32, #tpu.memory_space<hbm>> -> memref<80x128xf32, #tpu.memory_space<hbm>>
    tpu.wait_dma2 semaphore(%arg16 : memref<!tpu.dma_semaphore, #tpu.memory_space<semaphore_mem>>) src(%dma_wait3A_202 : memref<80x128xf32, #tpu.memory_space<hbm>>) dst(%dma_wait3A_199 : memref<80x128xf32, #tpu.memory_space<vmem>>)
    %dma_wait3A_203 = arith.constant 2 : i32
    %dma_wait3A_204 = arith.constant 0 : i32
    %dma_wait3A_205 = tpu.memref_slice %arg12[%dma_wait3A_203, %dma_wait3A_204] : memref<3x80xi32, #tpu.memory_space<vmem>> -> memref<1x80xi32, #tpu.memory_space<vmem>>
    %dma_wait3A_206 = tpu.memref_squeeze %dma_wait3A_205 : memref<1x80xi32, #tpu.memory_space<vmem>> -> memref<80xi32, #tpu.memory_space<vmem>>
    %dma_wait3A_207 = arith.constant 0 : i32
    %dma_wait3A_208 = tpu.memref_slice %arg4[%dma_wait3A_207] : memref<320000xi32, #tpu.memory_space<hbm>> -> memref<80xi32, #tpu.memory_space<hbm>>
    %dma_wait3A_209 = arith.constant 0 : i32
    %dma_wait3A_210 = tpu.memref_slice %arg12[%dma_wait3A_203, %dma_wait3A_209] : memref<3x80xi32, #tpu.memory_space<vmem>> -> memref<1x80xi32, #tpu.memory_space<vmem>>
    %dma_wait3A_211 = tpu.memref_squeeze %dma_wait3A_210 : memref<1x80xi32, #tpu.memory_space<vmem>> -> memref<80xi32, #tpu.memory_space<vmem>>
    %dma_wait3A_212 = arith.constant 0 : i32
    %dma_wait3A_213 = tpu.memref_slice %arg4[%dma_wait3A_212] : memref<320000xi32, #tpu.memory_space<hbm>> -> memref<80xi32, #tpu.memory_space<hbm>>
    tpu.wait_dma2 semaphore(%arg19 : memref<!tpu.dma_semaphore, #tpu.memory_space<semaphore_mem>>) src(%dma_wait3A_213 : memref<80xi32, #tpu.memory_space<hbm>>) dst(%dma_wait3A_211 : memref<80xi32, #tpu.memory_space<vmem>>)
    %dma_start3A_214 = arith.constant 2 : i32
    %dma_start3A_215 = arith.constant 2 : i32
    %dma_start3A_216 = arith.constant 0 : i32
    %dma_start3A_217 = arith.constant 0 : i32
    %dma_start3A_218 = tpu.memref_slice %arg13[%dma_start3A_214, %dma_start3A_216, %dma_start3A_217] : memref<3x80x128xf32, #tpu.memory_space<vmem>> -> memref<1x80x128xf32, #tpu.memory_space<vmem>>
    %dma_start3A_219 = tpu.memref_squeeze %dma_start3A_218 : memref<1x80x128xf32, #tpu.memory_space<vmem>> -> memref<80x128xf32, #tpu.memory_space<vmem>>
    %dma_start3A_220 = arith.constant 0 : i32
    %dma_start3A_221 = tpu.memref_slice %arg12[%dma_start3A_215, %dma_start3A_220] : memref<3x80xi32, #tpu.memory_space<vmem>> -> memref<1x80xi32, #tpu.memory_space<vmem>>
    %dma_start3A_222 = tpu.memref_squeeze %dma_start3A_221 : memref<1x80xi32, #tpu.memory_space<vmem>> -> memref<80xi32, #tpu.memory_space<vmem>>
    %dma_start3A_223 = arith.constant 0 : i32
    %dma_start3A_224 = arith.constant 0 : i32
    %dma_start3A_225 = tpu.memref_slice %arg10[%dma_start3A_223, %dma_start3A_224] : memref<10000x128xf32, #tpu.memory_space<vmem_shared>> -> memref<10000x128xf32, #tpu.memory_space<vmem_shared>>
    tpu.enqueue_indirect_dma source(%dma_start3A_219 : memref<80x128xf32, #tpu.memory_space<vmem>>) target(%dma_start3A_225 : memref<10000x128xf32, #tpu.memory_space<vmem_shared>>) offsets(%dma_start3A_222 : memref<80xi32, #tpu.memory_space<vmem>>) semaphore(%arg22 : memref<!tpu.dma_semaphore, #tpu.memory_space<semaphore_mem>>) {add = true}
    %dma_wait3A_226 = arith.constant 1 : i32
    %dma_wait3A_227 = arith.constant 0 : i32
    %dma_wait3A_228 = arith.constant 0 : i32
    %dma_wait3A_229 = tpu.memref_slice %arg13[%dma_wait3A_226, %dma_wait3A_227, %dma_wait3A_228] : memref<3x80x128xf32, #tpu.memory_space<vmem>> -> memref<1x80x128xf32, #tpu.memory_space<vmem>>
    %dma_wait3A_230 = tpu.memref_squeeze %dma_wait3A_229 : memref<1x80x128xf32, #tpu.memory_space<vmem>> -> memref<80x128xf32, #tpu.memory_space<vmem>>
    %dma_wait3A_231 = arith.constant 0 : i32
    %dma_wait3A_232 = arith.constant 0 : i32
    %dma_wait3A_233 = tpu.memref_slice %arg10[%dma_wait3A_231, %dma_wait3A_232] : memref<10000x128xf32, #tpu.memory_space<vmem_shared>> -> memref<80x128xf32, #tpu.memory_space<vmem_shared>>
    %dma_wait3A_234 = arith.constant 0 : i32
    %dma_wait3A_235 = arith.constant 0 : i32
    %dma_wait3A_236 = tpu.memref_slice %arg10[%dma_wait3A_234, %dma_wait3A_235] : memref<10000x128xf32, #tpu.memory_space<vmem_shared>> -> memref<80x128xf32, #tpu.memory_space<vmem_shared>>
    %dma_wait3A_237 = arith.constant 0 : i32
    %dma_wait3A_238 = arith.constant 0 : i32
    %dma_wait3A_239 = tpu.memref_slice %arg13[%dma_wait3A_226, %dma_wait3A_237, %dma_wait3A_238] : memref<3x80x128xf32, #tpu.memory_space<vmem>> -> memref<1x80x128xf32, #tpu.memory_space<vmem>>
    %dma_wait3A_240 = tpu.memref_squeeze %dma_wait3A_239 : memref<1x80x128xf32, #tpu.memory_space<vmem>> -> memref<80x128xf32, #tpu.memory_space<vmem>>
    tpu.wait_dma2 semaphore(%arg21 : memref<!tpu.dma_semaphore, #tpu.memory_space<semaphore_mem>>) src(%dma_wait3A_240 : memref<80x128xf32, #tpu.memory_space<vmem>>) dst(%dma_wait3A_236 : memref<80x128xf32, #tpu.memory_space<vmem_shared>>)
    %dma_start3A_241 = arith.constant 1 : i32
    %dma_start3A_242 = arith.constant 0 : i32
    %dma_start3A_243 = arith.constant 0 : i32
    %dma_start3A_244 = tpu.memref_slice %arg13[%dma_start3A_241, %dma_start3A_242, %dma_start3A_243] : memref<3x80x128xf32, #tpu.memory_space<vmem>> -> memref<1x80x128xf32, #tpu.memory_space<vmem>>
    %dma_start3A_245 = tpu.memref_squeeze %dma_start3A_244 : memref<1x80x128xf32, #tpu.memory_space<vmem>> -> memref<80x128xf32, #tpu.memory_space<vmem>>
    %dma_start3A_246 = arith.constant 320 : i32
    %dma_start3A_247 = tpu.memref_slice %arg11[%dma_start3A_246] : memref<10000xi32, #tpu.memory_space<vmem>> -> memref<80xi32, #tpu.memory_space<vmem>>
    %dma_start3A_248 = arith.constant 0 : i32
    %dma_start3A_249 = arith.constant 0 : i32
    %dma_start3A_250 = tpu.memref_slice %arg2[%dma_start3A_248, %dma_start3A_249] : memref<10000x128xf32, #tpu.memory_space<hbm>> -> memref<10000x128xf32, #tpu.memory_space<hbm>>
    tpu.enqueue_indirect_dma source(%dma_start3A_250 : memref<10000x128xf32, #tpu.memory_space<hbm>>) target(%dma_start3A_245 : memref<80x128xf32, #tpu.memory_space<vmem>>) offsets(%dma_start3A_247 : memref<80xi32, #tpu.memory_space<vmem>>) semaphore(%arg15 : memref<!tpu.dma_semaphore, #tpu.memory_space<semaphore_mem>>)
    %add3A_251 = arith.constant 320 : i32
    %add3A_252 = arith.addi %mul3A_2, %add3A_251 : i32
    %dma_start3A_253 = arith.constant 1 : i32
    %dma_start3A_254 = arith.constant 0 : i32
    %dma_start3A_255 = tpu.memref_slice %arg12[%dma_start3A_253, %dma_start3A_254] : memref<3x80xi32, #tpu.memory_space<vmem>> -> memref<1x80xi32, #tpu.memory_space<vmem>>
    %dma_start3A_256 = tpu.memref_squeeze %dma_start3A_255 : memref<1x80xi32, #tpu.memory_space<vmem>> -> memref<80xi32, #tpu.memory_space<vmem>>
    %dma_start3A_257 = tpu.memref_slice %arg4[%add3A_252] : memref<320000xi32, #tpu.memory_space<hbm>> -> memref<80xi32, #tpu.memory_space<hbm>>
    %dma_start3A_258 = arith.constant 0 : i32
    %dma_start3A_259 = tpu.memref_slice %arg12[%dma_start3A_253, %dma_start3A_258] : memref<3x80xi32, #tpu.memory_space<vmem>> -> memref<1x80xi32, #tpu.memory_space<vmem>>
    %dma_start3A_260 = tpu.memref_squeeze %dma_start3A_259 : memref<1x80xi32, #tpu.memory_space<vmem>> -> memref<80xi32, #tpu.memory_space<vmem>>
    %dma_start3A_261 = tpu.memref_slice %arg4[%add3A_252] : memref<320000xi32, #tpu.memory_space<hbm>> -> memref<80xi32, #tpu.memory_space<hbm>>
    tpu.enqueue_dma source(%dma_start3A_261 : memref<80xi32, #tpu.memory_space<hbm>>) target(%dma_start3A_260 : memref<80xi32, #tpu.memory_space<vmem>>) target_semaphore(%arg18 : memref<!tpu.dma_semaphore, #tpu.memory_space<semaphore_mem>>)
    %scan3A = arith.constant 0 : i32
    %scan3A_262 = arith.constant 0 : i32
    %scan3A_263 = arith.constant 40 : i32
    %scan3A_264 = arith.addi %scan3A_262, %scan3A_263 : i32
    %scan3A_265 = arith.constant 1 : i32
    scf.for %scan3A_416 = %scan3A_262 to %scan3A_264 step %scan3A_265  : i32 {
      %mul3A_417 = arith.constant 3 : i32
      %mul3A_418 = arith.muli %scan3A_416, %mul3A_417 : i32
      %add3A_419 = arith.constant 3 : i32
      %add3A_420 = arith.addi %add3A_419, %mul3A_418 : i32
      %add3A_421 = arith.constant 0 : i32
      %add3A_422 = arith.addi %add3A_420, %add3A_421 : i32
      %dma_wait3A_423 = arith.constant 0 : i32
      %dma_wait3A_424 = arith.constant 0 : i32
      %dma_wait3A_425 = arith.constant 0 : i32
      %dma_wait3A_426 = tpu.memref_slice %arg13[%dma_wait3A_423, %dma_wait3A_424, %dma_wait3A_425] : memref<3x80x128xf32, #tpu.memory_space<vmem>> -> memref<1x80x128xf32, #tpu.memory_space<vmem>>
      %dma_wait3A_427 = tpu.memref_squeeze %dma_wait3A_426 : memref<1x80x128xf32, #tpu.memory_space<vmem>> -> memref<80x128xf32, #tpu.memory_space<vmem>>
      %dma_wait3A_428 = arith.constant 0 : i32
      %dma_wait3A_429 = arith.constant 0 : i32
      %dma_wait3A_430 = tpu.memref_slice %arg2[%dma_wait3A_428, %dma_wait3A_429] : memref<10000x128xf32, #tpu.memory_space<hbm>> -> memref<80x128xf32, #tpu.memory_space<hbm>>
      %dma_wait3A_431 = arith.constant 0 : i32
      %dma_wait3A_432 = arith.constant 0 : i32
      %dma_wait3A_433 = tpu.memref_slice %arg13[%dma_wait3A_423, %dma_wait3A_431, %dma_wait3A_432] : memref<3x80x128xf32, #tpu.memory_space<vmem>> -> memref<1x80x128xf32, #tpu.memory_space<vmem>>
      %dma_wait3A_434 = tpu.memref_squeeze %dma_wait3A_433 : memref<1x80x128xf32, #tpu.memory_space<vmem>> -> memref<80x128xf32, #tpu.memory_space<vmem>>
      %dma_wait3A_435 = arith.constant 0 : i32
      %dma_wait3A_436 = arith.constant 0 : i32
      %dma_wait3A_437 = tpu.memref_slice %arg2[%dma_wait3A_435, %dma_wait3A_436] : memref<10000x128xf32, #tpu.memory_space<hbm>> -> memref<80x128xf32, #tpu.memory_space<hbm>>
      tpu.wait_dma2 semaphore(%arg14 : memref<!tpu.dma_semaphore, #tpu.memory_space<semaphore_mem>>) src(%dma_wait3A_437 : memref<80x128xf32, #tpu.memory_space<hbm>>) dst(%dma_wait3A_434 : memref<80x128xf32, #tpu.memory_space<vmem>>)
      %dma_wait3A_438 = arith.constant 0 : i32
      %dma_wait3A_439 = arith.constant 0 : i32
      %dma_wait3A_440 = tpu.memref_slice %arg12[%dma_wait3A_438, %dma_wait3A_439] : memref<3x80xi32, #tpu.memory_space<vmem>> -> memref<1x80xi32, #tpu.memory_space<vmem>>
      %dma_wait3A_441 = tpu.memref_squeeze %dma_wait3A_440 : memref<1x80xi32, #tpu.memory_space<vmem>> -> memref<80xi32, #tpu.memory_space<vmem>>
      %dma_wait3A_442 = arith.constant 0 : i32
      %dma_wait3A_443 = tpu.memref_slice %arg4[%dma_wait3A_442] : memref<320000xi32, #tpu.memory_space<hbm>> -> memref<80xi32, #tpu.memory_space<hbm>>
      %dma_wait3A_444 = arith.constant 0 : i32
      %dma_wait3A_445 = tpu.memref_slice %arg12[%dma_wait3A_438, %dma_wait3A_444] : memref<3x80xi32, #tpu.memory_space<vmem>> -> memref<1x80xi32, #tpu.memory_space<vmem>>
      %dma_wait3A_446 = tpu.memref_squeeze %dma_wait3A_445 : memref<1x80xi32, #tpu.memory_space<vmem>> -> memref<80xi32, #tpu.memory_space<vmem>>
      %dma_wait3A_447 = arith.constant 0 : i32
      %dma_wait3A_448 = tpu.memref_slice %arg4[%dma_wait3A_447] : memref<320000xi32, #tpu.memory_space<hbm>> -> memref<80xi32, #tpu.memory_space<hbm>>
      tpu.wait_dma2 semaphore(%arg17 : memref<!tpu.dma_semaphore, #tpu.memory_space<semaphore_mem>>) src(%dma_wait3A_448 : memref<80xi32, #tpu.memory_space<hbm>>) dst(%dma_wait3A_446 : memref<80xi32, #tpu.memory_space<vmem>>)
      %dma_start3A_449 = arith.constant 0 : i32
      %dma_start3A_450 = arith.constant 0 : i32
      %dma_start3A_451 = arith.constant 0 : i32
      %dma_start3A_452 = arith.constant 0 : i32
      %dma_start3A_453 = tpu.memref_slice %arg13[%dma_start3A_449, %dma_start3A_451, %dma_start3A_452] : memref<3x80x128xf32, #tpu.memory_space<vmem>> -> memref<1x80x128xf32, #tpu.memory_space<vmem>>
      %dma_start3A_454 = tpu.memref_squeeze %dma_start3A_453 : memref<1x80x128xf32, #tpu.memory_space<vmem>> -> memref<80x128xf32, #tpu.memory_space<vmem>>
      %dma_start3A_455 = arith.constant 0 : i32
      %dma_start3A_456 = tpu.memref_slice %arg12[%dma_start3A_450, %dma_start3A_455] : memref<3x80xi32, #tpu.memory_space<vmem>> -> memref<1x80xi32, #tpu.memory_space<vmem>>
      %dma_start3A_457 = tpu.memref_squeeze %dma_start3A_456 : memref<1x80xi32, #tpu.memory_space<vmem>> -> memref<80xi32, #tpu.memory_space<vmem>>
      %dma_start3A_458 = arith.constant 0 : i32
      %dma_start3A_459 = arith.constant 0 : i32
      %dma_start3A_460 = tpu.memref_slice %arg10[%dma_start3A_458, %dma_start3A_459] : memref<10000x128xf32, #tpu.memory_space<vmem_shared>> -> memref<10000x128xf32, #tpu.memory_space<vmem_shared>>
      tpu.enqueue_indirect_dma source(%dma_start3A_454 : memref<80x128xf32, #tpu.memory_space<vmem>>) target(%dma_start3A_460 : memref<10000x128xf32, #tpu.memory_space<vmem_shared>>) offsets(%dma_start3A_457 : memref<80xi32, #tpu.memory_space<vmem>>) semaphore(%arg20 : memref<!tpu.dma_semaphore, #tpu.memory_space<semaphore_mem>>) {add = true}
      %dma_wait3A_461 = arith.constant 2 : i32
      %dma_wait3A_462 = arith.constant 0 : i32
      %dma_wait3A_463 = arith.constant 0 : i32
      %dma_wait3A_464 = tpu.memref_slice %arg13[%dma_wait3A_461, %dma_wait3A_462, %dma_wait3A_463] : memref<3x80x128xf32, #tpu.memory_space<vmem>> -> memref<1x80x128xf32, #tpu.memory_space<vmem>>
      %dma_wait3A_465 = tpu.memref_squeeze %dma_wait3A_464 : memref<1x80x128xf32, #tpu.memory_space<vmem>> -> memref<80x128xf32, #tpu.memory_space<vmem>>
      %dma_wait3A_466 = arith.constant 0 : i32
      %dma_wait3A_467 = arith.constant 0 : i32
      %dma_wait3A_468 = tpu.memref_slice %arg10[%dma_wait3A_466, %dma_wait3A_467] : memref<10000x128xf32, #tpu.memory_space<vmem_shared>> -> memref<80x128xf32, #tpu.memory_space<vmem_shared>>
      %dma_wait3A_469 = arith.constant 0 : i32
      %dma_wait3A_470 = arith.constant 0 : i32
      %dma_wait3A_471 = tpu.memref_slice %arg10[%dma_wait3A_469, %dma_wait3A_470] : memref<10000x128xf32, #tpu.memory_space<vmem_shared>> -> memref<80x128xf32, #tpu.memory_space<vmem_shared>>
      %dma_wait3A_472 = arith.constant 0 : i32
      %dma_wait3A_473 = arith.constant 0 : i32
      %dma_wait3A_474 = tpu.memref_slice %arg13[%dma_wait3A_461, %dma_wait3A_472, %dma_wait3A_473] : memref<3x80x128xf32, #tpu.memory_space<vmem>> -> memref<1x80x128xf32, #tpu.memory_space<vmem>>
      %dma_wait3A_475 = tpu.memref_squeeze %dma_wait3A_474 : memref<1x80x128xf32, #tpu.memory_space<vmem>> -> memref<80x128xf32, #tpu.memory_space<vmem>>
      tpu.wait_dma2 semaphore(%arg22 : memref<!tpu.dma_semaphore, #tpu.memory_space<semaphore_mem>>) src(%dma_wait3A_475 : memref<80x128xf32, #tpu.memory_space<vmem>>) dst(%dma_wait3A_471 : memref<80x128xf32, #tpu.memory_space<vmem_shared>>)
      %add3A_476 = arith.constant 2 : i32
      %add3A_477 = arith.addi %add3A_422, %add3A_476 : i32
      %lt3A_478 = arith.constant 125 : i32
      %lt3A_479 = arith.cmpi slt, %add3A_477, %lt3A_478 : i32
      %convert_element_type3A_480 = arith.extui %lt3A_479 : i1 to i32
      %cond3A_481 = arith.constant 0 : i32
      %cond3A_482 = arith.cmpi ne, %convert_element_type3A_480, %cond3A_481 : i32
      scf.if %cond3A_482 {
        %add3A_615 = arith.constant 2 : i32
        %add3A_616 = arith.addi %add3A_422, %add3A_615 : i32
        %mul3A_617 = arith.constant 80 : i32
        %mul3A_618 = arith.muli %add3A_616, %mul3A_617 : i32
        %dma_start3A_619 = arith.constant 2 : i32
        %dma_start3A_620 = arith.constant 0 : i32
        %dma_start3A_621 = arith.constant 0 : i32
        %dma_start3A_622 = tpu.memref_slice %arg13[%dma_start3A_619, %dma_start3A_620, %dma_start3A_621] : memref<3x80x128xf32, #tpu.memory_space<vmem>> -> memref<1x80x128xf32, #tpu.memory_space<vmem>>
        %dma_start3A_623 = tpu.memref_squeeze %dma_start3A_622 : memref<1x80x128xf32, #tpu.memory_space<vmem>> -> memref<80x128xf32, #tpu.memory_space<vmem>>
        %dma_start3A_624 = tpu.memref_slice %arg11[%mul3A_618] : memref<10000xi32, #tpu.memory_space<vmem>> -> memref<80xi32, #tpu.memory_space<vmem>>
        %dma_start3A_625 = arith.constant 0 : i32
        %dma_start3A_626 = arith.constant 0 : i32
        %dma_start3A_627 = tpu.memref_slice %arg2[%dma_start3A_625, %dma_start3A_626] : memref<10000x128xf32, #tpu.memory_space<hbm>> -> memref<10000x128xf32, #tpu.memory_space<hbm>>
        tpu.enqueue_indirect_dma source(%dma_start3A_627 : memref<10000x128xf32, #tpu.memory_space<hbm>>) target(%dma_start3A_623 : memref<80x128xf32, #tpu.memory_space<vmem>>) offsets(%dma_start3A_624 : memref<80xi32, #tpu.memory_space<vmem>>) semaphore(%arg16 : memref<!tpu.dma_semaphore, #tpu.memory_space<semaphore_mem>>)
        %mul3A_628 = arith.constant 80 : i32
        %mul3A_629 = arith.muli %add3A_616, %mul3A_628 : i32
        %add3A_630 = arith.addi %mul3A_2, %mul3A_629 : i32
        %dma_start3A_631 = arith.constant 2 : i32
        %dma_start3A_632 = arith.constant 0 : i32
        %dma_start3A_633 = tpu.memref_slice %arg12[%dma_start3A_631, %dma_start3A_632] : memref<3x80xi32, #tpu.memory_space<vmem>> -> memref<1x80xi32, #tpu.memory_space<vmem>>
        %dma_start3A_634 = tpu.memref_squeeze %dma_start3A_633 : memref<1x80xi32, #tpu.memory_space<vmem>> -> memref<80xi32, #tpu.memory_space<vmem>>
        %dma_start3A_635 = tpu.memref_slice %arg4[%add3A_630] : memref<320000xi32, #tpu.memory_space<hbm>> -> memref<80xi32, #tpu.memory_space<hbm>>
        %dma_start3A_636 = arith.constant 0 : i32
        %dma_start3A_637 = tpu.memref_slice %arg12[%dma_start3A_631, %dma_start3A_636] : memref<3x80xi32, #tpu.memory_space<vmem>> -> memref<1x80xi32, #tpu.memory_space<vmem>>
        %dma_start3A_638 = tpu.memref_squeeze %dma_start3A_637 : memref<1x80xi32, #tpu.memory_space<vmem>> -> memref<80xi32, #tpu.memory_space<vmem>>
        %dma_start3A_639 = tpu.memref_slice %arg4[%add3A_630] : memref<320000xi32, #tpu.memory_space<hbm>> -> memref<80xi32, #tpu.memory_space<hbm>>
        tpu.enqueue_dma source(%dma_start3A_639 : memref<80xi32, #tpu.memory_space<hbm>>) target(%dma_start3A_638 : memref<80xi32, #tpu.memory_space<vmem>>) target_semaphore(%arg19 : memref<!tpu.dma_semaphore, #tpu.memory_space<semaphore_mem>>)
      } else {
      }
      %mul3A_483 = arith.constant 3 : i32
      %mul3A_484 = arith.muli %scan3A_416, %mul3A_483 : i32
      %add3A_485 = arith.constant 3 : i32
      %add3A_486 = arith.addi %add3A_485, %mul3A_484 : i32
      %add3A_487 = arith.constant 1 : i32
      %add3A_488 = arith.addi %add3A_486, %add3A_487 : i32
      %dma_wait3A_489 = arith.constant 1 : i32
      %dma_wait3A_490 = arith.constant 0 : i32
      %dma_wait3A_491 = arith.constant 0 : i32
      %dma_wait3A_492 = tpu.memref_slice %arg13[%dma_wait3A_489, %dma_wait3A_490, %dma_wait3A_491] : memref<3x80x128xf32, #tpu.memory_space<vmem>> -> memref<1x80x128xf32, #tpu.memory_space<vmem>>
      %dma_wait3A_493 = tpu.memref_squeeze %dma_wait3A_492 : memref<1x80x128xf32, #tpu.memory_space<vmem>> -> memref<80x128xf32, #tpu.memory_space<vmem>>
      %dma_wait3A_494 = arith.constant 0 : i32
      %dma_wait3A_495 = arith.constant 0 : i32
      %dma_wait3A_496 = tpu.memref_slice %arg2[%dma_wait3A_494, %dma_wait3A_495] : memref<10000x128xf32, #tpu.memory_space<hbm>> -> memref<80x128xf32, #tpu.memory_space<hbm>>
      %dma_wait3A_497 = arith.constant 0 : i32
      %dma_wait3A_498 = arith.constant 0 : i32
      %dma_wait3A_499 = tpu.memref_slice %arg13[%dma_wait3A_489, %dma_wait3A_497, %dma_wait3A_498] : memref<3x80x128xf32, #tpu.memory_space<vmem>> -> memref<1x80x128xf32, #tpu.memory_space<vmem>>
      %dma_wait3A_500 = tpu.memref_squeeze %dma_wait3A_499 : memref<1x80x128xf32, #tpu.memory_space<vmem>> -> memref<80x128xf32, #tpu.memory_space<vmem>>
      %dma_wait3A_501 = arith.constant 0 : i32
      %dma_wait3A_502 = arith.constant 0 : i32
      %dma_wait3A_503 = tpu.memref_slice %arg2[%dma_wait3A_501, %dma_wait3A_502] : memref<10000x128xf32, #tpu.memory_space<hbm>> -> memref<80x128xf32, #tpu.memory_space<hbm>>
      tpu.wait_dma2 semaphore(%arg15 : memref<!tpu.dma_semaphore, #tpu.memory_space<semaphore_mem>>) src(%dma_wait3A_503 : memref<80x128xf32, #tpu.memory_space<hbm>>) dst(%dma_wait3A_500 : memref<80x128xf32, #tpu.memory_space<vmem>>)
      %dma_wait3A_504 = arith.constant 1 : i32
      %dma_wait3A_505 = arith.constant 0 : i32
      %dma_wait3A_506 = tpu.memref_slice %arg12[%dma_wait3A_504, %dma_wait3A_505] : memref<3x80xi32, #tpu.memory_space<vmem>> -> memref<1x80xi32, #tpu.memory_space<vmem>>
      %dma_wait3A_507 = tpu.memref_squeeze %dma_wait3A_506 : memref<1x80xi32, #tpu.memory_space<vmem>> -> memref<80xi32, #tpu.memory_space<vmem>>
      %dma_wait3A_508 = arith.constant 0 : i32
      %dma_wait3A_509 = tpu.memref_slice %arg4[%dma_wait3A_508] : memref<320000xi32, #tpu.memory_space<hbm>> -> memref<80xi32, #tpu.memory_space<hbm>>
      %dma_wait3A_510 = arith.constant 0 : i32
      %dma_wait3A_511 = tpu.memref_slice %arg12[%dma_wait3A_504, %dma_wait3A_510] : memref<3x80xi32, #tpu.memory_space<vmem>> -> memref<1x80xi32, #tpu.memory_space<vmem>>
      %dma_wait3A_512 = tpu.memref_squeeze %dma_wait3A_511 : memref<1x80xi32, #tpu.memory_space<vmem>> -> memref<80xi32, #tpu.memory_space<vmem>>
      %dma_wait3A_513 = arith.constant 0 : i32
      %dma_wait3A_514 = tpu.memref_slice %arg4[%dma_wait3A_513] : memref<320000xi32, #tpu.memory_space<hbm>> -> memref<80xi32, #tpu.memory_space<hbm>>
      tpu.wait_dma2 semaphore(%arg18 : memref<!tpu.dma_semaphore, #tpu.memory_space<semaphore_mem>>) src(%dma_wait3A_514 : memref<80xi32, #tpu.memory_space<hbm>>) dst(%dma_wait3A_512 : memref<80xi32, #tpu.memory_space<vmem>>)
      %dma_start3A_515 = arith.constant 1 : i32
      %dma_start3A_516 = arith.constant 1 : i32
      %dma_start3A_517 = arith.constant 0 : i32
      %dma_start3A_518 = arith.constant 0 : i32
      %dma_start3A_519 = tpu.memref_slice %arg13[%dma_start3A_515, %dma_start3A_517, %dma_start3A_518] : memref<3x80x128xf32, #tpu.memory_space<vmem>> -> memref<1x80x128xf32, #tpu.memory_space<vmem>>
      %dma_start3A_520 = tpu.memref_squeeze %dma_start3A_519 : memref<1x80x128xf32, #tpu.memory_space<vmem>> -> memref<80x128xf32, #tpu.memory_space<vmem>>
      %dma_start3A_521 = arith.constant 0 : i32
      %dma_start3A_522 = tpu.memref_slice %arg12[%dma_start3A_516, %dma_start3A_521] : memref<3x80xi32, #tpu.memory_space<vmem>> -> memref<1x80xi32, #tpu.memory_space<vmem>>
      %dma_start3A_523 = tpu.memref_squeeze %dma_start3A_522 : memref<1x80xi32, #tpu.memory_space<vmem>> -> memref<80xi32, #tpu.memory_space<vmem>>
      %dma_start3A_524 = arith.constant 0 : i32
      %dma_start3A_525 = arith.constant 0 : i32
      %dma_start3A_526 = tpu.memref_slice %arg10[%dma_start3A_524, %dma_start3A_525] : memref<10000x128xf32, #tpu.memory_space<vmem_shared>> -> memref<10000x128xf32, #tpu.memory_space<vmem_shared>>
      tpu.enqueue_indirect_dma source(%dma_start3A_520 : memref<80x128xf32, #tpu.memory_space<vmem>>) target(%dma_start3A_526 : memref<10000x128xf32, #tpu.memory_space<vmem_shared>>) offsets(%dma_start3A_523 : memref<80xi32, #tpu.memory_space<vmem>>) semaphore(%arg21 : memref<!tpu.dma_semaphore, #tpu.memory_space<semaphore_mem>>) {add = true}
      %dma_wait3A_527 = arith.constant 0 : i32
      %dma_wait3A_528 = arith.constant 0 : i32
      %dma_wait3A_529 = arith.constant 0 : i32
      %dma_wait3A_530 = tpu.memref_slice %arg13[%dma_wait3A_527, %dma_wait3A_528, %dma_wait3A_529] : memref<3x80x128xf32, #tpu.memory_space<vmem>> -> memref<1x80x128xf32, #tpu.memory_space<vmem>>
      %dma_wait3A_531 = tpu.memref_squeeze %dma_wait3A_530 : memref<1x80x128xf32, #tpu.memory_space<vmem>> -> memref<80x128xf32, #tpu.memory_space<vmem>>
      %dma_wait3A_532 = arith.constant 0 : i32
      %dma_wait3A_533 = arith.constant 0 : i32
      %dma_wait3A_534 = tpu.memref_slice %arg10[%dma_wait3A_532, %dma_wait3A_533] : memref<10000x128xf32, #tpu.memory_space<vmem_shared>> -> memref<80x128xf32, #tpu.memory_space<vmem_shared>>
      %dma_wait3A_535 = arith.constant 0 : i32
      %dma_wait3A_536 = arith.constant 0 : i32
      %dma_wait3A_537 = tpu.memref_slice %arg10[%dma_wait3A_535, %dma_wait3A_536] : memref<10000x128xf32, #tpu.memory_space<vmem_shared>> -> memref<80x128xf32, #tpu.memory_space<vmem_shared>>
      %dma_wait3A_538 = arith.constant 0 : i32
      %dma_wait3A_539 = arith.constant 0 : i32
      %dma_wait3A_540 = tpu.memref_slice %arg13[%dma_wait3A_527, %dma_wait3A_538, %dma_wait3A_539] : memref<3x80x128xf32, #tpu.memory_space<vmem>> -> memref<1x80x128xf32, #tpu.memory_space<vmem>>
      %dma_wait3A_541 = tpu.memref_squeeze %dma_wait3A_540 : memref<1x80x128xf32, #tpu.memory_space<vmem>> -> memref<80x128xf32, #tpu.memory_space<vmem>>
      tpu.wait_dma2 semaphore(%arg20 : memref<!tpu.dma_semaphore, #tpu.memory_space<semaphore_mem>>) src(%dma_wait3A_541 : memref<80x128xf32, #tpu.memory_space<vmem>>) dst(%dma_wait3A_537 : memref<80x128xf32, #tpu.memory_space<vmem_shared>>)
      %add3A_542 = arith.constant 2 : i32
      %add3A_543 = arith.addi %add3A_488, %add3A_542 : i32
      %lt3A_544 = arith.constant 125 : i32
      %lt3A_545 = arith.cmpi slt, %add3A_543, %lt3A_544 : i32
      %convert_element_type3A_546 = arith.extui %lt3A_545 : i1 to i32
      %cond3A_547 = arith.constant 0 : i32
      %cond3A_548 = arith.cmpi ne, %convert_element_type3A_546, %cond3A_547 : i32
      scf.if %cond3A_548 {
        %add3A_615 = arith.constant 2 : i32
        %add3A_616 = arith.addi %add3A_488, %add3A_615 : i32
        %mul3A_617 = arith.constant 80 : i32
        %mul3A_618 = arith.muli %add3A_616, %mul3A_617 : i32
        %dma_start3A_619 = arith.constant 0 : i32
        %dma_start3A_620 = arith.constant 0 : i32
        %dma_start3A_621 = arith.constant 0 : i32
        %dma_start3A_622 = tpu.memref_slice %arg13[%dma_start3A_619, %dma_start3A_620, %dma_start3A_621] : memref<3x80x128xf32, #tpu.memory_space<vmem>> -> memref<1x80x128xf32, #tpu.memory_space<vmem>>
        %dma_start3A_623 = tpu.memref_squeeze %dma_start3A_622 : memref<1x80x128xf32, #tpu.memory_space<vmem>> -> memref<80x128xf32, #tpu.memory_space<vmem>>
        %dma_start3A_624 = tpu.memref_slice %arg11[%mul3A_618] : memref<10000xi32, #tpu.memory_space<vmem>> -> memref<80xi32, #tpu.memory_space<vmem>>
        %dma_start3A_625 = arith.constant 0 : i32
        %dma_start3A_626 = arith.constant 0 : i32
        %dma_start3A_627 = tpu.memref_slice %arg2[%dma_start3A_625, %dma_start3A_626] : memref<10000x128xf32, #tpu.memory_space<hbm>> -> memref<10000x128xf32, #tpu.memory_space<hbm>>
        tpu.enqueue_indirect_dma source(%dma_start3A_627 : memref<10000x128xf32, #tpu.memory_space<hbm>>) target(%dma_start3A_623 : memref<80x128xf32, #tpu.memory_space<vmem>>) offsets(%dma_start3A_624 : memref<80xi32, #tpu.memory_space<vmem>>) semaphore(%arg14 : memref<!tpu.dma_semaphore, #tpu.memory_space<semaphore_mem>>)
        %mul3A_628 = arith.constant 80 : i32
        %mul3A_629 = arith.muli %add3A_616, %mul3A_628 : i32
        %add3A_630 = arith.addi %mul3A_2, %mul3A_629 : i32
        %dma_start3A_631 = arith.constant 0 : i32
        %dma_start3A_632 = arith.constant 0 : i32
        %dma_start3A_633 = tpu.memref_slice %arg12[%dma_start3A_631, %dma_start3A_632] : memref<3x80xi32, #tpu.memory_space<vmem>> -> memref<1x80xi32, #tpu.memory_space<vmem>>
        %dma_start3A_634 = tpu.memref_squeeze %dma_start3A_633 : memref<1x80xi32, #tpu.memory_space<vmem>> -> memref<80xi32, #tpu.memory_space<vmem>>
        %dma_start3A_635 = tpu.memref_slice %arg4[%add3A_630] : memref<320000xi32, #tpu.memory_space<hbm>> -> memref<80xi32, #tpu.memory_space<hbm>>
        %dma_start3A_636 = arith.constant 0 : i32
        %dma_start3A_637 = tpu.memref_slice %arg12[%dma_start3A_631, %dma_start3A_636] : memref<3x80xi32, #tpu.memory_space<vmem>> -> memref<1x80xi32, #tpu.memory_space<vmem>>
        %dma_start3A_638 = tpu.memref_squeeze %dma_start3A_637 : memref<1x80xi32, #tpu.memory_space<vmem>> -> memref<80xi32, #tpu.memory_space<vmem>>
        %dma_start3A_639 = tpu.memref_slice %arg4[%add3A_630] : memref<320000xi32, #tpu.memory_space<hbm>> -> memref<80xi32, #tpu.memory_space<hbm>>
        tpu.enqueue_dma source(%dma_start3A_639 : memref<80xi32, #tpu.memory_space<hbm>>) target(%dma_start3A_638 : memref<80xi32, #tpu.memory_space<vmem>>) target_semaphore(%arg17 : memref<!tpu.dma_semaphore, #tpu.memory_space<semaphore_mem>>)
      } else {
      }
      %mul3A_549 = arith.constant 3 : i32
      %mul3A_550 = arith.muli %scan3A_416, %mul3A_549 : i32
      %add3A_551 = arith.constant 3 : i32
      %add3A_552 = arith.addi %add3A_551, %mul3A_550 : i32
      %add3A_553 = arith.constant 2 : i32
      %add3A_554 = arith.addi %add3A_552, %add3A_553 : i32
      %dma_wait3A_555 = arith.constant 2 : i32
      %dma_wait3A_556 = arith.constant 0 : i32
      %dma_wait3A_557 = arith.constant 0 : i32
      %dma_wait3A_558 = tpu.memref_slice %arg13[%dma_wait3A_555, %dma_wait3A_556, %dma_wait3A_557] : memref<3x80x128xf32, #tpu.memory_space<vmem>> -> memref<1x80x128xf32, #tpu.memory_space<vmem>>
      %dma_wait3A_559 = tpu.memref_squeeze %dma_wait3A_558 : memref<1x80x128xf32, #tpu.memory_space<vmem>> -> memref<80x128xf32, #tpu.memory_space<vmem>>
      %dma_wait3A_560 = arith.constant 0 : i32
      %dma_wait3A_561 = arith.constant 0 : i32
      %dma_wait3A_562 = tpu.memref_slice %arg2[%dma_wait3A_560, %dma_wait3A_561] : memref<10000x128xf32, #tpu.memory_space<hbm>> -> memref<80x128xf32, #tpu.memory_space<hbm>>
      %dma_wait3A_563 = arith.constant 0 : i32
      %dma_wait3A_564 = arith.constant 0 : i32
      %dma_wait3A_565 = tpu.memref_slice %arg13[%dma_wait3A_555, %dma_wait3A_563, %dma_wait3A_564] : memref<3x80x128xf32, #tpu.memory_space<vmem>> -> memref<1x80x128xf32, #tpu.memory_space<vmem>>
      %dma_wait3A_566 = tpu.memref_squeeze %dma_wait3A_565 : memref<1x80x128xf32, #tpu.memory_space<vmem>> -> memref<80x128xf32, #tpu.memory_space<vmem>>
      %dma_wait3A_567 = arith.constant 0 : i32
      %dma_wait3A_568 = arith.constant 0 : i32
      %dma_wait3A_569 = tpu.memref_slice %arg2[%dma_wait3A_567, %dma_wait3A_568] : memref<10000x128xf32, #tpu.memory_space<hbm>> -> memref<80x128xf32, #tpu.memory_space<hbm>>
      tpu.wait_dma2 semaphore(%arg16 : memref<!tpu.dma_semaphore, #tpu.memory_space<semaphore_mem>>) src(%dma_wait3A_569 : memref<80x128xf32, #tpu.memory_space<hbm>>) dst(%dma_wait3A_566 : memref<80x128xf32, #tpu.memory_space<vmem>>)
      %dma_wait3A_570 = arith.constant 2 : i32
      %dma_wait3A_571 = arith.constant 0 : i32
      %dma_wait3A_572 = tpu.memref_slice %arg12[%dma_wait3A_570, %dma_wait3A_571] : memref<3x80xi32, #tpu.memory_space<vmem>> -> memref<1x80xi32, #tpu.memory_space<vmem>>
      %dma_wait3A_573 = tpu.memref_squeeze %dma_wait3A_572 : memref<1x80xi32, #tpu.memory_space<vmem>> -> memref<80xi32, #tpu.memory_space<vmem>>
      %dma_wait3A_574 = arith.constant 0 : i32
      %dma_wait3A_575 = tpu.memref_slice %arg4[%dma_wait3A_574] : memref<320000xi32, #tpu.memory_space<hbm>> -> memref<80xi32, #tpu.memory_space<hbm>>
      %dma_wait3A_576 = arith.constant 0 : i32
      %dma_wait3A_577 = tpu.memref_slice %arg12[%dma_wait3A_570, %dma_wait3A_576] : memref<3x80xi32, #tpu.memory_space<vmem>> -> memref<1x80xi32, #tpu.memory_space<vmem>>
      %dma_wait3A_578 = tpu.memref_squeeze %dma_wait3A_577 : memref<1x80xi32, #tpu.memory_space<vmem>> -> memref<80xi32, #tpu.memory_space<vmem>>
      %dma_wait3A_579 = arith.constant 0 : i32
      %dma_wait3A_580 = tpu.memref_slice %arg4[%dma_wait3A_579] : memref<320000xi32, #tpu.memory_space<hbm>> -> memref<80xi32, #tpu.memory_space<hbm>>
      tpu.wait_dma2 semaphore(%arg19 : memref<!tpu.dma_semaphore, #tpu.memory_space<semaphore_mem>>) src(%dma_wait3A_580 : memref<80xi32, #tpu.memory_space<hbm>>) dst(%dma_wait3A_578 : memref<80xi32, #tpu.memory_space<vmem>>)
      %dma_start3A_581 = arith.constant 2 : i32
      %dma_start3A_582 = arith.constant 2 : i32
      %dma_start3A_583 = arith.constant 0 : i32
      %dma_start3A_584 = arith.constant 0 : i32
      %dma_start3A_585 = tpu.memref_slice %arg13[%dma_start3A_581, %dma_start3A_583, %dma_start3A_584] : memref<3x80x128xf32, #tpu.memory_space<vmem>> -> memref<1x80x128xf32, #tpu.memory_space<vmem>>
      %dma_start3A_586 = tpu.memref_squeeze %dma_start3A_585 : memref<1x80x128xf32, #tpu.memory_space<vmem>> -> memref<80x128xf32, #tpu.memory_space<vmem>>
      %dma_start3A_587 = arith.constant 0 : i32
      %dma_start3A_588 = tpu.memref_slice %arg12[%dma_start3A_582, %dma_start3A_587] : memref<3x80xi32, #tpu.memory_space<vmem>> -> memref<1x80xi32, #tpu.memory_space<vmem>>
      %dma_start3A_589 = tpu.memref_squeeze %dma_start3A_588 : memref<1x80xi32, #tpu.memory_space<vmem>> -> memref<80xi32, #tpu.memory_space<vmem>>
      %dma_start3A_590 = arith.constant 0 : i32
      %dma_start3A_591 = arith.constant 0 : i32
      %dma_start3A_592 = tpu.memref_slice %arg10[%dma_start3A_590, %dma_start3A_591] : memref<10000x128xf32, #tpu.memory_space<vmem_shared>> -> memref<10000x128xf32, #tpu.memory_space<vmem_shared>>
      tpu.enqueue_indirect_dma source(%dma_start3A_586 : memref<80x128xf32, #tpu.memory_space<vmem>>) target(%dma_start3A_592 : memref<10000x128xf32, #tpu.memory_space<vmem_shared>>) offsets(%dma_start3A_589 : memref<80xi32, #tpu.memory_space<vmem>>) semaphore(%arg22 : memref<!tpu.dma_semaphore, #tpu.memory_space<semaphore_mem>>) {add = true}
      %dma_wait3A_593 = arith.constant 1 : i32
      %dma_wait3A_594 = arith.constant 0 : i32
      %dma_wait3A_595 = arith.constant 0 : i32
      %dma_wait3A_596 = tpu.memref_slice %arg13[%dma_wait3A_593, %dma_wait3A_594, %dma_wait3A_595] : memref<3x80x128xf32, #tpu.memory_space<vmem>> -> memref<1x80x128xf32, #tpu.memory_space<vmem>>
      %dma_wait3A_597 = tpu.memref_squeeze %dma_wait3A_596 : memref<1x80x128xf32, #tpu.memory_space<vmem>> -> memref<80x128xf32, #tpu.memory_space<vmem>>
      %dma_wait3A_598 = arith.constant 0 : i32
      %dma_wait3A_599 = arith.constant 0 : i32
      %dma_wait3A_600 = tpu.memref_slice %arg10[%dma_wait3A_598, %dma_wait3A_599] : memref<10000x128xf32, #tpu.memory_space<vmem_shared>> -> memref<80x128xf32, #tpu.memory_space<vmem_shared>>
      %dma_wait3A_601 = arith.constant 0 : i32
      %dma_wait3A_602 = arith.constant 0 : i32
      %dma_wait3A_603 = tpu.memref_slice %arg10[%dma_wait3A_601, %dma_wait3A_602] : memref<10000x128xf32, #tpu.memory_space<vmem_shared>> -> memref<80x128xf32, #tpu.memory_space<vmem_shared>>
      %dma_wait3A_604 = arith.constant 0 : i32
      %dma_wait3A_605 = arith.constant 0 : i32
      %dma_wait3A_606 = tpu.memref_slice %arg13[%dma_wait3A_593, %dma_wait3A_604, %dma_wait3A_605] : memref<3x80x128xf32, #tpu.memory_space<vmem>> -> memref<1x80x128xf32, #tpu.memory_space<vmem>>
      %dma_wait3A_607 = tpu.memref_squeeze %dma_wait3A_606 : memref<1x80x128xf32, #tpu.memory_space<vmem>> -> memref<80x128xf32, #tpu.memory_space<vmem>>
      tpu.wait_dma2 semaphore(%arg21 : memref<!tpu.dma_semaphore, #tpu.memory_space<semaphore_mem>>) src(%dma_wait3A_607 : memref<80x128xf32, #tpu.memory_space<vmem>>) dst(%dma_wait3A_603 : memref<80x128xf32, #tpu.memory_space<vmem_shared>>)
      %add3A_608 = arith.constant 2 : i32
      %add3A_609 = arith.addi %add3A_554, %add3A_608 : i32
      %lt3A_610 = arith.constant 125 : i32
      %lt3A_611 = arith.cmpi slt, %add3A_609, %lt3A_610 : i32
      %convert_element_type3A_612 = arith.extui %lt3A_611 : i1 to i32
      %cond3A_613 = arith.constant 0 : i32
      %cond3A_614 = arith.cmpi ne, %convert_element_type3A_612, %cond3A_613 : i32
      scf.if %cond3A_614 {
        %add3A_615 = arith.constant 2 : i32
        %add3A_616 = arith.addi %add3A_554, %add3A_615 : i32
        %mul3A_617 = arith.constant 80 : i32
        %mul3A_618 = arith.muli %add3A_616, %mul3A_617 : i32
        %dma_start3A_619 = arith.constant 1 : i32
        %dma_start3A_620 = arith.constant 0 : i32
        %dma_start3A_621 = arith.constant 0 : i32
        %dma_start3A_622 = tpu.memref_slice %arg13[%dma_start3A_619, %dma_start3A_620, %dma_start3A_621] : memref<3x80x128xf32, #tpu.memory_space<vmem>> -> memref<1x80x128xf32, #tpu.memory_space<vmem>>
        %dma_start3A_623 = tpu.memref_squeeze %dma_start3A_622 : memref<1x80x128xf32, #tpu.memory_space<vmem>> -> memref<80x128xf32, #tpu.memory_space<vmem>>
        %dma_start3A_624 = tpu.memref_slice %arg11[%mul3A_618] : memref<10000xi32, #tpu.memory_space<vmem>> -> memref<80xi32, #tpu.memory_space<vmem>>
        %dma_start3A_625 = arith.constant 0 : i32
        %dma_start3A_626 = arith.constant 0 : i32
        %dma_start3A_627 = tpu.memref_slice %arg2[%dma_start3A_625, %dma_start3A_626] : memref<10000x128xf32, #tpu.memory_space<hbm>> -> memref<10000x128xf32, #tpu.memory_space<hbm>>
        tpu.enqueue_indirect_dma source(%dma_start3A_627 : memref<10000x128xf32, #tpu.memory_space<hbm>>) target(%dma_start3A_623 : memref<80x128xf32, #tpu.memory_space<vmem>>) offsets(%dma_start3A_624 : memref<80xi32, #tpu.memory_space<vmem>>) semaphore(%arg15 : memref<!tpu.dma_semaphore, #tpu.memory_space<semaphore_mem>>)
        %mul3A_628 = arith.constant 80 : i32
        %mul3A_629 = arith.muli %add3A_616, %mul3A_628 : i32
        %add3A_630 = arith.addi %mul3A_2, %mul3A_629 : i32
        %dma_start3A_631 = arith.constant 1 : i32
        %dma_start3A_632 = arith.constant 0 : i32
        %dma_start3A_633 = tpu.memref_slice %arg12[%dma_start3A_631, %dma_start3A_632] : memref<3x80xi32, #tpu.memory_space<vmem>> -> memref<1x80xi32, #tpu.memory_space<vmem>>
        %dma_start3A_634 = tpu.memref_squeeze %dma_start3A_633 : memref<1x80xi32, #tpu.memory_space<vmem>> -> memref<80xi32, #tpu.memory_space<vmem>>
        %dma_start3A_635 = tpu.memref_slice %arg4[%add3A_630] : memref<320000xi32, #tpu.memory_space<hbm>> -> memref<80xi32, #tpu.memory_space<hbm>>
        %dma_start3A_636 = arith.constant 0 : i32
        %dma_start3A_637 = tpu.memref_slice %arg12[%dma_start3A_631, %dma_start3A_636] : memref<3x80xi32, #tpu.memory_space<vmem>> -> memref<1x80xi32, #tpu.memory_space<vmem>>
        %dma_start3A_638 = tpu.memref_squeeze %dma_start3A_637 : memref<1x80xi32, #tpu.memory_space<vmem>> -> memref<80xi32, #tpu.memory_space<vmem>>
        %dma_start3A_639 = tpu.memref_slice %arg4[%add3A_630] : memref<320000xi32, #tpu.memory_space<hbm>> -> memref<80xi32, #tpu.memory_space<hbm>>
        tpu.enqueue_dma source(%dma_start3A_639 : memref<80xi32, #tpu.memory_space<hbm>>) target(%dma_start3A_638 : memref<80xi32, #tpu.memory_space<vmem>>) target_semaphore(%arg18 : memref<!tpu.dma_semaphore, #tpu.memory_space<semaphore_mem>>)
      } else {
      }
    }
    %scan3A_266 = arith.constant 40 : i32
    %dma_wait3A_267 = arith.constant 0 : i32
    %dma_wait3A_268 = arith.constant 0 : i32
    %dma_wait3A_269 = arith.constant 0 : i32
    %dma_wait3A_270 = tpu.memref_slice %arg13[%dma_wait3A_267, %dma_wait3A_268, %dma_wait3A_269] : memref<3x80x128xf32, #tpu.memory_space<vmem>> -> memref<1x80x128xf32, #tpu.memory_space<vmem>>
    %dma_wait3A_271 = tpu.memref_squeeze %dma_wait3A_270 : memref<1x80x128xf32, #tpu.memory_space<vmem>> -> memref<80x128xf32, #tpu.memory_space<vmem>>
    %dma_wait3A_272 = arith.constant 0 : i32
    %dma_wait3A_273 = arith.constant 0 : i32
    %dma_wait3A_274 = tpu.memref_slice %arg2[%dma_wait3A_272, %dma_wait3A_273] : memref<10000x128xf32, #tpu.memory_space<hbm>> -> memref<80x128xf32, #tpu.memory_space<hbm>>
    %dma_wait3A_275 = arith.constant 0 : i32
    %dma_wait3A_276 = arith.constant 0 : i32
    %dma_wait3A_277 = tpu.memref_slice %arg13[%dma_wait3A_267, %dma_wait3A_275, %dma_wait3A_276] : memref<3x80x128xf32, #tpu.memory_space<vmem>> -> memref<1x80x128xf32, #tpu.memory_space<vmem>>
    %dma_wait3A_278 = tpu.memref_squeeze %dma_wait3A_277 : memref<1x80x128xf32, #tpu.memory_space<vmem>> -> memref<80x128xf32, #tpu.memory_space<vmem>>
    %dma_wait3A_279 = arith.constant 0 : i32
    %dma_wait3A_280 = arith.constant 0 : i32
    %dma_wait3A_281 = tpu.memref_slice %arg2[%dma_wait3A_279, %dma_wait3A_280] : memref<10000x128xf32, #tpu.memory_space<hbm>> -> memref<80x128xf32, #tpu.memory_space<hbm>>
    tpu.wait_dma2 semaphore(%arg14 : memref<!tpu.dma_semaphore, #tpu.memory_space<semaphore_mem>>) src(%dma_wait3A_281 : memref<80x128xf32, #tpu.memory_space<hbm>>) dst(%dma_wait3A_278 : memref<80x128xf32, #tpu.memory_space<vmem>>)
    %dma_wait3A_282 = arith.constant 0 : i32
    %dma_wait3A_283 = arith.constant 0 : i32
    %dma_wait3A_284 = tpu.memref_slice %arg12[%dma_wait3A_282, %dma_wait3A_283] : memref<3x80xi32, #tpu.memory_space<vmem>> -> memref<1x80xi32, #tpu.memory_space<vmem>>
    %dma_wait3A_285 = tpu.memref_squeeze %dma_wait3A_284 : memref<1x80xi32, #tpu.memory_space<vmem>> -> memref<80xi32, #tpu.memory_space<vmem>>
    %dma_wait3A_286 = arith.constant 0 : i32
    %dma_wait3A_287 = tpu.memref_slice %arg4[%dma_wait3A_286] : memref<320000xi32, #tpu.memory_space<hbm>> -> memref<80xi32, #tpu.memory_space<hbm>>
    %dma_wait3A_288 = arith.constant 0 : i32
    %dma_wait3A_289 = tpu.memref_slice %arg12[%dma_wait3A_282, %dma_wait3A_288] : memref<3x80xi32, #tpu.memory_space<vmem>> -> memref<1x80xi32, #tpu.memory_space<vmem>>
    %dma_wait3A_290 = tpu.memref_squeeze %dma_wait3A_289 : memref<1x80xi32, #tpu.memory_space<vmem>> -> memref<80xi32, #tpu.memory_space<vmem>>
    %dma_wait3A_291 = arith.constant 0 : i32
    %dma_wait3A_292 = tpu.memref_slice %arg4[%dma_wait3A_291] : memref<320000xi32, #tpu.memory_space<hbm>> -> memref<80xi32, #tpu.memory_space<hbm>>
    tpu.wait_dma2 semaphore(%arg17 : memref<!tpu.dma_semaphore, #tpu.memory_space<semaphore_mem>>) src(%dma_wait3A_292 : memref<80xi32, #tpu.memory_space<hbm>>) dst(%dma_wait3A_290 : memref<80xi32, #tpu.memory_space<vmem>>)
    %dma_start3A_293 = arith.constant 0 : i32
    %dma_start3A_294 = arith.constant 0 : i32
    %dma_start3A_295 = arith.constant 0 : i32
    %dma_start3A_296 = arith.constant 0 : i32
    %dma_start3A_297 = tpu.memref_slice %arg13[%dma_start3A_293, %dma_start3A_295, %dma_start3A_296] : memref<3x80x128xf32, #tpu.memory_space<vmem>> -> memref<1x80x128xf32, #tpu.memory_space<vmem>>
    %dma_start3A_298 = tpu.memref_squeeze %dma_start3A_297 : memref<1x80x128xf32, #tpu.memory_space<vmem>> -> memref<80x128xf32, #tpu.memory_space<vmem>>
    %dma_start3A_299 = arith.constant 0 : i32
    %dma_start3A_300 = tpu.memref_slice %arg12[%dma_start3A_294, %dma_start3A_299] : memref<3x80xi32, #tpu.memory_space<vmem>> -> memref<1x80xi32, #tpu.memory_space<vmem>>
    %dma_start3A_301 = tpu.memref_squeeze %dma_start3A_300 : memref<1x80xi32, #tpu.memory_space<vmem>> -> memref<80xi32, #tpu.memory_space<vmem>>
    %dma_start3A_302 = arith.constant 0 : i32
    %dma_start3A_303 = arith.constant 0 : i32
    %dma_start3A_304 = tpu.memref_slice %arg10[%dma_start3A_302, %dma_start3A_303] : memref<10000x128xf32, #tpu.memory_space<vmem_shared>> -> memref<10000x128xf32, #tpu.memory_space<vmem_shared>>
    tpu.enqueue_indirect_dma source(%dma_start3A_298 : memref<80x128xf32, #tpu.memory_space<vmem>>) target(%dma_start3A_304 : memref<10000x128xf32, #tpu.memory_space<vmem_shared>>) offsets(%dma_start3A_301 : memref<80xi32, #tpu.memory_space<vmem>>) semaphore(%arg20 : memref<!tpu.dma_semaphore, #tpu.memory_space<semaphore_mem>>) {add = true}
    %dma_wait3A_305 = arith.constant 2 : i32
    %dma_wait3A_306 = arith.constant 0 : i32
    %dma_wait3A_307 = arith.constant 0 : i32
    %dma_wait3A_308 = tpu.memref_slice %arg13[%dma_wait3A_305, %dma_wait3A_306, %dma_wait3A_307] : memref<3x80x128xf32, #tpu.memory_space<vmem>> -> memref<1x80x128xf32, #tpu.memory_space<vmem>>
    %dma_wait3A_309 = tpu.memref_squeeze %dma_wait3A_308 : memref<1x80x128xf32, #tpu.memory_space<vmem>> -> memref<80x128xf32, #tpu.memory_space<vmem>>
    %dma_wait3A_310 = arith.constant 0 : i32
    %dma_wait3A_311 = arith.constant 0 : i32
    %dma_wait3A_312 = tpu.memref_slice %arg10[%dma_wait3A_310, %dma_wait3A_311] : memref<10000x128xf32, #tpu.memory_space<vmem_shared>> -> memref<80x128xf32, #tpu.memory_space<vmem_shared>>
    %dma_wait3A_313 = arith.constant 0 : i32
    %dma_wait3A_314 = arith.constant 0 : i32
    %dma_wait3A_315 = tpu.memref_slice %arg10[%dma_wait3A_313, %dma_wait3A_314] : memref<10000x128xf32, #tpu.memory_space<vmem_shared>> -> memref<80x128xf32, #tpu.memory_space<vmem_shared>>
    %dma_wait3A_316 = arith.constant 0 : i32
    %dma_wait3A_317 = arith.constant 0 : i32
    %dma_wait3A_318 = tpu.memref_slice %arg13[%dma_wait3A_305, %dma_wait3A_316, %dma_wait3A_317] : memref<3x80x128xf32, #tpu.memory_space<vmem>> -> memref<1x80x128xf32, #tpu.memory_space<vmem>>
    %dma_wait3A_319 = tpu.memref_squeeze %dma_wait3A_318 : memref<1x80x128xf32, #tpu.memory_space<vmem>> -> memref<80x128xf32, #tpu.memory_space<vmem>>
    tpu.wait_dma2 semaphore(%arg22 : memref<!tpu.dma_semaphore, #tpu.memory_space<semaphore_mem>>) src(%dma_wait3A_319 : memref<80x128xf32, #tpu.memory_space<vmem>>) dst(%dma_wait3A_315 : memref<80x128xf32, #tpu.memory_space<vmem_shared>>)
    %dma_wait3A_320 = arith.constant 1 : i32
    %dma_wait3A_321 = arith.constant 0 : i32
    %dma_wait3A_322 = arith.constant 0 : i32
    %dma_wait3A_323 = tpu.memref_slice %arg13[%dma_wait3A_320, %dma_wait3A_321, %dma_wait3A_322] : memref<3x80x128xf32, #tpu.memory_space<vmem>> -> memref<1x80x128xf32, #tpu.memory_space<vmem>>
    %dma_wait3A_324 = tpu.memref_squeeze %dma_wait3A_323 : memref<1x80x128xf32, #tpu.memory_space<vmem>> -> memref<80x128xf32, #tpu.memory_space<vmem>>
    %dma_wait3A_325 = arith.constant 0 : i32
    %dma_wait3A_326 = arith.constant 0 : i32
    %dma_wait3A_327 = tpu.memref_slice %arg2[%dma_wait3A_325, %dma_wait3A_326] : memref<10000x128xf32, #tpu.memory_space<hbm>> -> memref<80x128xf32, #tpu.memory_space<hbm>>
    %dma_wait3A_328 = arith.constant 0 : i32
    %dma_wait3A_329 = arith.constant 0 : i32
    %dma_wait3A_330 = tpu.memref_slice %arg13[%dma_wait3A_320, %dma_wait3A_328, %dma_wait3A_329] : memref<3x80x128xf32, #tpu.memory_space<vmem>> -> memref<1x80x128xf32, #tpu.memory_space<vmem>>
    %dma_wait3A_331 = tpu.memref_squeeze %dma_wait3A_330 : memref<1x80x128xf32, #tpu.memory_space<vmem>> -> memref<80x128xf32, #tpu.memory_space<vmem>>
    %dma_wait3A_332 = arith.constant 0 : i32
    %dma_wait3A_333 = arith.constant 0 : i32
    %dma_wait3A_334 = tpu.memref_slice %arg2[%dma_wait3A_332, %dma_wait3A_333] : memref<10000x128xf32, #tpu.memory_space<hbm>> -> memref<80x128xf32, #tpu.memory_space<hbm>>
    tpu.wait_dma2 semaphore(%arg15 : memref<!tpu.dma_semaphore, #tpu.memory_space<semaphore_mem>>) src(%dma_wait3A_334 : memref<80x128xf32, #tpu.memory_space<hbm>>) dst(%dma_wait3A_331 : memref<80x128xf32, #tpu.memory_space<vmem>>)
    %dma_wait3A_335 = arith.constant 1 : i32
    %dma_wait3A_336 = arith.constant 0 : i32
    %dma_wait3A_337 = tpu.memref_slice %arg12[%dma_wait3A_335, %dma_wait3A_336] : memref<3x80xi32, #tpu.memory_space<vmem>> -> memref<1x80xi32, #tpu.memory_space<vmem>>
    %dma_wait3A_338 = tpu.memref_squeeze %dma_wait3A_337 : memref<1x80xi32, #tpu.memory_space<vmem>> -> memref<80xi32, #tpu.memory_space<vmem>>
    %dma_wait3A_339 = arith.constant 0 : i32
    %dma_wait3A_340 = tpu.memref_slice %arg4[%dma_wait3A_339] : memref<320000xi32, #tpu.memory_space<hbm>> -> memref<80xi32, #tpu.memory_space<hbm>>
    %dma_wait3A_341 = arith.constant 0 : i32
    %dma_wait3A_342 = tpu.memref_slice %arg12[%dma_wait3A_335, %dma_wait3A_341] : memref<3x80xi32, #tpu.memory_space<vmem>> -> memref<1x80xi32, #tpu.memory_space<vmem>>
    %dma_wait3A_343 = tpu.memref_squeeze %dma_wait3A_342 : memref<1x80xi32, #tpu.memory_space<vmem>> -> memref<80xi32, #tpu.memory_space<vmem>>
    %dma_wait3A_344 = arith.constant 0 : i32
    %dma_wait3A_345 = tpu.memref_slice %arg4[%dma_wait3A_344] : memref<320000xi32, #tpu.memory_space<hbm>> -> memref<80xi32, #tpu.memory_space<hbm>>
    tpu.wait_dma2 semaphore(%arg18 : memref<!tpu.dma_semaphore, #tpu.memory_space<semaphore_mem>>) src(%dma_wait3A_345 : memref<80xi32, #tpu.memory_space<hbm>>) dst(%dma_wait3A_343 : memref<80xi32, #tpu.memory_space<vmem>>)
    %dma_start3A_346 = arith.constant 1 : i32
    %dma_start3A_347 = arith.constant 1 : i32
    %dma_start3A_348 = arith.constant 0 : i32
    %dma_start3A_349 = arith.constant 0 : i32
    %dma_start3A_350 = tpu.memref_slice %arg13[%dma_start3A_346, %dma_start3A_348, %dma_start3A_349] : memref<3x80x128xf32, #tpu.memory_space<vmem>> -> memref<1x80x128xf32, #tpu.memory_space<vmem>>
    %dma_start3A_351 = tpu.memref_squeeze %dma_start3A_350 : memref<1x80x128xf32, #tpu.memory_space<vmem>> -> memref<80x128xf32, #tpu.memory_space<vmem>>
    %dma_start3A_352 = arith.constant 0 : i32
    %dma_start3A_353 = tpu.memref_slice %arg12[%dma_start3A_347, %dma_start3A_352] : memref<3x80xi32, #tpu.memory_space<vmem>> -> memref<1x80xi32, #tpu.memory_space<vmem>>
    %dma_start3A_354 = tpu.memref_squeeze %dma_start3A_353 : memref<1x80xi32, #tpu.memory_space<vmem>> -> memref<80xi32, #tpu.memory_space<vmem>>
    %dma_start3A_355 = arith.constant 0 : i32
    %dma_start3A_356 = arith.constant 0 : i32
    %dma_start3A_357 = tpu.memref_slice %arg10[%dma_start3A_355, %dma_start3A_356] : memref<10000x128xf32, #tpu.memory_space<vmem_shared>> -> memref<10000x128xf32, #tpu.memory_space<vmem_shared>>
    tpu.enqueue_indirect_dma source(%dma_start3A_351 : memref<80x128xf32, #tpu.memory_space<vmem>>) target(%dma_start3A_357 : memref<10000x128xf32, #tpu.memory_space<vmem_shared>>) offsets(%dma_start3A_354 : memref<80xi32, #tpu.memory_space<vmem>>) semaphore(%arg21 : memref<!tpu.dma_semaphore, #tpu.memory_space<semaphore_mem>>) {add = true}
    %dma_wait3A_358 = arith.constant 0 : i32
    %dma_wait3A_359 = arith.constant 0 : i32
    %dma_wait3A_360 = arith.constant 0 : i32
    %dma_wait3A_361 = tpu.memref_slice %arg13[%dma_wait3A_358, %dma_wait3A_359, %dma_wait3A_360] : memref<3x80x128xf32, #tpu.memory_space<vmem>> -> memref<1x80x128xf32, #tpu.memory_space<vmem>>
    %dma_wait3A_362 = tpu.memref_squeeze %dma_wait3A_361 : memref<1x80x128xf32, #tpu.memory_space<vmem>> -> memref<80x128xf32, #tpu.memory_space<vmem>>
    %dma_wait3A_363 = arith.constant 0 : i32
    %dma_wait3A_364 = arith.constant 0 : i32
    %dma_wait3A_365 = tpu.memref_slice %arg10[%dma_wait3A_363, %dma_wait3A_364] : memref<10000x128xf32, #tpu.memory_space<vmem_shared>> -> memref<80x128xf32, #tpu.memory_space<vmem_shared>>
    %dma_wait3A_366 = arith.constant 0 : i32
    %dma_wait3A_367 = arith.constant 0 : i32
    %dma_wait3A_368 = tpu.memref_slice %arg10[%dma_wait3A_366, %dma_wait3A_367] : memref<10000x128xf32, #tpu.memory_space<vmem_shared>> -> memref<80x128xf32, #tpu.memory_space<vmem_shared>>
    %dma_wait3A_369 = arith.constant 0 : i32
    %dma_wait3A_370 = arith.constant 0 : i32
    %dma_wait3A_371 = tpu.memref_slice %arg13[%dma_wait3A_358, %dma_wait3A_369, %dma_wait3A_370] : memref<3x80x128xf32, #tpu.memory_space<vmem>> -> memref<1x80x128xf32, #tpu.memory_space<vmem>>
    %dma_wait3A_372 = tpu.memref_squeeze %dma_wait3A_371 : memref<1x80x128xf32, #tpu.memory_space<vmem>> -> memref<80x128xf32, #tpu.memory_space<vmem>>
    tpu.wait_dma2 semaphore(%arg20 : memref<!tpu.dma_semaphore, #tpu.memory_space<semaphore_mem>>) src(%dma_wait3A_372 : memref<80x128xf32, #tpu.memory_space<vmem>>) dst(%dma_wait3A_368 : memref<80x128xf32, #tpu.memory_space<vmem_shared>>)
    %dma_wait3A_373 = arith.constant 1 : i32
    %dma_wait3A_374 = arith.constant 0 : i32
    %dma_wait3A_375 = arith.constant 0 : i32
    %dma_wait3A_376 = tpu.memref_slice %arg13[%dma_wait3A_373, %dma_wait3A_374, %dma_wait3A_375] : memref<3x80x128xf32, #tpu.memory_space<vmem>> -> memref<1x80x128xf32, #tpu.memory_space<vmem>>
    %dma_wait3A_377 = tpu.memref_squeeze %dma_wait3A_376 : memref<1x80x128xf32, #tpu.memory_space<vmem>> -> memref<80x128xf32, #tpu.memory_space<vmem>>
    %dma_wait3A_378 = arith.constant 0 : i32
    %dma_wait3A_379 = arith.constant 0 : i32
    %dma_wait3A_380 = tpu.memref_slice %arg10[%dma_wait3A_378, %dma_wait3A_379] : memref<10000x128xf32, #tpu.memory_space<vmem_shared>> -> memref<80x128xf32, #tpu.memory_space<vmem_shared>>
    %dma_wait3A_381 = arith.constant 0 : i32
    %dma_wait3A_382 = arith.constant 0 : i32
    %dma_wait3A_383 = tpu.memref_slice %arg10[%dma_wait3A_381, %dma_wait3A_382] : memref<10000x128xf32, #tpu.memory_space<vmem_shared>> -> memref<80x128xf32, #tpu.memory_space<vmem_shared>>
    %dma_wait3A_384 = arith.constant 0 : i32
    %dma_wait3A_385 = arith.constant 0 : i32
    %dma_wait3A_386 = tpu.memref_slice %arg13[%dma_wait3A_373, %dma_wait3A_384, %dma_wait3A_385] : memref<3x80x128xf32, #tpu.memory_space<vmem>> -> memref<1x80x128xf32, #tpu.memory_space<vmem>>
    %dma_wait3A_387 = tpu.memref_squeeze %dma_wait3A_386 : memref<1x80x128xf32, #tpu.memory_space<vmem>> -> memref<80x128xf32, #tpu.memory_space<vmem>>
    tpu.wait_dma2 semaphore(%arg21 : memref<!tpu.dma_semaphore, #tpu.memory_space<semaphore_mem>>) src(%dma_wait3A_387 : memref<80x128xf32, #tpu.memory_space<vmem>>) dst(%dma_wait3A_383 : memref<80x128xf32, #tpu.memory_space<vmem_shared>>)
    %barrier3A_388 = arith.constant 0 : index
    tpu.barrier barrier_id(%barrier3A_388)
    %lt3A = arith.constant 15 : i32
    %lt3A_389 = arith.cmpi slt, %arg1, %lt3A : i32
    %eq3A = arith.constant 0 : i32
    %eq3A_390 = arith.cmpi eq, %arg0, %eq3A : i32
    %and3A = arith.andi %lt3A_389, %eq3A_390 : i1
    %convert_element_type3A = arith.extui %and3A : i1 to i32
    %cond3A = arith.constant 0 : i32
    %cond3A_391 = arith.cmpi ne, %convert_element_type3A, %cond3A : i32
    scf.if %cond3A_391 {
      %mul3A_416 = arith.constant 624 : i32
      %mul3A_417 = arith.muli %arg1, %mul3A_416 : i32
      %mul3A_418 = arith.constant 624 : i32
      %mul3A_419 = arith.muli %arg1, %mul3A_418 : i32
      "tpu.region"() ({
        %run_scoped3A = tpu.sem_alloc : memref<!tpu.dma_semaphore, #tpu.memory_space<semaphore_mem>>
        %dma_start3A_420 = arith.constant 0 : i32
        %dma_start3A_421 = tpu.memref_slice %arg8[%mul3A_419, %dma_start3A_420] : memref<10000x128xf32, #tpu.memory_space<hbm>> -> memref<624x128xf32, #tpu.memory_space<hbm>>
        %dma_start3A_422 = arith.constant 0 : i32
        %dma_start3A_423 = tpu.memref_slice %arg10[%mul3A_417, %dma_start3A_422] : memref<10000x128xf32, #tpu.memory_space<vmem_shared>> -> memref<624x128xf32, #tpu.memory_space<vmem_shared>>
        tpu.enqueue_dma source(%dma_start3A_423 : memref<624x128xf32, #tpu.memory_space<vmem_shared>>) target(%dma_start3A_421 : memref<624x128xf32, #tpu.memory_space<hbm>>) target_semaphore(%run_scoped3A : memref<!tpu.dma_semaphore, #tpu.memory_space<semaphore_mem>>)
        %dma_wait3A_424 = arith.constant 0 : i32
        %dma_wait3A_425 = tpu.memref_slice %arg8[%mul3A_419, %dma_wait3A_424] : memref<10000x128xf32, #tpu.memory_space<hbm>> -> memref<624x128xf32, #tpu.memory_space<hbm>>
        %dma_wait3A_426 = arith.constant 0 : i32
        %dma_wait3A_427 = tpu.memref_slice %arg10[%mul3A_417, %dma_wait3A_426] : memref<10000x128xf32, #tpu.memory_space<vmem_shared>> -> memref<624x128xf32, #tpu.memory_space<vmem_shared>>
        tpu.wait_dma2 semaphore(%run_scoped3A : memref<!tpu.dma_semaphore, #tpu.memory_space<semaphore_mem>>) src(%dma_wait3A_427 : memref<624x128xf32, #tpu.memory_space<vmem_shared>>) dst(%dma_wait3A_425 : memref<624x128xf32, #tpu.memory_space<hbm>>)
        tpu.yield
      }) : () -> ()
    } else {
    }
    %eq3A_392 = arith.constant 15 : i32
    %eq3A_393 = arith.cmpi eq, %arg1, %eq3A_392 : i32
    %eq3A_394 = arith.constant 0 : i32
    %eq3A_395 = arith.cmpi eq, %arg0, %eq3A_394 : i32
    %and3A_396 = arith.andi %eq3A_393, %eq3A_395 : i1
    %convert_element_type3A_397 = arith.extui %and3A_396 : i1 to i32
    %cond3A_398 = arith.constant 0 : i32
    %cond3A_399 = arith.cmpi ne, %convert_element_type3A_397, %cond3A_398 : i32
    scf.if %cond3A_399 {
      "tpu.region"() ({
        %run_scoped3A = tpu.sem_alloc : memref<!tpu.dma_semaphore, #tpu.memory_space<semaphore_mem>>
        %dma_start3A_416 = arith.constant 9360 : i32
        %dma_start3A_417 = arith.constant 0 : i32
        %dma_start3A_418 = tpu.memref_slice %arg8[%dma_start3A_416, %dma_start3A_417] : memref<10000x128xf32, #tpu.memory_space<hbm>> -> memref<640x128xf32, #tpu.memory_space<hbm>>
        %dma_start3A_419 = arith.constant 9360 : i32
        %dma_start3A_420 = arith.constant 0 : i32
        %dma_start3A_421 = tpu.memref_slice %arg10[%dma_start3A_419, %dma_start3A_420] : memref<10000x128xf32, #tpu.memory_space<vmem_shared>> -> memref<640x128xf32, #tpu.memory_space<vmem_shared>>
        tpu.enqueue_dma source(%dma_start3A_421 : memref<640x128xf32, #tpu.memory_space<vmem_shared>>) target(%dma_start3A_418 : memref<640x128xf32, #tpu.memory_space<hbm>>) target_semaphore(%run_scoped3A : memref<!tpu.dma_semaphore, #tpu.memory_space<semaphore_mem>>)
        %dma_wait3A_422 = arith.constant 9360 : i32
        %dma_wait3A_423 = arith.constant 0 : i32
        %dma_wait3A_424 = tpu.memref_slice %arg8[%dma_wait3A_422, %dma_wait3A_423] : memref<10000x128xf32, #tpu.memory_space<hbm>> -> memref<640x128xf32, #tpu.memory_space<hbm>>
        %dma_wait3A_425 = arith.constant 9360 : i32
        %dma_wait3A_426 = arith.constant 0 : i32
        %dma_wait3A_427 = tpu.memref_slice %arg10[%dma_wait3A_425, %dma_wait3A_426] : memref<10000x128xf32, #tpu.memory_space<vmem_shared>> -> memref<640x128xf32, #tpu.memory_space<vmem_shared>>
        tpu.wait_dma2 semaphore(%run_scoped3A : memref<!tpu.dma_semaphore, #tpu.memory_space<semaphore_mem>>) src(%dma_wait3A_427 : memref<640x128xf32, #tpu.memory_space<vmem_shared>>) dst(%dma_wait3A_424 : memref<640x128xf32, #tpu.memory_space<hbm>>)
        tpu.yield
      }) : () -> ()
    } else {
    }
    %lt3A_400 = arith.constant 15 : i32
    %lt3A_401 = arith.cmpi slt, %arg1, %lt3A_400 : i32
    %eq3A_402 = arith.constant 1 : i32
    %eq3A_403 = arith.cmpi eq, %arg0, %eq3A_402 : i32
    %and3A_404 = arith.andi %lt3A_401, %eq3A_403 : i1
    %convert_element_type3A_405 = arith.extui %and3A_404 : i1 to i32
    %cond3A_406 = arith.constant 0 : i32
    %cond3A_407 = arith.cmpi ne, %convert_element_type3A_405, %cond3A_406 : i32
    scf.if %cond3A_407 {
      %mul3A_416 = arith.constant 624 : i32
      %mul3A_417 = arith.muli %arg1, %mul3A_416 : i32
      %mul3A_418 = arith.constant 624 : i32
      %mul3A_419 = arith.muli %arg1, %mul3A_418 : i32
      "tpu.region"() ({
        %run_scoped3A = tpu.sem_alloc : memref<!tpu.dma_semaphore, #tpu.memory_space<semaphore_mem>>
        %dma_start3A_420 = arith.constant 0 : i32
        %dma_start3A_421 = tpu.memref_slice %arg9[%mul3A_419, %dma_start3A_420] : memref<10000x128xf32, #tpu.memory_space<hbm>> -> memref<624x128xf32, #tpu.memory_space<hbm>>
        %dma_start3A_422 = arith.constant 0 : i32
        %dma_start3A_423 = tpu.memref_slice %arg10[%mul3A_417, %dma_start3A_422] : memref<10000x128xf32, #tpu.memory_space<vmem_shared>> -> memref<624x128xf32, #tpu.memory_space<vmem_shared>>
        tpu.enqueue_dma source(%dma_start3A_423 : memref<624x128xf32, #tpu.memory_space<vmem_shared>>) target(%dma_start3A_421 : memref<624x128xf32, #tpu.memory_space<hbm>>) target_semaphore(%run_scoped3A : memref<!tpu.dma_semaphore, #tpu.memory_space<semaphore_mem>>)
        %dma_wait3A_424 = arith.constant 0 : i32
        %dma_wait3A_425 = tpu.memref_slice %arg9[%mul3A_419, %dma_wait3A_424] : memref<10000x128xf32, #tpu.memory_space<hbm>> -> memref<624x128xf32, #tpu.memory_space<hbm>>
        %dma_wait3A_426 = arith.constant 0 : i32
        %dma_wait3A_427 = tpu.memref_slice %arg10[%mul3A_417, %dma_wait3A_426] : memref<10000x128xf32, #tpu.memory_space<vmem_shared>> -> memref<624x128xf32, #tpu.memory_space<vmem_shared>>
        tpu.wait_dma2 semaphore(%run_scoped3A : memref<!tpu.dma_semaphore, #tpu.memory_space<semaphore_mem>>) src(%dma_wait3A_427 : memref<624x128xf32, #tpu.memory_space<vmem_shared>>) dst(%dma_wait3A_425 : memref<624x128xf32, #tpu.memory_space<hbm>>)
        tpu.yield
      }) : () -> ()
    } else {
    }
    %eq3A_408 = arith.constant 15 : i32
    %eq3A_409 = arith.cmpi eq, %arg1, %eq3A_408 : i32
    %eq3A_410 = arith.constant 1 : i32
    %eq3A_411 = arith.cmpi eq, %arg0, %eq3A_410 : i32
    %and3A_412 = arith.andi %eq3A_409, %eq3A_411 : i1
    %convert_element_type3A_413 = arith.extui %and3A_412 : i1 to i32
    %cond3A_414 = arith.constant 0 : i32
    %cond3A_415 = arith.cmpi ne, %convert_element_type3A_413, %cond3A_414 : i32
    scf.if %cond3A_415 {
      "tpu.region"() ({
        %run_scoped3A = tpu.sem_alloc : memref<!tpu.dma_semaphore, #tpu.memory_space<semaphore_mem>>
        %dma_start3A_416 = arith.constant 9360 : i32
        %dma_start3A_417 = arith.constant 0 : i32
        %dma_start3A_418 = tpu.memref_slice %arg9[%dma_start3A_416, %dma_start3A_417] : memref<10000x128xf32, #tpu.memory_space<hbm>> -> memref<640x128xf32, #tpu.memory_space<hbm>>
        %dma_start3A_419 = arith.constant 9360 : i32
        %dma_start3A_420 = arith.constant 0 : i32
        %dma_start3A_421 = tpu.memref_slice %arg10[%dma_start3A_419, %dma_start3A_420] : memref<10000x128xf32, #tpu.memory_space<vmem_shared>> -> memref<640x128xf32, #tpu.memory_space<vmem_shared>>
        tpu.enqueue_dma source(%dma_start3A_421 : memref<640x128xf32, #tpu.memory_space<vmem_shared>>) target(%dma_start3A_418 : memref<640x128xf32, #tpu.memory_space<hbm>>) target_semaphore(%run_scoped3A : memref<!tpu.dma_semaphore, #tpu.memory_space<semaphore_mem>>)
        %dma_wait3A_422 = arith.constant 9360 : i32
        %dma_wait3A_423 = arith.constant 0 : i32
        %dma_wait3A_424 = tpu.memref_slice %arg9[%dma_wait3A_422, %dma_wait3A_423] : memref<10000x128xf32, #tpu.memory_space<hbm>> -> memref<640x128xf32, #tpu.memory_space<hbm>>
        %dma_wait3A_425 = arith.constant 9360 : i32
        %dma_wait3A_426 = arith.constant 0 : i32
        %dma_wait3A_427 = tpu.memref_slice %arg10[%dma_wait3A_425, %dma_wait3A_426] : memref<10000x128xf32, #tpu.memory_space<vmem_shared>> -> memref<640x128xf32, #tpu.memory_space<vmem_shared>>
        tpu.wait_dma2 semaphore(%run_scoped3A : memref<!tpu.dma_semaphore, #tpu.memory_space<semaphore_mem>>) src(%dma_wait3A_427 : memref<640x128xf32, #tpu.memory_space<vmem_shared>>) dst(%dma_wait3A_424 : memref<640x128xf32, #tpu.memory_space<hbm>>)
        tpu.yield
      }) : () -> ()
    } else {
    }
    return
  }
}

module attributes {stable_mosaic.version = 14 : i64} {
  func.func @_edges_body(%arg0: memref<2x320000xi32, #tpu.memory_space<vmem>>, %arg1: memref<320000xi32, #tpu.memory_space<vmem>>, %arg2: memref<320000xi32, #tpu.memory_space<vmem>>) attributes {dimension_semantics = [], scalar_prefetch = 0 : i64, scratch_operands = 0 : i64, tpu.core_type = #tpu.core_type<tc>} {
    %get3A = arith.constant 0 : index
    %get3A_0 = arith.constant 0 : index
    %get3A_1 = vector.load %arg0[%get3A, %get3A_0] : memref<2x320000xi32, #tpu.memory_space<vmem>>, vector<2x320000xi32>
    %slice3A = vector.extract_strided_slice %get3A_1 {offsets = [0, 0], sizes = [1, 320000], strides = [1, 1]} : vector<2x320000xi32> to vector<1x320000xi32>
    %squeeze3A = vector.shape_cast %slice3A : vector<1x320000xi32> to vector<320000xi32>
    %swap3A = arith.constant 0 : index
    %swap3A_2 = vector.load %arg1[%swap3A] : memref<320000xi32, #tpu.memory_space<vmem>>, vector<320000xi32>
    tpu.vector_store %arg1[%swap3A], %squeeze3A {strides = array<i32>} : memref<320000xi32, #tpu.memory_space<vmem>>, vector<320000xi32>,
    %slice3A_3 = vector.extract_strided_slice %get3A_1 {offsets = [1, 0], sizes = [1, 320000], strides = [1, 1]} : vector<2x320000xi32> to vector<1x320000xi32>
    %squeeze3A_4 = vector.shape_cast %slice3A_3 : vector<1x320000xi32> to vector<320000xi32>
    %swap3A_5 = arith.constant 0 : index
    %swap3A_6 = vector.load %arg2[%swap3A_5] : memref<320000xi32, #tpu.memory_space<vmem>>, vector<320000xi32>
    tpu.vector_store %arg2[%swap3A_5], %squeeze3A_4 {strides = array<i32>} : memref<320000xi32, #tpu.memory_space<vmem>>, vector<320000xi32>,
    return
  }
}

module attributes {stable_mosaic.version = 14 : i64} {
  func.func @_prep_body(%arg0: i32, %arg1: memref<2000x128xf32, #tpu.memory_space<vmem>>, %arg2: memref<2000x128xf32, #tpu.memory_space<vmem>>, %arg3: memref<128x128xf32, #tpu.memory_space<vmem>>, %arg4: memref<1x128xf32, #tpu.memory_space<vmem>>, %arg5: memref<128x128xf32, #tpu.memory_space<vmem>>, %arg6: memref<1x128xf32, #tpu.memory_space<vmem>>, %arg7: memref<128x128xf32, #tpu.memory_space<vmem>>, %arg8: memref<2000x128xf32, #tpu.memory_space<vmem>>, %arg9: memref<2000x128xf32, #tpu.memory_space<vmem>>) attributes {dimension_semantics = [#tpu.dimension_semantics<arbitrary>], iteration_bounds = array<i64: 5>, scalar_prefetch = 0 : i64, scratch_operands = 0 : i64, tpu.core_type = #tpu.core_type<tc>, window_params = [{transform_indices = @transform_0, window_bounds = array<i64: 2000, 128>}, {transform_indices = @transform_1, window_bounds = array<i64: 2000, 128>}, {pipeline_mode = #tpu.pipeline_mode<synchronous>, transform_indices = @transform_2, window_bounds = array<i64: 128, 128>}, {pipeline_mode = #tpu.pipeline_mode<synchronous>, transform_indices = @transform_3, window_bounds = array<i64: 1, 128>}, {pipeline_mode = #tpu.pipeline_mode<synchronous>, transform_indices = @transform_4, window_bounds = array<i64: 128, 128>}, {pipeline_mode = #tpu.pipeline_mode<synchronous>, transform_indices = @transform_5, window_bounds = array<i64: 1, 128>}, {pipeline_mode = #tpu.pipeline_mode<synchronous>, transform_indices = @transform_6, window_bounds = array<i64: 128, 128>}, {transform_indices = @transform_7, window_bounds = array<i64: 2000, 128>}, {transform_indices = @transform_8, window_bounds = array<i64: 2000, 128>}]} {
    %get3A = arith.constant 0 : index
    %get3A_0 = arith.constant 0 : index
    %get3A_1 = vector.load %arg1[%get3A, %get3A_0] : memref<2000x128xf32, #tpu.memory_space<vmem>>, vector<2000x128xf32>
    %get3A_2 = arith.constant 0 : index
    %get3A_3 = arith.constant 0 : index
    %get3A_4 = vector.load %arg3[%get3A_2, %get3A_3] : memref<128x128xf32, #tpu.memory_space<vmem>>, vector<128x128xf32>
    %dot_general3A = arith.constant dense<0.000000e+00> : vector<2000x128xf32>
    %dot_general3A_5 = tpu.matmul %get3A_1, %get3A_4, %dot_general3A {dimension_numbers = #tpu.dot_dimension_numbers<[1], [0], [0], [1], [0, 0, 1, 1], [], []>, transpose_lhs_hint = false} : vector<2000x128xf32>, vector<128x128xf32>, vector<2000x128xf32> -> vector<2000x128xf32>
    %get3A_6 = arith.constant 0 : index
    %get3A_7 = arith.constant 0 : index
    %get3A_8 = vector.load %arg4[%get3A_6, %get3A_7] : memref<1x128xf32, #tpu.memory_space<vmem>>, vector<1x128xf32>
    %add3A = vector.broadcast %get3A_8 : vector<1x128xf32> to vector<2000x128xf32>
    %add3A_9 = arith.addf %dot_general3A_5, %add3A : vector<2000x128xf32>
    %get3A_10 = arith.constant 0 : index
    %get3A_11 = arith.constant 0 : index
    %get3A_12 = vector.load %arg2[%get3A_10, %get3A_11] : memref<2000x128xf32, #tpu.memory_space<vmem>>, vector<2000x128xf32>
    %add3A_13 = arith.addf %add3A_9, %get3A_12 : vector<2000x128xf32>
    %get3A_14 = arith.constant 0 : index
    %get3A_15 = arith.constant 0 : index
    %get3A_16 = vector.load %arg5[%get3A_14, %get3A_15] : memref<128x128xf32, #tpu.memory_space<vmem>>, vector<128x128xf32>
    %dot_general3A_17 = arith.constant dense<0.000000e+00> : vector<2000x128xf32>
    %dot_general3A_18 = tpu.matmul %add3A_13, %get3A_16, %dot_general3A_17 {dimension_numbers = #tpu.dot_dimension_numbers<[1], [0], [0], [1], [0, 0, 1, 1], [], []>, transpose_lhs_hint = false} : vector<2000x128xf32>, vector<128x128xf32>, vector<2000x128xf32> -> vector<2000x128xf32>
    %swap3A = arith.constant 0 : index
    %swap3A_19 = arith.constant 0 : index
    %swap3A_20 = vector.load %arg8[%swap3A, %swap3A_19] : memref<2000x128xf32, #tpu.memory_space<vmem>>, vector<2000x128xf32>
    tpu.vector_store %arg8[%swap3A, %swap3A_19], %dot_general3A_18 {strides = array<i32>} : memref<2000x128xf32, #tpu.memory_space<vmem>>, vector<2000x128xf32>,
    %get3A_21 = arith.constant 0 : index
    %get3A_22 = arith.constant 0 : index
    %get3A_23 = vector.load %arg7[%get3A_21, %get3A_22] : memref<128x128xf32, #tpu.memory_space<vmem>>, vector<128x128xf32>
    %dot_general3A_24 = arith.constant dense<0.000000e+00> : vector<2000x128xf32>
    %dot_general3A_25 = tpu.matmul %add3A_13, %get3A_23, %dot_general3A_24 {dimension_numbers = #tpu.dot_dimension_numbers<[1], [0], [0], [1], [0, 0, 1, 1], [], []>, transpose_lhs_hint = false} : vector<2000x128xf32>, vector<128x128xf32>, vector<2000x128xf32> -> vector<2000x128xf32>
    %get3A_26 = arith.constant 0 : index
    %get3A_27 = arith.constant 0 : index
    %get3A_28 = vector.load %arg6[%get3A_26, %get3A_27] : memref<1x128xf32, #tpu.memory_space<vmem>>, vector<1x128xf32>
    %add3A_29 = vector.broadcast %get3A_28 : vector<1x128xf32> to vector<2000x128xf32>
    %add3A_30 = arith.addf %dot_general3A_25, %add3A_29 : vector<2000x128xf32>
    %swap3A_31 = arith.constant 0 : index
    %swap3A_32 = arith.constant 0 : index
    %swap3A_33 = vector.load %arg9[%swap3A_31, %swap3A_32] : memref<2000x128xf32, #tpu.memory_space<vmem>>, vector<2000x128xf32>
    tpu.vector_store %arg9[%swap3A_31, %swap3A_32], %add3A_30 {strides = array<i32>} : memref<2000x128xf32, #tpu.memory_space<vmem>>, vector<2000x128xf32>,
    return
  }
  func.func @transform_0(%arg0: i32) -> (i32, i32) {
    %c0_i32 = arith.constant 0 : i32
    %c0_i32_0 = arith.constant 0 : i32
    return %arg0, %c0_i32 : i32, i32
  }
  func.func @transform_1(%arg0: i32) -> (i32, i32) {
    %c0_i32 = arith.constant 0 : i32
    %c0_i32_0 = arith.constant 0 : i32
    return %arg0, %c0_i32 : i32, i32
  }
  func.func @transform_2(%arg0: i32) -> (i32, i32) {
    %c0_i32 = arith.constant 0 : i32
    %c0_i32_0 = arith.constant 0 : i32
    %c0_i32_1 = arith.constant 0 : i32
    return %c0_i32, %c0_i32_0 : i32, i32
  }
  func.func @transform_3(%arg0: i32) -> (i32, i32) {
    %c0_i32 = arith.constant 0 : i32
    %c0_i32_0 = arith.constant 0 : i32
    %c0_i32_1 = arith.constant 0 : i32
    return %c0_i32, %c0_i32_0 : i32, i32
  }
  func.func @transform_4(%arg0: i32) -> (i32, i32) {
    %c0_i32 = arith.constant 0 : i32
    %c0_i32_0 = arith.constant 0 : i32
    %c0_i32_1 = arith.constant 0 : i32
    return %c0_i32, %c0_i32_0 : i32, i32
  }
  func.func @transform_5(%arg0: i32) -> (i32, i32) {
    %c0_i32 = arith.constant 0 : i32
    %c0_i32_0 = arith.constant 0 : i32
    %c0_i32_1 = arith.constant 0 : i32
    return %c0_i32, %c0_i32_0 : i32, i32
  }
  func.func @transform_6(%arg0: i32) -> (i32, i32) {
    %c0_i32 = arith.constant 0 : i32
    %c0_i32_0 = arith.constant 0 : i32
    %c0_i32_1 = arith.constant 0 : i32
    return %c0_i32, %c0_i32_0 : i32, i32
  }
  func.func @transform_7(%arg0: i32) -> (i32, i32) {
    %c0_i32 = arith.constant 0 : i32
    %c0_i32_0 = arith.constant 0 : i32
    return %arg0, %c0_i32 : i32, i32
  }
  func.func @transform_8(%arg0: i32) -> (i32, i32) {
    %c0_i32 = arith.constant 0 : i32
    %c0_i32_0 = arith.constant 0 : i32
    return %arg0, %c0_i32 : i32, i32
  }
}

module attributes {stable_mosaic.version = 14 : i64} {
  func.func @_mid_body(%arg0: i32, %arg1: memref<2000x128xf32, #tpu.memory_space<vmem>>, %arg2: memref<2000x128xf32, #tpu.memory_space<vmem>>, %arg3: memref<2x2000x1xf32, #tpu.memory_space<vmem>>, %arg4: memref<2000x128xf32, #tpu.memory_space<vmem>>, %arg5: memref<128x64xf32, #tpu.memory_space<vmem>>, %arg6: memref<1x64xf32, #tpu.memory_space<vmem>>, %arg7: memref<2000x128xf32, #tpu.memory_space<vmem>>, %arg8: memref<2000x64xf32, #tpu.memory_space<vmem>>) attributes {dimension_semantics = [#tpu.dimension_semantics<arbitrary>], iteration_bounds = array<i64: 5>, scalar_prefetch = 0 : i64, scratch_operands = 0 : i64, tpu.core_type = #tpu.core_type<tc>, window_params = [{transform_indices = @transform_0, window_bounds = array<i64: 2000, 128>}, {transform_indices = @transform_1, window_bounds = array<i64: 2000, 128>}, {transform_indices = @transform_2, window_bounds = array<i64: 2, 2000, 1>}, {transform_indices = @transform_3, window_bounds = array<i64: 2000, 128>}, {pipeline_mode = #tpu.pipeline_mode<synchronous>, transform_indices = @transform_4, window_bounds = array<i64: 128, 64>}, {pipeline_mode = #tpu.pipeline_mode<synchronous>, transform_indices = @transform_5, window_bounds = array<i64: 1, 64>}, {transform_indices = @transform_6, window_bounds = array<i64: 2000, 128>}, {transform_indices = @transform_7, window_bounds = array<i64: 2000, 64>}]} {
    %get3A = arith.constant 0 : index
    %get3A_0 = arith.constant 0 : index
    %get3A_1 = vector.load %arg1[%get3A, %get3A_0] : memref<2000x128xf32, #tpu.memory_space<vmem>>, vector<2000x128xf32>
    %get3A_2 = arith.constant 0 : index
    %get3A_3 = arith.constant 0 : index
    %get3A_4 = vector.load %arg2[%get3A_2, %get3A_3] : memref<2000x128xf32, #tpu.memory_space<vmem>>, vector<2000x128xf32>
    %add3A = arith.addf %get3A_1, %get3A_4 : vector<2000x128xf32>
    %get3A_5 = arith.constant 0 : index
    %get3A_6 = arith.constant 0 : index
    %get3A_7 = arith.constant 0 : index
    %get3A_8 = vector.load %arg3[%get3A_5, %get3A_6, %get3A_7] : memref<2x2000x1xf32, #tpu.memory_space<vmem>>, vector<1x2000x1xf32>
    %get3A_9 = vector.shape_cast %get3A_8 : vector<1x2000x1xf32> to vector<2000xf32>
    %get3A_10 = arith.constant 1 : index
    %get3A_11 = arith.constant 0 : index
    %get3A_12 = arith.constant 0 : index
    %get3A_13 = vector.load %arg3[%get3A_10, %get3A_11, %get3A_12] : memref<2x2000x1xf32, #tpu.memory_space<vmem>>, vector<1x2000x1xf32>
    %get3A_14 = vector.shape_cast %get3A_13 : vector<1x2000x1xf32> to vector<2000xf32>
    %add3A_15 = arith.addf %get3A_9, %get3A_14 : vector<2000xf32>
    %jit3A = arith.constant 1.000000e+00 : f32
    %max3A = vector.broadcast %jit3A : f32 to vector<2000xf32>
    %max3A_16 = arith.maximumf %max3A, %add3A_15 : vector<2000xf32>
    %div3A = arith.constant 1.000000e+00 : f32
    %div3A_17 = vector.broadcast %div3A : f32 to vector<2000xf32>
    %div3A_18 = arith.divf %div3A_17, %max3A_16 : vector<2000xf32>
    %broadcast_in_dim3A = vector.shape_cast %div3A_18 : vector<2000xf32> to vector<2000x1xf32>
    %mul3A = vector.broadcast %broadcast_in_dim3A : vector<2000x1xf32> to vector<2000x128xf32>
    %mul3A_19 = arith.mulf %add3A, %mul3A : vector<2000x128xf32>
    %get3A_20 = arith.constant 0 : index
    %get3A_21 = arith.constant 0 : index
    %get3A_22 = vector.load %arg4[%get3A_20, %get3A_21] : memref<2000x128xf32, #tpu.memory_space<vmem>>, vector<2000x128xf32>
    %add3A_23 = arith.addf %mul3A_19, %get3A_22 : vector<2000x128xf32>
    %max3A_24 = arith.constant 0.000000e+00 : f32
    %max3A_25 = vector.broadcast %max3A_24 : f32 to vector<2000x128xf32>
    %max3A_26 = arith.maximumf %add3A_23, %max3A_25 : vector<2000x128xf32>
    %swap3A = arith.constant 0 : index
    %swap3A_27 = arith.constant 0 : index
    %swap3A_28 = vector.load %arg7[%swap3A, %swap3A_27] : memref<2000x128xf32, #tpu.memory_space<vmem>>, vector<2000x128xf32>
    tpu.vector_store %arg7[%swap3A, %swap3A_27], %max3A_26 {strides = array<i32>} : memref<2000x128xf32, #tpu.memory_space<vmem>>, vector<2000x128xf32>,
    %get3A_29 = arith.constant 0 : index
    %get3A_30 = arith.constant 0 : index
    %get3A_31 = vector.load %arg5[%get3A_29, %get3A_30] : memref<128x64xf32, #tpu.memory_space<vmem>>, vector<128x64xf32>
    %dot_general3A = arith.constant dense<0.000000e+00> : vector<2000x64xf32>
    %dot_general3A_32 = tpu.matmul %max3A_26, %get3A_31, %dot_general3A {dimension_numbers = #tpu.dot_dimension_numbers<[1], [0], [0], [1], [0, 0, 1, 1], [], []>, transpose_lhs_hint = false} : vector<2000x128xf32>, vector<128x64xf32>, vector<2000x64xf32> -> vector<2000x64xf32>
    %get3A_33 = arith.constant 0 : index
    %get3A_34 = arith.constant 0 : index
    %get3A_35 = vector.load %arg6[%get3A_33, %get3A_34] : memref<1x64xf32, #tpu.memory_space<vmem>>, vector<1x64xf32>
    %add3A_36 = vector.broadcast %get3A_35 : vector<1x64xf32> to vector<2000x64xf32>
    %add3A_37 = arith.addf %dot_general3A_32, %add3A_36 : vector<2000x64xf32>
    %swap3A_38 = arith.constant 0 : index
    %swap3A_39 = arith.constant 0 : index
    %swap3A_40 = vector.load %arg8[%swap3A_38, %swap3A_39] : memref<2000x64xf32, #tpu.memory_space<vmem>>, vector<2000x64xf32>
    tpu.vector_store %arg8[%swap3A_38, %swap3A_39], %add3A_37 {strides = array<i32>} : memref<2000x64xf32, #tpu.memory_space<vmem>>, vector<2000x64xf32>,
    return
  }
  func.func @transform_0(%arg0: i32) -> (i32, i32) {
    %c0_i32 = arith.constant 0 : i32
    %c0_i32_0 = arith.constant 0 : i32
    return %arg0, %c0_i32 : i32, i32
  }
  func.func @transform_1(%arg0: i32) -> (i32, i32) {
    %c0_i32 = arith.constant 0 : i32
    %c0_i32_0 = arith.constant 0 : i32
    return %arg0, %c0_i32 : i32, i32
  }
  func.func @transform_2(%arg0: i32) -> (i32, i32, i32) {
    %c0_i32 = arith.constant 0 : i32
    %c0_i32_0 = arith.constant 0 : i32
    %c0_i32_1 = arith.constant 0 : i32
    return %c0_i32, %arg0, %c0_i32_0 : i32, i32, i32
  }
  func.func @transform_3(%arg0: i32) -> (i32, i32) {
    %c0_i32 = arith.constant 0 : i32
    %c0_i32_0 = arith.constant 0 : i32
    return %arg0, %c0_i32 : i32, i32
  }
  func.func @transform_4(%arg0: i32) -> (i32, i32) {
    %c0_i32 = arith.constant 0 : i32
    %c0_i32_0 = arith.constant 0 : i32
    %c0_i32_1 = arith.constant 0 : i32
    return %c0_i32, %c0_i32_0 : i32, i32
  }
  func.func @transform_5(%arg0: i32) -> (i32, i32) {
    %c0_i32 = arith.constant 0 : i32
    %c0_i32_0 = arith.constant 0 : i32
    %c0_i32_1 = arith.constant 0 : i32
    return %c0_i32, %c0_i32_0 : i32, i32
  }
  func.func @transform_6(%arg0: i32) -> (i32, i32) {
    %c0_i32 = arith.constant 0 : i32
    %c0_i32_0 = arith.constant 0 : i32
    return %arg0, %c0_i32 : i32, i32
  }
  func.func @transform_7(%arg0: i32) -> (i32, i32) {
    %c0_i32 = arith.constant 0 : i32
    %c0_i32_0 = arith.constant 0 : i32
    return %arg0, %c0_i32 : i32, i32
  }
}

module attributes {stable_mosaic.version = 14 : i64} {
  func.func @_final_body(%arg0: i32, %arg1: memref<2000x128xf32, #tpu.memory_space<vmem>>, %arg2: memref<2000x128xf32, #tpu.memory_space<vmem>>, %arg3: memref<2x2000x1xf32, #tpu.memory_space<vmem>>, %arg4: memref<2000x64xf32, #tpu.memory_space<vmem>>, %arg5: memref<128x64xf32, #tpu.memory_space<vmem>>, %arg6: memref<2000x64xf32, #tpu.memory_space<vmem>>) attributes {dimension_semantics = [#tpu.dimension_semantics<arbitrary>], iteration_bounds = array<i64: 5>, scalar_prefetch = 0 : i64, scratch_operands = 0 : i64, tpu.core_type = #tpu.core_type<tc>, window_params = [{transform_indices = @transform_0, window_bounds = array<i64: 2000, 128>}, {transform_indices = @transform_1, window_bounds = array<i64: 2000, 128>}, {transform_indices = @transform_2, window_bounds = array<i64: 2, 2000, 1>}, {transform_indices = @transform_3, window_bounds = array<i64: 2000, 64>}, {pipeline_mode = #tpu.pipeline_mode<synchronous>, transform_indices = @transform_4, window_bounds = array<i64: 128, 64>}, {transform_indices = @transform_5, window_bounds = array<i64: 2000, 64>}]} {
    %get3A = arith.constant 0 : index
    %get3A_0 = arith.constant 0 : index
    %get3A_1 = vector.load %arg1[%get3A, %get3A_0] : memref<2000x128xf32, #tpu.memory_space<vmem>>, vector<2000x128xf32>
    %get3A_2 = arith.constant 0 : index
    %get3A_3 = arith.constant 0 : index
    %get3A_4 = vector.load %arg2[%get3A_2, %get3A_3] : memref<2000x128xf32, #tpu.memory_space<vmem>>, vector<2000x128xf32>
    %add3A = arith.addf %get3A_1, %get3A_4 : vector<2000x128xf32>
    %get3A_5 = arith.constant 0 : index
    %get3A_6 = arith.constant 0 : index
    %get3A_7 = arith.constant 0 : index
    %get3A_8 = vector.load %arg3[%get3A_5, %get3A_6, %get3A_7] : memref<2x2000x1xf32, #tpu.memory_space<vmem>>, vector<1x2000x1xf32>
    %get3A_9 = vector.shape_cast %get3A_8 : vector<1x2000x1xf32> to vector<2000xf32>
    %get3A_10 = arith.constant 1 : index
    %get3A_11 = arith.constant 0 : index
    %get3A_12 = arith.constant 0 : index
    %get3A_13 = vector.load %arg3[%get3A_10, %get3A_11, %get3A_12] : memref<2x2000x1xf32, #tpu.memory_space<vmem>>, vector<1x2000x1xf32>
    %get3A_14 = vector.shape_cast %get3A_13 : vector<1x2000x1xf32> to vector<2000xf32>
    %add3A_15 = arith.addf %get3A_9, %get3A_14 : vector<2000xf32>
    %jit3A = arith.constant 1.000000e+00 : f32
    %max3A = vector.broadcast %jit3A : f32 to vector<2000xf32>
    %max3A_16 = arith.maximumf %max3A, %add3A_15 : vector<2000xf32>
    %div3A = arith.constant 1.000000e+00 : f32
    %div3A_17 = vector.broadcast %div3A : f32 to vector<2000xf32>
    %div3A_18 = arith.divf %div3A_17, %max3A_16 : vector<2000xf32>
    %broadcast_in_dim3A = vector.shape_cast %div3A_18 : vector<2000xf32> to vector<2000x1xf32>
    %mul3A = vector.broadcast %broadcast_in_dim3A : vector<2000x1xf32> to vector<2000x128xf32>
    %mul3A_19 = arith.mulf %add3A, %mul3A : vector<2000x128xf32>
    %get3A_20 = arith.constant 0 : index
    %get3A_21 = arith.constant 0 : index
    %get3A_22 = vector.load %arg5[%get3A_20, %get3A_21] : memref<128x64xf32, #tpu.memory_space<vmem>>, vector<128x64xf32>
    %dot_general3A = arith.constant dense<0.000000e+00> : vector<2000x64xf32>
    %dot_general3A_23 = tpu.matmul %mul3A_19, %get3A_22, %dot_general3A {dimension_numbers = #tpu.dot_dimension_numbers<[1], [0], [0], [1], [0, 0, 1, 1], [], []>, transpose_lhs_hint = false} : vector<2000x128xf32>, vector<128x64xf32>, vector<2000x64xf32> -> vector<2000x64xf32>
    %get3A_24 = arith.constant 0 : index
    %get3A_25 = arith.constant 0 : index
    %get3A_26 = vector.load %arg4[%get3A_24, %get3A_25] : memref<2000x64xf32, #tpu.memory_space<vmem>>, vector<2000x64xf32>
    %add3A_27 = arith.addf %dot_general3A_23, %get3A_26 : vector<2000x64xf32>
    %max3A_28 = arith.constant 0.000000e+00 : f32
    %max3A_29 = vector.broadcast %max3A_28 : f32 to vector<2000x64xf32>
    %max3A_30 = arith.maximumf %add3A_27, %max3A_29 : vector<2000x64xf32>
    %swap3A = arith.constant 0 : index
    %swap3A_31 = arith.constant 0 : index
    %swap3A_32 = vector.load %arg6[%swap3A, %swap3A_31] : memref<2000x64xf32, #tpu.memory_space<vmem>>, vector<2000x64xf32>
    tpu.vector_store %arg6[%swap3A, %swap3A_31], %max3A_30 {strides = array<i32>} : memref<2000x64xf32, #tpu.memory_space<vmem>>, vector<2000x64xf32>,
    return
  }
  func.func @transform_0(%arg0: i32) -> (i32, i32) {
    %c0_i32 = arith.constant 0 : i32
    %c0_i32_0 = arith.constant 0 : i32
    return %arg0, %c0_i32 : i32, i32
  }
  func.func @transform_1(%arg0: i32) -> (i32, i32) {
    %c0_i32 = arith.constant 0 : i32
    %c0_i32_0 = arith.constant 0 : i32
    return %arg0, %c0_i32 : i32, i32
  }
  func.func @transform_2(%arg0: i32) -> (i32, i32, i32) {
    %c0_i32 = arith.constant 0 : i32
    %c0_i32_0 = arith.constant 0 : i32
    %c0_i32_1 = arith.constant 0 : i32
    return %c0_i32, %arg0, %c0_i32_0 : i32, i32, i32
  }
  func.func @transform_3(%arg0: i32) -> (i32, i32) {
    %c0_i32 = arith.constant 0 : i32
    %c0_i32_0 = arith.constant 0 : i32
    return %arg0, %c0_i32 : i32, i32
  }
  func.func @transform_4(%arg0: i32) -> (i32, i32) {
    %c0_i32 = arith.constant 0 : i32
    %c0_i32_0 = arith.constant 0 : i32
    %c0_i32_1 = arith.constant 0 : i32
    return %c0_i32, %c0_i32_0 : i32, i32
  }
  func.func @transform_5(%arg0: i32) -> (i32, i32) {
    %c0_i32 = arith.constant 0 : i32
    %c0_i32_0 = arith.constant 0 : i32
    return %arg0, %c0_i32 : i32, i32
  }
}

</mosaic_0001>

<sc_bundles>
// kernel: kernel.11.cloned.1.call-start
scs
__scs_entry_jumppad:
0x0: {  	(pc) =	sbr.rel $0x88, $3  }
0x1: {  	(tag) =	ssettag $0x0;
	lr =	simm.s32 $0x1  }
0x2: {  	[smem:$0x3F96] =	sst lr;
	_ =	strace $0xD0000000  }
0x3: {  	_ = 	snop  }
0x4: {  	_ = 	snop  }
0x5: {  	_ = 	snop  }
0x6: {  	_ = 	snop  }
0x7: {  	_ = 	snop  }
__scs_overlays_trampoline_lowered:
0x8: {  	[smem:$0x3FA5] =	sst s0  }
0x9: {  	[smem:$0x3FA6] =	sst s1  }
0xa: {  	[smem:$0x3FA7] =	sst s2  }
0xb: {  	[smem:$0x3FA8] =	sst s3  }
0xc: {  	[smem:$0x3FA9] =	sst s4  }
0xd: {  	[smem:$0x3FAA] =	sst s5  }
0xe: {  	[smem:$0x3FAB] =	sst s6  }
0xf: {  	[smem:$0x3FAC] =	sst s7  }
0x10: {  	[smem:$0x3FAD] =	sst s8  }
0x11: {  	[smem:$0x3FAE] =	sst s9;
	s0 =	simm.s32 @!p0 $0x0  }
0x12: {  	s1 =	sld [smem:$0x3F94];
	s0 =	simm.s32 @p0 $0x1  }
0x13: {  	[smem:$0x3FAF] =	sst s0;
	s0 =	simm.s32 @!p1 $0x0  }
0x14: {  	s2 =	sld [smem:$0x3F93];
	s0 =	simm.s32 @p1 $0x1  }
0x15: {  	[smem:$0x3FB0] =	sst s0;
	s0 =	simm.s32 @!p2 $0x0  }
0x16: {  	s3 =	sld [smem:$0x3FDB];
	s0 =	simm.s32 @p2 $0x1  }
0x17: {  	s4 =	simm.s32 $0x1BF5;
	[smem:$0x3FB2] =	sst s0  }
0x18: {  	s0 =	sld [smem:$0x3F95];
	_ =	swait.ge [sflag:s4], $0x0  }
0x19: {  	s7 =	sld [smem:$0x3F96]  }
0x1a: {  	s8 =	sadd.s32 $0xFFFFE003, lr  }
0x1b: {  	s9 =	sadd.s32 $0xFFFFFEF7, lr;
	s5 =	simm.s32 $0xFFFFFFFF;
	p2 =	slt.u32 s8, $0xFFFFF086  }
0x1c: {  	p1 =	slt.u32 s9, $0xF7A;
	s5 =	simm.s32 @!p2 $0x0  }
0x1d: {  	s5 =	simm.s32 @p1 $0x1;
	p0 =	seq.s32 s7, s2  }
0x1e: {  	s7 =	smul.u32 @!p0 $0xF7A, s2;
	p2 =	seq.s32 @!p0 s5, $0x0  }
0x1f: {  	s9 =	smul.u32 $0xF7A, s1;
	s8 =	simm.s32 @!p0 $0x1BF5;
	p2 =	por !p2, p0  }
0x20: {  	[sflag:s8] =	ssyncset.s32 @!p0 $0xFFFFF086;
	s6 =	sadd.s32 @!p0 s3, s7;
	s7 =	simm.s32 @!p0 $0x108  }
0x21: {  	s3 =	sadd.s32 s3, s9;
	s6 =	sadd.s32 @!p0 $0x88, s6;
	s7 =	simm.s32 @p2 $0x1082  }
0x22: {  	[simem:s7], [sflag:s8] =	dma.local @!p0 [hbm:s6], $0xF7A  }
0x23: {  	s9 =	sor.u32 $0xD0000000, s2;
	s6 =	simm.s32 $0x108;
	_ =	swait.ge @!p0 [sflag:s8], $0x0  }
0x24: {  	s3 =	sadd.s32 $0x88, s3;
	s6 =	simm.s32 @!p1 $0x1082;
	[sflag:s4] =	ssyncset.s32 $0xFFFFF086  }
0x25: {  	[simem:s6], [sflag:s4] =	dma.local [hbm:s3], $0xF7A  }
0x26: {  	[smem:$0x3F96] =	sst s1;
	(tag) =	ssettag s2;
	_ =	strace s9  }
0x27: {  	s1 =	sld [smem:$0x3FA6]  }
0x28: {  	s2 =	sld [smem:$0x3FA7]  }
0x29: {  	s4 =	sld [smem:$0x3FA9]  }
0x2a: {  	p0 =	seq.s32 s5, $0x0;
	s5 =	sld [smem:$0x3FAA]  }
0x2b: {  	s6 =	sld [smem:$0x3FAB]  }
0x2c: {  	s7 =	sld [smem:$0x3FAC]  }
0x2d: {  	s3 =	simm.s32 $0x108;
	s8 =	sld [smem:$0x3FAD]  }
0x2e: {  	s3 =	simm.s32 @!p0 $0x1082;
	s9 =	sld [smem:$0x3FAE]  }
0x2f: {  	lr =	sadd.s32 s0, s3;
	s0 =	sld [smem:$0x3FA5]  }
0x30: {  	s3 =	sld [smem:$0x3FA8]  }
0x31: {  	[smem:$0x3FB1] =	sst s10  }
0x32: {  	s10 =	sld [smem:$0x3FAF];
	_ =	sdelay $0x3  }
0x33: {  	p0 =	seq.s32 s10, $0x1;
	s10 =	sld [smem:$0x3FB1];
	_ =	sdelay $0x3  }
0x34: {  	[smem:$0x3FB1] =	sst s10  }
0x35: {  	s10 =	sld [smem:$0x3FB0];
	_ =	sdelay $0x3  }
0x36: {  	p1 =	seq.s32 s10, $0x1;
	s10 =	sld [smem:$0x3FB1];
	_ =	sdelay $0x3  }
0x37: {  	[smem:$0x3FB1] =	sst s10  }
0x38: {  	s10 =	sld [smem:$0x3FB2]  }
0x39: {  	_ = 	snop;
	(pc) =	sbr.ind lr, $3  }
0x3a: {  	_ = 	snop  }
0x3b: {  	_ = 	snop  }
0x3c: {  	p2 =	seq.s32 s10, $0x1;
	s10 =	sld [smem:$0x3FB1]  }
0x3d: {  	_ =	shalt  }
0x3e: {  	_ =	shalt  }
0x3f: {  	_ =	shalt  }
0x40: {  	_ =	shalt  }
0x41: {  	_ =	shalt  }
0x42: {  	_ =	shalt  }
0x43: {  	_ =	shalt  }
0x44: {  	_ =	shalt  }
0x45: {  	_ =	shalt  }
0x46: {  	_ =	shalt  }
0x47: {  	_ =	shalt  }
0x48: {  	_ =	shalt  }
0x49: {  	_ =	shalt  }
0x4a: {  	_ =	shalt  }
0x4b: {  	_ =	shalt  }
0x4c: {  	_ =	shalt  }
0x4d: {  	_ =	shalt  }
0x4e: {  	_ =	shalt  }
0x4f: {  	_ =	shalt  }
0x50: {  	_ =	shalt  }
0x51: {  	_ =	shalt  }
0x52: {  	_ =	shalt  }
0x53: {  	_ =	shalt  }
0x54: {  	_ =	shalt  }
0x55: {  	_ =	shalt  }
0x56: {  	_ =	shalt  }
0x57: {  	_ =	shalt  }
0x58: {  	_ =	shalt  }
0x59: {  	_ =	shalt  }
0x5a: {  	_ =	shalt  }
0x5b: {  	_ =	shalt  }
0x5c: {  	_ =	shalt  }
0x5d: {  	_ =	shalt  }
0x5e: {  	_ =	shalt  }
0x5f: {  	_ =	shalt  }
0x60: {  	_ =	shalt  }
0x61: {  	_ =	shalt  }
0x62: {  	_ =	shalt  }
0x63: {  	_ =	shalt  }
0x64: {  	_ =	shalt  }
0x65: {  	_ =	shalt  }
0x66: {  	_ =	shalt  }
0x67: {  	_ =	shalt  }
0x68: {  	_ =	shalt  }
0x69: {  	_ =	shalt  }
0x6a: {  	_ =	shalt  }
0x6b: {  	_ =	shalt  }
0x6c: {  	_ =	shalt  }
0x6d: {  	_ =	shalt  }
0x6e: {  	_ =	shalt  }
0x6f: {  	_ =	shalt  }
0x70: {  	_ =	shalt  }
0x71: {  	_ =	shalt  }
0x72: {  	_ =	shalt  }
0x73: {  	_ =	shalt  }
0x74: {  	_ =	shalt  }
0x75: {  	_ =	shalt  }
0x76: {  	_ =	shalt  }
0x77: {  	_ =	shalt  }
0x78: {  	_ =	shalt  }
0x79: {  	_ =	shalt  }
0x7a: {  	_ =	shalt  }
0x7b: {  	_ =	shalt  }
0x7c: {  	_ =	shalt  }
0x7d: {  	_ =	shalt  }
0x7e: {  	_ =	shalt  }
0x7f: {  	_ =	shalt  }
0x80: {  	_ =	shalt  }
0x81: {  	_ =	shalt  }
0x82: {  	_ =	shalt  }
0x83: {  	_ =	shalt  }
0x84: {  	_ =	shalt  }
0x85: {  	_ =	shalt  }
0x86: {  	_ =	shalt  }
0x87: {  	_ =	shalt  }
.Lfunc_end0:
.L_simem_size_0:
called_computation.1_lowered:
.L_overlay_start_0:
0x88: {  	s2 =	sld [smem:$0x3FD9]  }
0x89: {  	s3 =	sld [smem:$0x3FFE];
	_ =	sdelay $0x1  }
0x8a: {  	s1 =	srdreg.scid  }
0x8b: {  	s0 =	sand.u32 $0x1, s1  }
0x8c: {  	s17 =	sshll.u32 s0, $0xA;
	s2 =	sadd.s32 s3, s2  }
0x8d: {  	s2 =	sadd.s32 s2, s17  }
0x8e: {  	[smem:$0x3FBD] =	sst s2  }
0x8f: {  	_ = 	snop  }
0x90: {  	s2 =	sld [smem:$0x3FD0];
	(tm) =	ssettm $0x1  }
0x91: {  	s18 =	sld [smem:$0x3FFB];
	_ =	sdelay $0x3  }
0x92: {  	_ =	strace s18  }
0x93: {  	s3 =	sld [smem:$0x3FFC];
	_ =	sdelay $0x3  }
0x94: {  	_ =	strace s3  }
0x95: {  	s3 =	sld [smem:$0x3FFD];
	_ =	sdelay $0x3  }
0x96: {  	_ =	strace s3  }
0x97: {  	_ =	strace $0x8FFFFFFF  }
0x98: {  	s19 =	sld [smem:$0x3FDB];
	_ =	sdelay $0x1  }
0x99: {  	s4 =	simm.s32 $_scs_section_size  }
0x9a: {  	s5 =	simm.s32 $_size__tile_overlayer_lowered;
	s6 =	simm.s32 $_tile_overlayer_lowered  }
0x9b: {  	s22 =	simm.s32 $0x1BFF;
	s21 =	sshll.u32 s6, $0x1;
	s3 =	sadd.s32 s4, s19  }
0x9c: {  	s7 =	simm.s32 $0x0;
	s20 =	sshll.u32 s5, $0x1;
	s5 =	sadd.s32 s21, s3  }
0x9d: {  	[timem:s7], [sflag:s22] =	dma.local [hbm:s5], s20  }
0x9e: {  	_ =	swait.ge [sflag:s22], s20  }
0x9f: {  	s4 =	ssub.s32 $0x0, s20;
	[sflag:s22] =	ssyncset.done $0x0  }
0xa0: {  	[sflag:s22] =	ssyncadd.s32 s4;
	_ =	sdelay $0x1  }
0xa1: {  	s23 =	simm.s32 $0x1B8B  }
0xa2: {  	_ =	swait.ge [sflag:s23], $0x1  }
0xa3: {  	[sflag:s23] =	ssyncset.done $0x0  }
0xa4: {  	s25 =	simm.s32 $0x1B8E;
	s24 =	sld [smem:$0x3FFE];
	[sflag:s23] =	ssyncadd.s32 $0xFFFFFFFF  }
0xa5: {  	s26 =	simm.s32 $execute0_lowered;
	[smem:$0x3FD2] =	sst s25  }
0xa6: {  	s5 =	sshll.u32 s26, $0x1;
	_ =	strace $0x80000049;
	[dreg:$0x1] =	wrdreg $0xFFFFFFFF  }
0xa7: {  	s28 =	simm.s32 $_size_execute0_lowered;
	s3 =	sadd.s32 s3, s5;
	[dreg:$0x0] =	wrdreg $0x0  }
0xa8: {  	s5 =	sshll.u32 s28, $0x1;
	[dreg:$0x2] =	wrdreg s3  }
0xa9: {  	[dreg:$0x3] =	wrdreg s5  }
0xaa: {  	[dreg:$0x4] =	wrdreg $0xC0  }
0xab: {  	_ =	task [dreg:s7], $0x5FFFF  }
0xac: {  	[dreg:$0x1] =	wrdreg $0xFFFFFFFF  }
0xad: {  	[dreg:$0x0] =	wrdreg $0x60  }
0xae: {  	[dreg:$0x2] =	wrdreg s24  }
0xaf: {  	[dreg:$0x3] =	wrdreg s2  }
0xb0: {  	[dreg:$0x4] =	wrdreg $0x0  }
0xb1: {  	[dreg:$0x5] =	wrdreg $0x9  }
0xb2: {  	_ =	task.clear_ibuf [dreg:s7], $0x6FFFF;
	_ =	strace $0x90000049  }
0xb3: {  	s29 =	simm.s32 $0x9;
	_ =	strace $0x8000004B  }
0xb4: {  	_ =	swait.ge [sflag:s29], $0x1  }
0xb5: {  	[sflag:s29] =	ssyncadd.s32 $0xFFFFFFFF  }
0xb6: {  	_ =	strace $0x9000004B  }
0xb7: {  	_ =	sfence  }
0xb8: {  	s30 =	sld [smem:$0x0];
	_ =	sdelay $0x2  }
0xb9: {  	s31 =	sshll.u32 s1, $0xD;
	s1 =	sshrl.u32 s1, $0x2  }
0xba: {  	s3 =	sand.u32 $0x4000, s31;
	s1 =	sadd.s32 s1, s30  }
0xbb: {  	s0 =	sor.u32 s3, s0;
	s1 =	sshll.u32 s1, $0x11  }
0xbc: {  	s0 =	sor.u32 s1, s0  }
0xbd: {  	s0 =	sadd.s32 $0x8F2B, s0  }
0xbe: {  	[sflag:s0] =	ssyncadd.remote.s32 $0x1  }
0xbf: {  	_ =	sfence.sel $0xFFFF  }
0xc0: {  	[dreg:$0x0] =	wrdreg $0xFFFFFFFF;
	(pc) =	sbr.abs _section_cstart, $3  }
0xc1: {  	[dreg:$0x1] =	wrdreg $0xFFFFFFFF  }
0xc2: {  	_ =	task.clear_ibuf [dreg:s7], $0x2FFFF;
	_ =	strace $0x9FFFFFFF  }
0xc3: {  	(tm) =	ssettm $0x7FFFFFFF  }
tec
execute0_lowered:
.L_overlay_start_1:
0x0: {  	(tag) =	ssettag $0x1  }
0x1: {  	s0 =	rddreg [dreg:$0x0]  }
0x2: {  	s2 =	rddreg [dreg:$0x1]  }
0x3: {  	s1 =	rddreg [dreg:$0x2];
	s4 =	srdreg.scid  }
0x4: {  	s3 =	simm.s32 $0x0;
	s11 =	stileid.u32;
	s28 =	simm.s32 $0x2  }
0x5: {  	s29 =	simm.s32 $0x50;
	s30 =	simm.s32 $0x16200;
	s31 =	simm.s32 $0x16000  }
0x6: {  	s5 =	sand.u32 $0x1, s4;
	[smem:$0x7FF] =	sst s3;
	s4 =	sadd.s32 $0xDC00, s0  }
0x7: {  	s7 =	sadd.s32 $0x3E00, s0;
	s8 =	sadd.s32 $0x5C000, s0;
	s9 =	smul.u32 $0x4E200, s11  }
0x8: {  	s12 =	sadd.s32 $0x34E00, s0;
	s13 =	sadd.s32 $0x5F000, s0;
	s14 =	smul.u32 $0x4E000, s11  }
0x9: {  	s23 =	sshll.u32 s11, $0x6;
	p4 =	sne.s32 s11, $0xF;
	s15 =	smul.u32 $0x2700, s11  }
0xa: {  	p0 =	seq.s32 s11, $0xF;
	s18 =	smul.u32 $0x2710, s11;
	s19 =	sadd.s32 $0x124800, s1  }
0xb: {  	s6 =	sshll.u32 s5, $0x4;
	_ =	strace $0x8000004A;
	[dreg:$0x4] =	wrdreg s8  }
0xc: {  	s20 =	ssub.s32 $0x2, s5;
	[dreg:$0x8] =	wrdreg s23;
	s24 =	sor.u32 $0x1C02, s23  }
0xd: {  	p1 =	seq.s32 s5, $0x0;
	s17 =	smul.u32 $0x27100, s5;
	[dreg:$0x5] =	wrdreg s12  }
0xe: {  	[dreg:$0x6] =	wrdreg s13;
	s6 =	sor.u32 s11, s6;
	s21 =	sshrl.u32 s20, $0x1  }
0xf: {  	s22 =	sshrl.u32 s9, $0x2;
	[dreg:$0x9] =	wrdreg s24;
	p2 =	por !p4, !p1  }
0x10: {  	p3 =	por !p0, !p1;
	s11 =	simm.s32 $0x9;
	s6 =	smul.u32 $0x2710, s6  }
0x11: {  	s0 =	ssub.s32 s20, s21;
	p1 =	por !p2, !p2;
	p2 =	por !p3, !p3  }
0x12: {  	p3 =	seq.s32 s5, $0x1;
	s21 =	sadd.s32 s12, s15;
	s5 =	sadd.s32 s18, s17  }
0x13: {  	s17 =	simm.s32 $0x16100;
	s18 =	simm.s32 $0x3;
	s12 =	simm.s32 $0xA  }
0x14: {  	p4 =	por !p4, !p3;
	[dreg:$0xe] =	wrdreg s21;
	s0 =	smax.u32 s0, $0x1  }
0x15: {  	s23 =	sadd.s32 $0x230, s5;
	s24 =	sadd.s32 $0x1E0, s5;
	s5 =	sadd.s32 $0x190, s5  }
0x16: {  	s6 =	sshrl.u32 s6, $0x3;
	p4 =	por !p4, !p4;
	[dreg:$0x10] =	wrdreg s0  }
0x17: {  	s0 =	sshrl.u32 s23, $0x3;
	s5 =	sshrl.u32 s5, $0x3;
	s2 =	sadd.s32 s2, s6  }
0x18: {  	s10 =	sadd.s32 s7, s6;
	s6 =	sshrl.u32 s14, $0x2;
	s20 =	sadd.s32 s0, s7  }
0x19: {  	s0 =	simm.s32 $0x1B200;
	[dreg:$0x7] =	wrdreg s2;
	s25 =	sadd.s32 $0xA, s10  }
0x1a: {  	s2 =	sadd.s32 s22, s1;
	s26 =	sadd.s32 $0x14, s10;
	[dreg:$0xa] =	wrdreg s25  }
0x1b: {  	s8 =	sadd.s32 $0x1E, s10;
	s9 =	sadd.s32 $0x28, s10;
	[dreg:$0xb] =	wrdreg s26  }
0x1c: {  	s16 =	sadd.s32 s6, s1;
	s22 =	sadd.s32 s13, s15;
	[dreg:$0xc] =	wrdreg s8  }
0x1d: {  	s6 =	simm.s32 $0x16080;
	s13 =	simm.s32 $0x0;
	[dreg:$0xd] =	wrdreg s9  }
.Ltmp0:
0x1e: {  	[dreg:$0xf] =	wrdreg s22;
	s25 =	sshrl.u32 s24, $0x3;
	(pc) =	sbr.rel .LBB2_1-.Ltmp0, $4  }
0x1f: {  	s22 =	sadd.s32 s5, s7;
	s24 =	sshrl.u32 s2, $0x3;
	s26 =	sshrl.u32 s19, $0x3  }
0x20: {  	s2 =	simm.s32 $0x18A00;
	s9 =	simm.s32 $0x4;
	s5 =	simm.s32 $0x6  }
0x21: {  	s8 =	simm.s32 $0x8;
	s21 =	sadd.s32 s25, s7;
	[dreg:$0x11] =	wrdreg s26  }
0x22: {  	s26 =	simm.s32 $0x1;
	s25 =	simm.s32 $0x5;
	s7 =	simm.s32 $0x7  }
.LBB2_7:
0x23: {  	s15 =	sshll.u32 s15, $0x6  }
0x24: {  	s14 =	sadd.s32 $0x24900, s14;
	s19 =	rddreg [dreg:$0x11];
	s15 =	sor.u32 $0x1C0A, s15  }
0x25: {  	[hbm:s14], [sflag:s15] =	dma.local [spmem:s19], $0x2800  }
0x26: {  	_ =	swait.ge [sflag:s12], $0x2800  }
0x27: {  	[sflag:s12] =	ssyncset.done $0x0  }
0x28: {  	[sflag:s12] =	ssyncadd.s32 $0xFFFFD800  }
.LBB2_8:
0x29: {  	s13 =	sadd.s32 $0x1, s13;
	s14 =	rddreg [dreg:$0x10]  }
0x2a: {  	p5 =	sne.s32 s13, s14  }
.Ltmp1:
0x2b: {  	_ = 	snop;
	(pc) =	sbr.rel @!p5 .LBB2_9-.Ltmp1, $1  }
0x2c: {  	_ =	sdelay $0x3  }
.LBB2_1:
0x2d: {  	s14 =	rddreg [dreg:$0x7]  }
0x2e: {  	s23 =	rddreg [dreg:$0x4]  }
0x2f: {  	s19 =	simm.s32 $0x13880;
	s15 =	rddreg [dreg:$0x9]  }
0x30: {  	[tilespmem:s19], [sflag:$0x1] =	stream.linear.gather [hbm4b:s14+s3], $0x2710, $0x38;
	[tilespmem:$0x1DA00] =	vst v63  }
0x31: {  	[spmem:s24], [sflag:s15] =	dma.local [hbm:s23], $0x2710  }
0x32: {  	_ =	swait.ge [sflag:s26], $0x2710  }
0x33: {  	[sflag:s26] =	ssyncset.done $0x0  }
0x34: {  	[sflag:s26] =	ssyncadd.s32 $0xFFFFD8F0  }
0x35: {  	_ =	swait.ge [sflag:s28], $0x2710  }
0x36: {  	[sflag:s28] =	ssyncset.done $0x0  }
0x37: {  	[sflag:s28] =	ssyncadd.s32 $0xFFFFD8F0  }
0x38: {  	[bflag:$0x0] =	sbarrier.arrive $0xFFFF  }
0x39: {  	[tilespmem:s30], [sflag:$0x1] =	stream.indirect.gather [hbm4b:s4+s29], $0x80, s19, s29, $0xb8;
	[tilespmem:$0x1DA00] =	vst v63  }
0x3a: {  	_ = 	snop  }
0x3b: {  	[tilespmem:s31], [sflag:$0x4] =	stream.linear.gather [hbm4b:s10+s3], $0x50, $0x38;
	[tilespmem:$0x1DA00] =	vst v63  }
0x3c: {  	s23 =	simm.s32 $0x138D0  }
0x3d: {  	[tilespmem:s2], [sflag:$0x2] =	stream.indirect.gather [hbm4b:s4+s29], $0x80, s23, s29, $0xb8;
	[tilespmem:$0x1DA00] =	vst v63  }
0x3e: {  	s15 =	rddreg [dreg:$0xa]  }
0x3f: {  	[tilespmem:s6], [sflag:$0x5] =	stream.linear.gather [hbm4b:s15+s3], $0x50, $0x38;
	[tilespmem:$0x1DA00] =	vst v63  }
0x40: {  	_ =	swait.ge [sflag:s26], $0x2800  }
0x41: {  	[sflag:s26] =	ssyncset.done $0x0  }
0x42: {  	[sflag:s26] =	ssyncadd.s32 $0xFFFFD800  }
0x43: {  	_ =	swait.ge [sflag:s9], $0x50  }
0x44: {  	[sflag:s9] =	ssyncset.done $0x0  }
0x45: {  	[sflag:s9] =	ssyncadd.s32 $0xFFFFFFB0  }
0x46: {  	[spmem:s1] =	stream.indirect.scatter.add.f32 [tilespmem:s30], [sflag:$0x7], $0x80, s31, s29, $0xb8;
	[tilespmem:$0x1DA00] =	vst v63  }
0x47: {  	s19 =	simm.s32 $0x13920  }
0x48: {  	[tilespmem:s0], [sflag:$0x3] =	stream.indirect.gather [hbm4b:s4+s29], $0x80, s19, s29, $0xb8;
	[tilespmem:$0x1DA00] =	vst v63  }
0x49: {  	s23 =	rddreg [dreg:$0xb]  }
0x4a: {  	[tilespmem:s17], [sflag:$0x6] =	stream.linear.gather [hbm4b:s23+s3], $0x50, $0x38;
	[tilespmem:$0x1DA00] =	vst v63  }
0x4b: {  	_ =	swait.ge [sflag:s28], $0x2800  }
0x4c: {  	[sflag:s28] =	ssyncset.done $0x0  }
0x4d: {  	[sflag:s28] =	ssyncadd.s32 $0xFFFFD800  }
0x4e: {  	_ =	swait.ge [sflag:s25], $0x50  }
0x4f: {  	[sflag:s25] =	ssyncset.done $0x0  }
0x50: {  	[sflag:s25] =	ssyncadd.s32 $0xFFFFFFB0  }
0x51: {  	[spmem:s1] =	stream.indirect.scatter.add.f32 [tilespmem:s2], [sflag:$0x8], $0x80, s6, s29, $0xb8;
	[tilespmem:$0x1DA00] =	vst v63  }
0x52: {  	_ =	swait.ge [sflag:s7], $0x2800  }
0x53: {  	[sflag:s7] =	ssyncset.done $0x0  }
0x54: {  	s15 =	simm.s32 $0x13970;
	[sflag:s7] =	ssyncadd.s32 $0xFFFFD800  }
0x55: {  	[tilespmem:s30], [sflag:$0x1] =	stream.indirect.gather [hbm4b:s4+s29], $0x80, s15, s29, $0xb8;
	[tilespmem:$0x1DA00] =	vst v63  }
0x56: {  	s19 =	rddreg [dreg:$0xc]  }
0x57: {  	[tilespmem:s31], [sflag:$0x4] =	stream.linear.gather [hbm4b:s19+s3], $0x50, $0x38;
	[tilespmem:$0x1DA00] =	vst v63  }
0x58: {  	_ =	swait.ge [sflag:s18], $0x2800  }
0x59: {  	[sflag:s18] =	ssyncset.done $0x0  }
0x5a: {  	[sflag:s18] =	ssyncadd.s32 $0xFFFFD800  }
0x5b: {  	_ =	swait.ge [sflag:s5], $0x50  }
0x5c: {  	[sflag:s5] =	ssyncset.done $0x0  }
0x5d: {  	[sflag:s5] =	ssyncadd.s32 $0xFFFFFFB0  }
0x5e: {  	[spmem:s1] =	stream.indirect.scatter.add.f32 [tilespmem:s0], [sflag:$0x9], $0x80, s17, s29, $0xb8;
	[tilespmem:$0x1DA00] =	vst v63  }
0x5f: {  	_ =	swait.ge [sflag:s8], $0x2800  }
0x60: {  	[sflag:s8] =	ssyncset.done $0x0  }
0x61: {  	s23 =	simm.s32 $0x139C0;
	[sflag:s8] =	ssyncadd.s32 $0xFFFFD800  }
0x62: {  	[tilespmem:s2], [sflag:$0x2] =	stream.indirect.gather [hbm4b:s4+s29], $0x80, s23, s29, $0xb8;
	[tilespmem:$0x1DA00] =	vst v63  }
0x63: {  	s15 =	rddreg [dreg:$0xd]  }
0x64: {  	[tilespmem:s6], [sflag:$0x5] =	stream.linear.gather [hbm4b:s15+s3], $0x50, $0x38;
	[tilespmem:$0x1DA00] =	vst v63  }
0x65: {  	_ =	swait.ge [sflag:s26], $0x2800  }
0x66: {  	[sflag:s26] =	ssyncset.done $0x0  }
0x67: {  	[sflag:s26] =	ssyncadd.s32 $0xFFFFD800  }
0x68: {  	_ =	swait.ge [sflag:s9], $0x50  }
0x69: {  	[sflag:s9] =	ssyncset.done $0x0  }
0x6a: {  	[sflag:s9] =	ssyncadd.s32 $0xFFFFFFB0  }
0x6b: {  	[spmem:s1] =	stream.indirect.scatter.add.f32 [tilespmem:s30], [sflag:$0x7], $0x80, s31, s29, $0xb8;
	[tilespmem:$0x1DA00] =	vst v63  }
0x6c: {  	_ =	swait.ge [sflag:s11], $0x2800  }
0x6d: {  	[sflag:s11] =	ssyncset.done $0x0  }
0x6e: {  	s19 =	simm.s32 $0x13A10;
	[sflag:s11] =	ssyncadd.s32 $0xFFFFD800  }
0x6f: {  	[tilespmem:s0], [sflag:$0x3] =	stream.indirect.gather [hbm4b:s4+s29], $0x80, s19, s29, $0xb8;
	[tilespmem:$0x1DA00] =	vst v63  }
0x70: {  	s23 =	sadd.s32 $0x0, s22  }
0x71: {  	[tilespmem:s17], [sflag:$0x6] =	stream.linear.gather [hbm4b:s23+s3], $0x50, $0x38;
	[tilespmem:$0x1DA00] =	vst v63  }
0x72: {  	_ =	swait.ge [sflag:s28], $0x2800  }
0x73: {  	[sflag:s28] =	ssyncset.done $0x0  }
0x74: {  	[sflag:s28] =	ssyncadd.s32 $0xFFFFD800  }
0x75: {  	_ =	swait.ge [sflag:s25], $0x50  }
0x76: {  	[sflag:s25] =	ssyncset.done $0x0  }
0x77: {  	[sflag:s25] =	ssyncadd.s32 $0xFFFFFFB0  }
0x78: {  	[spmem:s1] =	stream.indirect.scatter.add.f32 [tilespmem:s2], [sflag:$0x8], $0x80, s6, s29, $0xb8;
	[tilespmem:$0x1DA00] =	vst v63  }
0x79: {  	_ =	swait.ge [sflag:s7], $0x2800  }
0x7a: {  	[sflag:s7] =	ssyncset.done $0x0  }
0x7b: {  	s15 =	simm.s32 $0x13A60;
	[sflag:s7] =	ssyncadd.s32 $0xFFFFD800  }
0x7c: {  	[tilespmem:s30], [sflag:$0x1] =	stream.indirect.gather [hbm4b:s4+s29], $0x80, s15, s29, $0xb8;
	[tilespmem:$0x1DA00] =	vst v63  }
0x7d: {  	s19 =	sadd.s32 $0x0, s21  }
0x7e: {  	[tilespmem:s31], [sflag:$0x4] =	stream.linear.gather [hbm4b:s19+s3], $0x50, $0x38;
	[tilespmem:$0x1DA00] =	vst v63  }
0x7f: {  	_ =	swait.ge [sflag:s18], $0x2800  }
0x80: {  	[sflag:s18] =	ssyncset.done $0x0  }
0x81: {  	[sflag:s18] =	ssyncadd.s32 $0xFFFFD800  }
0x82: {  	_ =	swait.ge [sflag:s5], $0x50  }
0x83: {  	[sflag:s5] =	ssyncset.done $0x0  }
0x84: {  	[sflag:s5] =	ssyncadd.s32 $0xFFFFFFB0  }
0x85: {  	[spmem:s1] =	stream.indirect.scatter.add.f32 [tilespmem:s0], [sflag:$0x9], $0x80, s17, s29, $0xb8;
	[tilespmem:$0x1DA00] =	vst v63  }
0x86: {  	_ =	swait.ge [sflag:s8], $0x2800  }
0x87: {  	s14 =	simm.s32 $0x1E;
	s23 =	simm.s32 $0x13AB0;
	[sflag:s8] =	ssyncset.done $0x0  }
0x88: {  	s15 =	simm.s32 $0x13BA0;
	s19 =	sadd.s32 $0x0, s20;
	[sflag:s8] =	ssyncadd.s32 $0xFFFFD800  }
0x89: {  	[tilespmem:s2], [sflag:$0x2] =	stream.indirect.gather [hbm4b:s4+s29], $0x80, s23, s29, $0xb8;
	[tilespmem:$0x1DA00] =	vst v63  }
.LBB2_2:
0x8a: {  	[tilespmem:s6], [sflag:$0x5] =	stream.linear.gather [hbm4b:s19+s3], $0x50, $0x38;
	[tilespmem:$0x1DA00] =	vst v63  }
0x8b: {  	s19 =	smov.u32 s14  }
0x8c: {  	p5 =	sne.s32 s14, $0x492;
	s14 =	sadd.s32 $0x1E, s14;
	_ =	swait.ge [sflag:s26], $0x2800  }
0x8d: {  	[sflag:s26] =	ssyncset.done $0x0  }
0x8e: {  	[sflag:s26] =	ssyncadd.s32 $0xFFFFD800  }
0x8f: {  	_ =	swait.ge [sflag:s9], $0x50  }
0x90: {  	[sflag:s9] =	ssyncset.done $0x0  }
0x91: {  	[sflag:s9] =	ssyncadd.s32 $0xFFFFFFB0  }
0x92: {  	[spmem:s1] =	stream.indirect.scatter.add.f32 [tilespmem:s30], [sflag:$0x7], $0x80, s31, s29, $0xb8;
	[tilespmem:$0x1DA00] =	vst v63  }
0x93: {  	_ =	swait.ge [sflag:s11], $0x2800  }
0x94: {  	[sflag:s11] =	ssyncset.done $0x0  }
0x95: {  	s23 =	sadd.s32 $0xFFFFFF60, s15;
	[sflag:s11] =	ssyncadd.s32 $0xFFFFD800  }
0x96: {  	[tilespmem:s0], [sflag:$0x3] =	stream.indirect.gather [hbm4b:s4+s29], $0x80, s23, s29, $0xb8;
	[tilespmem:$0x1DA00] =	vst v63  }
0x97: {  	s23 =	sadd.s32 s19, s22  }
0x98: {  	[tilespmem:s17], [sflag:$0x6] =	stream.linear.gather [hbm4b:s23+s3], $0x50, $0x38;
	[tilespmem:$0x1DA00] =	vst v63  }
0x99: {  	_ =	swait.ge [sflag:s28], $0x2800  }
0x9a: {  	[sflag:s28] =	ssyncset.done $0x0  }
0x9b: {  	[sflag:s28] =	ssyncadd.s32 $0xFFFFD800  }
0x9c: {  	_ =	swait.ge [sflag:s25], $0x50  }
0x9d: {  	[sflag:s25] =	ssyncset.done $0x0  }
0x9e: {  	[sflag:s25] =	ssyncadd.s32 $0xFFFFFFB0  }
0x9f: {  	[spmem:s1] =	stream.indirect.scatter.add.f32 [tilespmem:s2], [sflag:$0x8], $0x80, s6, s29, $0xb8;
	[tilespmem:$0x1DA00] =	vst v63  }
0xa0: {  	_ =	swait.ge [sflag:s7], $0x2800  }
0xa1: {  	[sflag:s7] =	ssyncset.done $0x0  }
0xa2: {  	s23 =	sadd.s32 $0xFFFFFFB0, s15;
	[sflag:s7] =	ssyncadd.s32 $0xFFFFD800  }
0xa3: {  	[tilespmem:s30], [sflag:$0x1] =	stream.indirect.gather [hbm4b:s4+s29], $0x80, s23, s29, $0xb8;
	[tilespmem:$0x1DA00] =	vst v63  }
0xa4: {  	s23 =	sadd.s32 s19, s21  }
0xa5: {  	[tilespmem:s31], [sflag:$0x4] =	stream.linear.gather [hbm4b:s23+s3], $0x50, $0x38;
	[tilespmem:$0x1DA00] =	vst v63  }
0xa6: {  	_ =	swait.ge [sflag:s18], $0x2800  }
0xa7: {  	[sflag:s18] =	ssyncset.done $0x0  }
0xa8: {  	[sflag:s18] =	ssyncadd.s32 $0xFFFFD800  }
0xa9: {  	_ =	swait.ge [sflag:s5], $0x50  }
0xaa: {  	[sflag:s5] =	ssyncset.done $0x0  }
0xab: {  	[sflag:s5] =	ssyncadd.s32 $0xFFFFFFB0  }
0xac: {  	[spmem:s1] =	stream.indirect.scatter.add.f32 [tilespmem:s0], [sflag:$0x9], $0x80, s17, s29, $0xb8;
	[tilespmem:$0x1DA00] =	vst v63  }
.Ltmp2:
0xad: {  	_ =	swait.ge [sflag:s8], $0x2800;
	(pc) =	sbr.rel @p5 .LBB2_2-.Ltmp2, $4  }
0xae: {  	[sflag:s8] =	ssyncset.done $0x0  }
0xaf: {  	[sflag:s8] =	ssyncadd.s32 $0xFFFFD800  }
0xb0: {  	[tilespmem:s2], [sflag:$0x2] =	stream.indirect.gather [hbm4b:s4+s29], $0x80, s15, s29, $0xb8;
	[tilespmem:$0x1DA00] =	vst v63  }
0xb1: {  	s19 =	sadd.s32 s19, s20;
	s15 =	sadd.s32 $0xF0, s15  }
0xb2: {  	[tilespmem:s6], [sflag:$0x5] =	stream.linear.gather [hbm4b:s19+s3], $0x50, $0x38;
	[tilespmem:$0x1DA00] =	vst v63  }
0xb3: {  	_ =	swait.ge [sflag:s26], $0x2800  }
0xb4: {  	[sflag:s26] =	ssyncset.done $0x0  }
0xb5: {  	[sflag:s26] =	ssyncadd.s32 $0xFFFFD800  }
0xb6: {  	_ =	swait.ge [sflag:s9], $0x50  }
0xb7: {  	[sflag:s9] =	ssyncset.done $0x0  }
0xb8: {  	[sflag:s9] =	ssyncadd.s32 $0xFFFFFFB0  }
0xb9: {  	[spmem:s1] =	stream.indirect.scatter.add.f32 [tilespmem:s30], [sflag:$0x7], $0x80, s31, s29, $0xb8;
	[tilespmem:$0x1DA00] =	vst v63  }
0xba: {  	_ =	swait.ge [sflag:s11], $0x2800  }
0xbb: {  	[sflag:s11] =	ssyncset.done $0x0  }
0xbc: {  	[sflag:s11] =	ssyncadd.s32 $0xFFFFD800  }
0xbd: {  	_ =	swait.ge [sflag:s28], $0x2800  }
0xbe: {  	[sflag:s28] =	ssyncset.done $0x0  }
0xbf: {  	[sflag:s28] =	ssyncadd.s32 $0xFFFFD800  }
0xc0: {  	_ =	swait.ge [sflag:s25], $0x50  }
0xc1: {  	[sflag:s25] =	ssyncset.done $0x0  }
0xc2: {  	[sflag:s25] =	ssyncadd.s32 $0xFFFFFFB0  }
0xc3: {  	[spmem:s1] =	stream.indirect.scatter.add.f32 [tilespmem:s2], [sflag:$0x8], $0x80, s6, s29, $0xb8;
	[tilespmem:$0x1DA00] =	vst v63  }
0xc4: {  	_ =	swait.ge [sflag:s7], $0x2800  }
0xc5: {  	[sflag:s7] =	ssyncset.done $0x0  }
0xc6: {  	[sflag:s7] =	ssyncadd.s32 $0xFFFFD800  }
.Ltmp3:
0xc7: {  	_ =	swait.ge [sflag:s8], $0x2800;
	(pc) =	sbr.rel @!p1 .LBB2_5-.Ltmp3, $3  }
0xc8: {  	[sflag:s8] =	ssyncset.done $0x0  }
0xc9: {  	[sflag:s8] =	ssyncadd.s32 $0xFFFFD800  }
0xca: {  	[bflag:$0x0] =	sbarrier.arrive $0xFFFF;
	_ =	sdelay $0x1  }
0xcb: {  	s14 =	rddreg [dreg:$0x8];
	s15 =	sshrl.u32 s16, $0x3  }
.Ltmp4:
0xcc: {  	s19 =	rddreg [dreg:$0xe];
	s14 =	sor.u32 $0x1C0A, s14;
	(pc) =	sbr.rel .LBB2_6-.Ltmp4, $4  }
0xcd: {  	[hbm:s19], [sflag:s14] =	dma.local [spmem:s15], $0x2700  }
0xce: {  	_ =	swait.ge [sflag:s12], $0x2700  }
0xcf: {  	[sflag:s12] =	ssyncset.done $0x0  }
0xd0: {  	p5 =	por $0x0, $0x0;
	[sflag:s12] =	ssyncadd.s32 $0xFFFFD900  }
.LBB2_5:
.Ltmp5:
0xd1: {  	(pc) =	sbr.rel @p2 .LBB2_7-.Ltmp5, $2  }
0xd2: {  	_ =	sdelay $0x2  }
0xd3: {  	s15 =	simm.s32 $0xF;
	p5 =	por p0, p0;
	s14 =	rddreg [dreg:$0x5]  }
.LBB2_6:
0xd4: {  	s14 =	stileid.u32;
	p6 =	por @p4 $0x1, $0x1  }
0xd5: {  	s15 =	sshrl.u32 @p4 s16, $0x3;
	s14 =	sshll.u32 @p4 s14, $0x6;
	p6 =	por @!p4 p3, p3  }
0xd6: {  	s19 =	rddreg [dreg:$0xf];
	s14 =	sor.u32 @p4 $0x1C0A, s14;
	p5 =	por !p6, !p5  }
0xd7: {  	[hbm:s19], [sflag:s14] =	dma.local @p4 [spmem:s15], $0x2700  }
0xd8: {  	p5 =	por !p5, !p5  }
.Ltmp6:
0xd9: {  	_ = 	snop;
	(pc) =	sbr.rel @!p5 .LBB2_8-.Ltmp6, $4  }
.Ltmp7:
0xda: {  	s14 =	simm.s32 @p4 $0xA;
	(pc) =	sbr.rel @p5 .LBB2_7-.Ltmp7, $4  }
0xdb: {  	_ =	swait.ge @p4 [sflag:s14], $0x2700  }
0xdc: {  	[sflag:s14] =	ssyncset.done @p4 $0x0  }
0xdd: {  	s15 =	stileid.u32;
	[sflag:s14] =	ssyncadd.s32 @p4 $0xFFFFD900;
	s14 =	rddreg [dreg:$0x6]  }
0xde: {  	_ = 	snop  }
.LBB2_9:
0xdf: {  	_ =	sfence.sel $0x180000  }
0xe0: {  	[bflag:$0x0] =	sbarrier.arrive $0xFFFF  }
0xe1: {  	_ =	strace $0x9000004A  }
0xe2: {  	s0 =	stileid.u32;
	[bflag:$0x2] =	sbarrier.arrive $0xFFFF  }
0xe3: {  	p0 =	sne.s32 s0, $0x0;
	s0 =	rddreg [dreg:$0x3]  }
0xe4: {  	s0 =	sadd.s32 @!p0 $0x100000, s0  }
0xe5: {  	[sflag:s0] =	ssyncadd.tile.s32 @!p0 $0x1;
	_ =	shalt  }
.Lfunc_end2:
_tile_overlayer_lowered:
.L_overlay_start_2:
0xe6: {  	(tag) =	ssettag $0x2  }
0xe7: {  	s0 =	rddreg [dreg:$0x0];
	s2 =	stileid.u32  }
0xe8: {  	s1 =	rddreg [dreg:$0x1];
	p0 =	sne.s32 s2, $0x0  }
0xe9: {  	s3 =	rddreg [dreg:$0x2];
	[bflag:$0x3] =	sbarrier.arrive $0xFFFF;
	s2 =	simm.s32 @!p0 $0x1C0A  }
0xea: {  	[timem:s3], [sflag:s2] =	dma.local @!p0 [hbm:s0], s1  }
0xeb: {  	s0 =	simm.s32 @!p0 $0xA  }
0xec: {  	_ =	swait.ge @!p0 [sflag:s0], s1  }
0xed: {  	s1 =	ssub.s32 @!p0 $0x0, s1;
	[sflag:s0] =	ssyncset.done @!p0 $0x0  }
0xee: {  	[sflag:s0] =	ssyncadd.s32 @!p0 s1  }
0xef: {  	[bflag:$0x3] =	sbarrier.arrive $0xFFFF  }
0xf0: {  	_ =	shalt  }

// kernel: kernel.8.cloned.1.call-start
scs
__scs_entry_jumppad:
0x0: {  	(pc) =	sbr.rel $0x88, $3  }
0x1: {  	(tag) =	ssettag $0x0;
	lr =	simm.s32 $0x1  }
0x2: {  	[smem:$0x3F96] =	sst lr;
	_ =	strace $0xD0000000  }
0x3: {  	_ = 	snop  }
0x4: {  	_ = 	snop  }
0x5: {  	_ = 	snop  }
0x6: {  	_ = 	snop  }
0x7: {  	_ = 	snop  }
__scs_overlays_trampoline_lowered:
0x8: {  	[smem:$0x3FA5] =	sst s0  }
0x9: {  	[smem:$0x3FA6] =	sst s1  }
0xa: {  	[smem:$0x3FA7] =	sst s2  }
0xb: {  	[smem:$0x3FA8] =	sst s3  }
0xc: {  	[smem:$0x3FA9] =	sst s4  }
0xd: {  	[smem:$0x3FAA] =	sst s5  }
0xe: {  	[smem:$0x3FAB] =	sst s6  }
0xf: {  	[smem:$0x3FAC] =	sst s7  }
0x10: {  	[smem:$0x3FAD] =	sst s8  }
0x11: {  	[smem:$0x3FAE] =	sst s9;
	s0 =	simm.s32 @!p0 $0x0  }
0x12: {  	s1 =	sld [smem:$0x3F94];
	s0 =	simm.s32 @p0 $0x1  }
0x13: {  	[smem:$0x3FAF] =	sst s0;
	s0 =	simm.s32 @!p1 $0x0  }
0x14: {  	s2 =	sld [smem:$0x3F93];
	s0 =	simm.s32 @p1 $0x1  }
0x15: {  	[smem:$0x3FB0] =	sst s0;
	s0 =	simm.s32 @!p2 $0x0  }
0x16: {  	s3 =	sld [smem:$0x3FDB];
	s0 =	simm.s32 @p2 $0x1  }
0x17: {  	s4 =	simm.s32 $0x1BF5;
	[smem:$0x3FB2] =	sst s0  }
0x18: {  	s0 =	sld [smem:$0x3F95];
	_ =	swait.ge [sflag:s4], $0x0  }
0x19: {  	s7 =	sld [smem:$0x3F96]  }
0x1a: {  	s8 =	sadd.s32 $0xFFFFE003, lr  }
0x1b: {  	s9 =	sadd.s32 $0xFFFFFEF7, lr;
	s5 =	simm.s32 $0xFFFFFFFF;
	p2 =	slt.u32 s8, $0xFFFFF086  }
0x1c: {  	p1 =	slt.u32 s9, $0xF7A;
	s5 =	simm.s32 @!p2 $0x0  }
0x1d: {  	s5 =	simm.s32 @p1 $0x1;
	p0 =	seq.s32 s7, s2  }
0x1e: {  	s7 =	smul.u32 @!p0 $0xF7A, s2;
	p2 =	seq.s32 @!p0 s5, $0x0  }
0x1f: {  	s9 =	smul.u32 $0xF7A, s1;
	s8 =	simm.s32 @!p0 $0x1BF5;
	p2 =	por !p2, p0  }
0x20: {  	[sflag:s8] =	ssyncset.s32 @!p0 $0xFFFFF086;
	s6 =	sadd.s32 @!p0 s3, s7;
	s7 =	simm.s32 @!p0 $0x108  }
0x21: {  	s3 =	sadd.s32 s3, s9;
	s6 =	sadd.s32 @!p0 $0x88, s6;
	s7 =	simm.s32 @p2 $0x1082  }
0x22: {  	[simem:s7], [sflag:s8] =	dma.local @!p0 [hbm:s6], $0xF7A  }
0x23: {  	s9 =	sor.u32 $0xD0000000, s2;
	s6 =	simm.s32 $0x108;
	_ =	swait.ge @!p0 [sflag:s8], $0x0  }
0x24: {  	s3 =	sadd.s32 $0x88, s3;
	s6 =	simm.s32 @!p1 $0x1082;
	[sflag:s4] =	ssyncset.s32 $0xFFFFF086  }
0x25: {  	[simem:s6], [sflag:s4] =	dma.local [hbm:s3], $0xF7A  }
0x26: {  	[smem:$0x3F96] =	sst s1;
	(tag) =	ssettag s2;
	_ =	strace s9  }
0x27: {  	s1 =	sld [smem:$0x3FA6]  }
0x28: {  	s2 =	sld [smem:$0x3FA7]  }
0x29: {  	s4 =	sld [smem:$0x3FA9]  }
0x2a: {  	p0 =	seq.s32 s5, $0x0;
	s5 =	sld [smem:$0x3FAA]  }
0x2b: {  	s6 =	sld [smem:$0x3FAB]  }
0x2c: {  	s7 =	sld [smem:$0x3FAC]  }
0x2d: {  	s3 =	simm.s32 $0x108;
	s8 =	sld [smem:$0x3FAD]  }
0x2e: {  	s3 =	simm.s32 @!p0 $0x1082;
	s9 =	sld [smem:$0x3FAE]  }
0x2f: {  	lr =	sadd.s32 s0, s3;
	s0 =	sld [smem:$0x3FA5]  }
0x30: {  	s3 =	sld [smem:$0x3FA8]  }
0x31: {  	[smem:$0x3FB1] =	sst s10  }
0x32: {  	s10 =	sld [smem:$0x3FAF];
	_ =	sdelay $0x3  }
0x33: {  	p0 =	seq.s32 s10, $0x1;
	s10 =	sld [smem:$0x3FB1];
	_ =	sdelay $0x3  }
0x34: {  	[smem:$0x3FB1] =	sst s10  }
0x35: {  	s10 =	sld [smem:$0x3FB0];
	_ =	sdelay $0x3  }
0x36: {  	p1 =	seq.s32 s10, $0x1;
	s10 =	sld [smem:$0x3FB1];
	_ =	sdelay $0x3  }
0x37: {  	[smem:$0x3FB1] =	sst s10  }
0x38: {  	s10 =	sld [smem:$0x3FB2]  }
0x39: {  	_ = 	snop;
	(pc) =	sbr.ind lr, $3  }
0x3a: {  	_ = 	snop  }
0x3b: {  	_ = 	snop  }
0x3c: {  	p2 =	seq.s32 s10, $0x1;
	s10 =	sld [smem:$0x3FB1]  }
0x3d: {  	_ =	shalt  }
0x3e: {  	_ =	shalt  }
0x3f: {  	_ =	shalt  }
0x40: {  	_ =	shalt  }
0x41: {  	_ =	shalt  }
0x42: {  	_ =	shalt  }
0x43: {  	_ =	shalt  }
0x44: {  	_ =	shalt  }
0x45: {  	_ =	shalt  }
0x46: {  	_ =	shalt  }
0x47: {  	_ =	shalt  }
0x48: {  	_ =	shalt  }
0x49: {  	_ =	shalt  }
0x4a: {  	_ =	shalt  }
0x4b: {  	_ =	shalt  }
0x4c: {  	_ =	shalt  }
0x4d: {  	_ =	shalt  }
0x4e: {  	_ =	shalt  }
0x4f: {  	_ =	shalt  }
0x50: {  	_ =	shalt  }
0x51: {  	_ =	shalt  }
0x52: {  	_ =	shalt  }
0x53: {  	_ =	shalt  }
0x54: {  	_ =	shalt  }
0x55: {  	_ =	shalt  }
0x56: {  	_ =	shalt  }
0x57: {  	_ =	shalt  }
0x58: {  	_ =	shalt  }
0x59: {  	_ =	shalt  }
0x5a: {  	_ =	shalt  }
0x5b: {  	_ =	shalt  }
0x5c: {  	_ =	shalt  }
0x5d: {  	_ =	shalt  }
0x5e: {  	_ =	shalt  }
0x5f: {  	_ =	shalt  }
0x60: {  	_ =	shalt  }
0x61: {  	_ =	shalt  }
0x62: {  	_ =	shalt  }
0x63: {  	_ =	shalt  }
0x64: {  	_ =	shalt  }
0x65: {  	_ =	shalt  }
0x66: {  	_ =	shalt  }
0x67: {  	_ =	shalt  }
0x68: {  	_ =	shalt  }
0x69: {  	_ =	shalt  }
0x6a: {  	_ =	shalt  }
0x6b: {  	_ =	shalt  }
0x6c: {  	_ =	shalt  }
0x6d: {  	_ =	shalt  }
0x6e: {  	_ =	shalt  }
0x6f: {  	_ =	shalt  }
0x70: {  	_ =	shalt  }
0x71: {  	_ =	shalt  }
0x72: {  	_ =	shalt  }
0x73: {  	_ =	shalt  }
0x74: {  	_ =	shalt  }
0x75: {  	_ =	shalt  }
0x76: {  	_ =	shalt  }
0x77: {  	_ =	shalt  }
0x78: {  	_ =	shalt  }
0x79: {  	_ =	shalt  }
0x7a: {  	_ =	shalt  }
0x7b: {  	_ =	shalt  }
0x7c: {  	_ =	shalt  }
0x7d: {  	_ =	shalt  }
0x7e: {  	_ =	shalt  }
0x7f: {  	_ =	shalt  }
0x80: {  	_ =	shalt  }
0x81: {  	_ =	shalt  }
0x82: {  	_ =	shalt  }
0x83: {  	_ =	shalt  }
0x84: {  	_ =	shalt  }
0x85: {  	_ =	shalt  }
0x86: {  	_ =	shalt  }
0x87: {  	_ =	shalt  }
.Lfunc_end0:
.L_simem_size_0:
called_computation_lowered:
.L_overlay_start_0:
0x88: {  	s2 =	sld [smem:$0x3FD9]  }
0x89: {  	s3 =	sld [smem:$0x3FFE];
	_ =	sdelay $0x1  }
0x8a: {  	s1 =	srdreg.scid  }
0x8b: {  	s0 =	sand.u32 $0x1, s1  }
0x8c: {  	s17 =	sshll.u32 s0, $0xA;
	s2 =	sadd.s32 s3, s2  }
0x8d: {  	s2 =	sadd.s32 s2, s17  }
0x8e: {  	[smem:$0x3FBD] =	sst s2  }
0x8f: {  	_ = 	snop  }
0x90: {  	s2 =	sld [smem:$0x3FD0];
	(tm) =	ssettm $0x1  }
0x91: {  	s18 =	sld [smem:$0x3FFB];
	_ =	sdelay $0x3  }
0x92: {  	_ =	strace s18  }
0x93: {  	s3 =	sld [smem:$0x3FFC];
	_ =	sdelay $0x3  }
0x94: {  	_ =	strace s3  }
0x95: {  	s3 =	sld [smem:$0x3FFD];
	_ =	sdelay $0x3  }
0x96: {  	_ =	strace s3  }
0x97: {  	_ =	strace $0x8FFFFFFF  }
0x98: {  	s19 =	sld [smem:$0x3FDB];
	_ =	sdelay $0x1  }
0x99: {  	s4 =	simm.s32 $_scs_section_size  }
0x9a: {  	s5 =	simm.s32 $_size__tile_overlayer_lowered;
	s6 =	simm.s32 $_tile_overlayer_lowered  }
0x9b: {  	s22 =	simm.s32 $0x1BFF;
	s21 =	sshll.u32 s6, $0x1;
	s3 =	sadd.s32 s4, s19  }
0x9c: {  	s7 =	simm.s32 $0x0;
	s20 =	sshll.u32 s5, $0x1;
	s5 =	sadd.s32 s21, s3  }
0x9d: {  	[timem:s7], [sflag:s22] =	dma.local [hbm:s5], s20  }
0x9e: {  	_ =	swait.ge [sflag:s22], s20  }
0x9f: {  	s4 =	ssub.s32 $0x0, s20;
	[sflag:s22] =	ssyncset.done $0x0  }
0xa0: {  	[sflag:s22] =	ssyncadd.s32 s4;
	_ =	sdelay $0x1  }
0xa1: {  	s23 =	simm.s32 $0x1B8B  }
0xa2: {  	_ =	swait.ge [sflag:s23], $0x1  }
0xa3: {  	[sflag:s23] =	ssyncset.done $0x0  }
0xa4: {  	s25 =	simm.s32 $0x1B8E;
	s24 =	sld [smem:$0x3FFE];
	[sflag:s23] =	ssyncadd.s32 $0xFFFFFFFF  }
0xa5: {  	s26 =	simm.s32 $execute0_lowered;
	[smem:$0x3FD2] =	sst s25  }
0xa6: {  	s5 =	sshll.u32 s26, $0x1;
	_ =	strace $0x80000046;
	[dreg:$0x1] =	wrdreg $0xFFFFFFFF  }
0xa7: {  	s28 =	simm.s32 $_size_execute0_lowered;
	s3 =	sadd.s32 s3, s5;
	[dreg:$0x0] =	wrdreg $0x0  }
0xa8: {  	s5 =	sshll.u32 s28, $0x1;
	[dreg:$0x2] =	wrdreg s3  }
0xa9: {  	[dreg:$0x3] =	wrdreg s5  }
0xaa: {  	[dreg:$0x4] =	wrdreg $0xC0  }
0xab: {  	_ =	task [dreg:s7], $0x5FFFF  }
0xac: {  	[dreg:$0x1] =	wrdreg $0xFFFFFFFF  }
0xad: {  	[dreg:$0x0] =	wrdreg $0x60  }
0xae: {  	[dreg:$0x2] =	wrdreg s24  }
0xaf: {  	[dreg:$0x3] =	wrdreg s2  }
0xb0: {  	[dreg:$0x4] =	wrdreg $0x0  }
0xb1: {  	[dreg:$0x5] =	wrdreg $0x1DA000  }
0xb2: {  	[dreg:$0x6] =	wrdreg $0x9  }
0xb3: {  	_ =	task.clear_ibuf [dreg:s7], $0x7FFFF;
	_ =	strace $0x90000046  }
0xb4: {  	s29 =	simm.s32 $0x9;
	_ =	strace $0x80000048  }
0xb5: {  	_ =	swait.ge [sflag:s29], $0x1  }
0xb6: {  	[sflag:s29] =	ssyncadd.s32 $0xFFFFFFFF  }
0xb7: {  	_ =	strace $0x90000048  }
0xb8: {  	_ =	sfence  }
0xb9: {  	s30 =	sld [smem:$0x0];
	_ =	sdelay $0x2  }
0xba: {  	s31 =	sshll.u32 s1, $0xD;
	s1 =	sshrl.u32 s1, $0x2  }
0xbb: {  	s3 =	sand.u32 $0x4000, s31;
	s1 =	sadd.s32 s1, s30  }
0xbc: {  	s0 =	sor.u32 s3, s0;
	s1 =	sshll.u32 s1, $0x11  }
0xbd: {  	s0 =	sor.u32 s1, s0  }
0xbe: {  	s0 =	sadd.s32 $0x8F2B, s0  }
0xbf: {  	[sflag:s0] =	ssyncadd.remote.s32 $0x1  }
0xc0: {  	_ =	sfence.sel $0xFFFF  }
0xc1: {  	[dreg:$0x0] =	wrdreg $0xFFFFFFFF;
	(pc) =	sbr.abs _section_cstart, $3  }
0xc2: {  	[dreg:$0x1] =	wrdreg $0xFFFFFFFF  }
0xc3: {  	_ =	task.clear_ibuf [dreg:s7], $0x2FFFF;
	_ =	strace $0x9FFFFFFF  }
0xc4: {  	(tm) =	ssettm $0x7FFFFFFF  }
0xc5: {  	_ =	shalt  }
tec
execute0_lowered:
.L_overlay_start_1:
0x0: {  	(tag) =	ssettag $0x1  }
0x1: {  	s0 =	rddreg [dreg:$0x0]  }
0x2: {  	s6 =	rddreg [dreg:$0x1]  }
0x3: {  	s1 =	rddreg [dreg:$0x2]  }
0x4: {  	s2 =	rddreg [dreg:$0x3]  }
0x5: {  	s3 =	simm.s32 $0x0;
	s4 =	srdreg.scid;
	s28 =	simm.s32 $0x1DC78  }
0x6: {  	s29 =	simm.s32 $0x5;
	s30 =	simm.s32 $0x1;
	s31 =	simm.s32 $0x2  }
0x7: {  	[smem:$0x7FF] =	sst s3;
	s7 =	sand.u32 $0x1, s4;
	s4 =	stileid.u32  }
0x8: {  	s5 =	sadd.s32 $0xDC00, s0;
	s11 =	sadd.s32 $0x3E00, s0;
	s12 =	sadd.s32 $0x5C000, s0  }
0x9: {  	s18 =	sadd.s32 $0x5E800, s0;
	_ =	strace $0x80000047;
	[dreg:$0x8] =	wrdreg s12  }
0xa: {  	s19 =	sadd.s32 $0x5EE00, s0;
	s9 =	smul.u32 $0x2700, s4;
	[dreg:$0x9] =	wrdreg s18  }
0xb: {  	s8 =	sshll.u32 s7, $0x4;
	[dreg:$0xa] =	wrdreg s19;
	s20 =	smul.u32 $0x4E200, s4  }
0xc: {  	s13 =	ssub.s32 $0x2, s7;
	s21 =	sshll.u32 s4, $0x6;
	s23 =	smul.u32 $0x27100, s7  }
0xd: {  	s25 =	smul.u32 $0x2710, s4;
	p4 =	sne.s32 s4, $0xF;
	p2 =	seq.s32 s7, $0x0  }
0xe: {  	p0 =	seq.s32 s4, $0xF;
	s17 =	smul.u32 $0x4E000, s4;
	s18 =	sadd.s32 $0x124800, s1  }
0xf: {  	s10 =	sor.u32 s4, s8;
	s8 =	sadd.s32 s8, s0;
	s14 =	sshrl.u32 s13, $0x1  }
0x10: {  	[dreg:$0xc] =	wrdreg s21;
	p1 =	por !p4, !p2;
	p3 =	por !p0, !p2  }
0x11: {  	p2 =	seq.s32 s7, $0x1;
	[dreg:$0x13] =	wrdreg s18;
	s18 =	simm.s32 $0x16200  }
0x12: {  	s10 =	smul.u32 $0x2710, s10;
	s9 =	sadd.s32 s9, s0;
	s12 =	sshrl.u32 s20, $0x2  }
0x13: {  	s13 =	ssub.s32 s13, s14;
	p1 =	por !p1, !p1;
	p3 =	por !p3, !p3  }
0x14: {  	s20 =	sadd.s32 $0x84300, s0;
	p4 =	por !p4, !p2;
	s0 =	sadd.s32 $0xAB500, s0  }
0x15: {  	[dreg:$0x14] =	wrdreg s20;
	p5 =	por !p4, !p4;
	s10 =	sshrl.u32 s10, $0x3  }
0x16: {  	[dreg:$0x19] =	wrdreg s0;
	p4 =	sne.s32 s4, $0x0;
	s6 =	sadd.s32 s6, s10  }
0x17: {  	s0 =	simm.s32 $0x50;
	s22 =	sadd.s32 s11, s10;
	[dreg:$0xb] =	wrdreg s6  }
0x18: {  	s10 =	sadd.s32 s25, s23;
	s23 =	sadd.s32 $0x86C00, s9;
	[dreg:$0xd] =	wrdreg s22  }
0x19: {  	s20 =	simm.s32 $0x18A00;
	s25 =	smax.u32 s13, $0x1;
	[dreg:$0x17] =	wrdreg s23  }
0x1a: {  	s6 =	sadd.s32 s12, s1;
	s12 =	sor.u32 $0x1C02, s21;
	[dreg:$0x1a] =	wrdreg s25  }
0x1b: {  	s13 =	simm.s32 $0x8;
	s24 =	sadd.s32 $0xA, s22;
	[dreg:$0xe] =	wrdreg s12  }
0x1c: {  	s15 =	sadd.s32 $0x14, s22;
	s26 =	sadd.s32 $0x1E, s22;
	[dreg:$0xf] =	wrdreg s24  }
0x1d: {  	s14 =	sadd.s32 $0x28, s22;
	s21 =	sshrl.u32 s17, $0x2;
	[dreg:$0x10] =	wrdreg s15  }
0x1e: {  	s22 =	sadd.s32 $0x5FA00, s9;
	s23 =	simm.s32 $0x1B200;
	[dreg:$0x11] =	wrdreg s26  }
0x1f: {  	s9 =	simm.s32 $0x3;
	[dreg:$0x12] =	wrdreg s14;
	s12 =	sadd.s32 $0x230, s10  }
0x20: {  	s15 =	sadd.s32 $0x1E0, s10;
	s14 =	simm.s32 @!p3 $0x0;
	s10 =	sadd.s32 $0x190, s10  }
0x21: {  	[dreg:$0x16] =	wrdreg s22;
	s24 =	sadd.s32 $0x5F000, s8;
	s26 =	sshrl.u32 s6, $0x3  }
0x22: {  	s22 =	simm.s32 $0x4;
	s6 =	simm.s32 $0x16100;
	s8 =	simm.s32 $0xA  }
0x23: {  	s12 =	sshrl.u32 s12, $0x3;
	s14 =	simm.s32 @p3 $0x1;
	s16 =	sshrl.u32 s15, $0x3  }
0x24: {  	s19 =	sshrl.u32 s10, $0x3;
	s10 =	sadd.s32 s21, s1;
	[dreg:$0x18] =	wrdreg s24  }
0x25: {  	[dreg:$0x1b] =	wrdreg s26;
	s21 =	simm.s32 $0x16080;
	s15 =	simm.s32 $0x9  }
.Ltmp0:
0x26: {  	s26 =	simm.s32 $0x0;
	[smem:$0x7FD] =	sst s14;
	(pc) =	sbr.rel .LBB2_1-.Ltmp0, $4  }
0x27: {  	s12 =	sadd.s32 s12, s11;
	s7 =	sadd.s32 s16, s11;
	[dreg:$0x15] =	wrdreg s10  }
0x28: {  	s10 =	simm.s32 $0x16000;
	s14 =	simm.s32 $0xB;
	[dreg:$0x5] =	wrdreg s12  }
0x29: {  	s16 =	simm.s32 $0xC;
	[dreg:$0x6] =	wrdreg s7;
	s7 =	sadd.s32 s19, s11  }
0x2a: {  	s12 =	simm.s32 $0x6;
	[dreg:$0x7] =	wrdreg s7;
	s7 =	simm.s32 $0x7  }
.LBB2_7:
0x2b: {  	s4 =	rddreg [dreg:$0x13]  }
0x2c: {  	s11 =	rddreg [dreg:$0x14]  }
0x2d: {  	s17 =	simm.s32 $0x1FCD;
	s25 =	simm.s32 $0xD;
	s4 =	sshrl.u32 s4, $0x3  }
0x2e: {  	[hbm:s11], [sflag:s17] =	dma.local [spmem:s4], $0x2800  }
0x2f: {  	_ =	swait.ge [sflag:s25], $0x2800  }
0x30: {  	[sflag:s25] =	ssyncset.done $0x0  }
0x31: {  	[sflag:s25] =	ssyncadd.s32 $0xFFFFD800  }
.LBB2_8:
0x32: {  	s26 =	sadd.s32 $0x1, s26;
	s4 =	rddreg [dreg:$0x1a]  }
0x33: {  	p3 =	sne.s32 s26, s4  }
.Ltmp1:
0x34: {  	_ = 	snop;
	(pc) =	sbr.rel @!p3 .LBB2_9-.Ltmp1, $1  }
0x35: {  	_ =	sdelay $0x3  }
.LBB2_1:
0x36: {  	s4 =	rddreg [dreg:$0xb]  }
0x37: {  	s24 =	rddreg [dreg:$0x8]  }
0x38: {  	s11 =	rddreg [dreg:$0xe]  }
0x39: {  	s19 =	simm.s32 $0x13880;
	s17 =	rddreg [dreg:$0x1b]  }
0x3a: {  	[tilespmem:s19], [sflag:$0x1] =	stream.linear.gather [hbm4b:s4+s3], $0x2710, $0x38;
	[tilespmem:$0x1DCF8] =	vst v63  }
0x3b: {  	[spmem:s17], [sflag:s11] =	dma.local [hbm:s24], $0x2710  }
0x3c: {  	s11 =	sshrl.u32 @!p4 s2, $0x3;
	s24 =	simm.s32 @!p4 $0x1C04;
	s4 =	rddreg [dreg:$0x9]  }
0x3d: {  	[spmem:s11], [sflag:s24] =	dma.local @!p4 [hbm:s4], $0x4F0  }
0x3e: {  	s11 =	simm.s32 @!p4 $0x4  }
0x3f: {  	_ =	swait.ge @!p4 [sflag:s11], $0x4F0  }
0x40: {  	[sflag:s11] =	ssyncset.done @!p4 $0x0  }
0x41: {  	s25 =	rddreg [dreg:$0xa];
	[sflag:s11] =	ssyncadd.s32 @!p4 $0xFFFFFB10  }
0x42: {  	[tilespmem:s28], [sflag:$0x5] =	stream.linear.gather [hbm4b:s25+s3], $0x80, $0x38;
	[tilespmem:$0x1DCF8] =	vst v63  }
0x43: {  	_ =	swait.ge [sflag:s29], $0x80  }
0x44: {  	[sflag:s29] =	ssyncset.done $0x0  }
0x45: {  	[sflag:s29] =	ssyncadd.s32 $0xFFFFFF80  }
0x46: {  	_ =	swait.ge [sflag:s30], $0x2710  }
0x47: {  	[sflag:s30] =	ssyncset.done $0x0  }
0x48: {  	[sflag:s30] =	ssyncadd.s32 $0xFFFFD8F0  }
0x49: {  	_ =	swait.ge [sflag:s31], $0x2710  }
0x4a: {  	[sflag:s31] =	ssyncset.done $0x0  }
0x4b: {  	[sflag:s31] =	ssyncadd.s32 $0xFFFFD8F0  }
0x4c: {  	[bflag:$0x0] =	sbarrier.arrive $0xFFFF  }
0x4d: {  	[tilespmem:s18], [sflag:$0x1] =	stream.indirect.gather [hbm4b:s5+s0], $0x80, s19, s0, $0xb8;
	[tilespmem:$0x1DCF8] =	vst v63  }
0x4e: {  	s11 =	rddreg [dreg:$0xd]  }
0x4f: {  	[tilespmem:s10], [sflag:$0x4] =	stream.linear.gather [hbm4b:s11+s3], $0x50, $0x38;
	[tilespmem:$0x1DCF8] =	vst v63  }
0x50: {  	s17 =	simm.s32 $0x138D0  }
0x51: {  	[tilespmem:s20], [sflag:$0x2] =	stream.indirect.gather [hbm4b:s5+s0], $0x80, s17, s0, $0xb8;
	[tilespmem:$0x1DCF8] =	vst v63  }
0x52: {  	s19 =	rddreg [dreg:$0xf]  }
0x53: {  	[tilespmem:s21], [sflag:$0x5] =	stream.linear.gather [hbm4b:s19+s3], $0x50, $0x38;
	[tilespmem:$0x1DCF8] =	vst v63  }
0x54: {  	_ =	swait.ge [sflag:s30], $0x2800  }
0x55: {  	[sflag:s30] =	ssyncset.done $0x0  }
0x56: {  	[sflag:s30] =	ssyncadd.s32 $0xFFFFD800  }
0x57: {  	_ =	swait.ge [sflag:s22], $0x50  }
0x58: {  	[sflag:s22] =	ssyncset.done $0x0  }
0x59: {  	[sflag:s22] =	ssyncadd.s32 $0xFFFFFFB0  }
0x5a: {  	[spmem:s1] =	stream.indirect.scatter.add.f32 [tilespmem:s18], [sflag:$0x7], $0x80, s10, s0, $0xb8;
	[tilespmem:$0x1DCF8] =	vst v63  }
0x5b: {  	_ = 	snop  }
0x5c: {  	[spmem:s2] =	stream.indirect.scatter.add.f32 [tilespmem:s28], [sflag:$0xA], $0x1, s10, s0, $0xb8;
	[tilespmem:$0x1DCF8] =	vst v63  }
0x5d: {  	s24 =	simm.s32 $0x13920  }
0x5e: {  	[tilespmem:s23], [sflag:$0x3] =	stream.indirect.gather [hbm4b:s5+s0], $0x80, s24, s0, $0xb8;
	[tilespmem:$0x1DCF8] =	vst v63  }
0x5f: {  	s25 =	rddreg [dreg:$0x10]  }
0x60: {  	[tilespmem:s6], [sflag:$0x6] =	stream.linear.gather [hbm4b:s25+s3], $0x50, $0x38;
	[tilespmem:$0x1DCF8] =	vst v63  }
0x61: {  	_ =	swait.ge [sflag:s31], $0x2800  }
0x62: {  	[sflag:s31] =	ssyncset.done $0x0  }
0x63: {  	[sflag:s31] =	ssyncadd.s32 $0xFFFFD800  }
0x64: {  	_ =	swait.ge [sflag:s29], $0x50  }
0x65: {  	[sflag:s29] =	ssyncset.done $0x0  }
0x66: {  	[sflag:s29] =	ssyncadd.s32 $0xFFFFFFB0  }
0x67: {  	[spmem:s1] =	stream.indirect.scatter.add.f32 [tilespmem:s20], [sflag:$0x8], $0x80, s21, s0, $0xb8;
	[tilespmem:$0x1DCF8] =	vst v63  }
0x68: {  	_ = 	snop  }
0x69: {  	[spmem:s2] =	stream.indirect.scatter.add.f32 [tilespmem:s28], [sflag:$0xB], $0x1, s21, s0, $0xb8;
	[tilespmem:$0x1DCF8] =	vst v63  }
0x6a: {  	_ =	swait.ge [sflag:s7], $0x2800  }
0x6b: {  	[sflag:s7] =	ssyncset.done $0x0  }
0x6c: {  	[sflag:s7] =	ssyncadd.s32 $0xFFFFD800  }
0x6d: {  	_ =	swait.ge [sflag:s8], $0x50  }
0x6e: {  	[sflag:s8] =	ssyncset.done $0x0  }
0x6f: {  	s11 =	simm.s32 $0x13970;
	[sflag:s8] =	ssyncadd.s32 $0xFFFFFFB0  }
0x70: {  	[tilespmem:s18], [sflag:$0x1] =	stream.indirect.gather [hbm4b:s5+s0], $0x80, s11, s0, $0xb8;
	[tilespmem:$0x1DCF8] =	vst v63  }
0x71: {  	s17 =	rddreg [dreg:$0x11]  }
0x72: {  	[tilespmem:s10], [sflag:$0x4] =	stream.linear.gather [hbm4b:s17+s3], $0x50, $0x38;
	[tilespmem:$0x1DCF8] =	vst v63  }
0x73: {  	_ =	swait.ge [sflag:s9], $0x2800  }
0x74: {  	[sflag:s9] =	ssyncset.done $0x0  }
0x75: {  	[sflag:s9] =	ssyncadd.s32 $0xFFFFD800  }
0x76: {  	_ =	swait.ge [sflag:s12], $0x50  }
0x77: {  	[sflag:s12] =	ssyncset.done $0x0  }
0x78: {  	[sflag:s12] =	ssyncadd.s32 $0xFFFFFFB0  }
0x79: {  	[spmem:s1] =	stream.indirect.scatter.add.f32 [tilespmem:s23], [sflag:$0x9], $0x80, s6, s0, $0xb8;
	[tilespmem:$0x1DCF8] =	vst v63  }
0x7a: {  	_ = 	snop  }
0x7b: {  	[spmem:s2] =	stream.indirect.scatter.add.f32 [tilespmem:s28], [sflag:$0xC], $0x1, s6, s0, $0xb8;
	[tilespmem:$0x1DCF8] =	vst v63  }
0x7c: {  	_ =	swait.ge [sflag:s13], $0x2800  }
0x7d: {  	[sflag:s13] =	ssyncset.done $0x0  }
0x7e: {  	[sflag:s13] =	ssyncadd.s32 $0xFFFFD800  }
0x7f: {  	_ =	swait.ge [sflag:s14], $0x50  }
0x80: {  	[sflag:s14] =	ssyncset.done $0x0  }
0x81: {  	s19 =	simm.s32 $0x139C0;
	[sflag:s14] =	ssyncadd.s32 $0xFFFFFFB0  }
0x82: {  	[tilespmem:s20], [sflag:$0x2] =	stream.indirect.gather [hbm4b:s5+s0], $0x80, s19, s0, $0xb8;
	[tilespmem:$0x1DCF8] =	vst v63  }
0x83: {  	s24 =	rddreg [dreg:$0x12]  }
0x84: {  	[tilespmem:s21], [sflag:$0x5] =	stream.linear.gather [hbm4b:s24+s3], $0x50, $0x38;
	[tilespmem:$0x1DCF8] =	vst v63  }
0x85: {  	_ =	swait.ge [sflag:s30], $0x2800  }
0x86: {  	[sflag:s30] =	ssyncset.done $0x0  }
0x87: {  	[sflag:s30] =	ssyncadd.s32 $0xFFFFD800  }
0x88: {  	_ =	swait.ge [sflag:s22], $0x50  }
0x89: {  	[sflag:s22] =	ssyncset.done $0x0  }
0x8a: {  	[sflag:s22] =	ssyncadd.s32 $0xFFFFFFB0  }
0x8b: {  	[spmem:s1] =	stream.indirect.scatter.add.f32 [tilespmem:s18], [sflag:$0x7], $0x80, s10, s0, $0xb8;
	[tilespmem:$0x1DCF8] =	vst v63  }
0x8c: {  	_ = 	snop  }
0x8d: {  	[spmem:s2] =	stream.indirect.scatter.add.f32 [tilespmem:s28], [sflag:$0xA], $0x1, s10, s0, $0xb8;
	[tilespmem:$0x1DCF8] =	vst v63  }
0x8e: {  	_ =	swait.ge [sflag:s15], $0x2800  }
0x8f: {  	[sflag:s15] =	ssyncset.done $0x0  }
0x90: {  	[sflag:s15] =	ssyncadd.s32 $0xFFFFD800  }
0x91: {  	_ =	swait.ge [sflag:s16], $0x50  }
0x92: {  	[sflag:s16] =	ssyncset.done $0x0  }
0x93: {  	s4 =	simm.s32 $0x13A10;
	s25 =	rddreg [dreg:$0x7];
	[sflag:s16] =	ssyncadd.s32 $0xFFFFFFB0  }
0x94: {  	[tilespmem:s23], [sflag:$0x3] =	stream.indirect.gather [hbm4b:s5+s0], $0x80, s4, s0, $0xb8;
	[tilespmem:$0x1DCF8] =	vst v63  }
0x95: {  	s11 =	sadd.s32 $0x0, s25  }
0x96: {  	[tilespmem:s6], [sflag:$0x6] =	stream.linear.gather [hbm4b:s11+s3], $0x50, $0x38;
	[tilespmem:$0x1DCF8] =	vst v63  }
0x97: {  	_ =	swait.ge [sflag:s31], $0x2800  }
0x98: {  	[sflag:s31] =	ssyncset.done $0x0  }
0x99: {  	[sflag:s31] =	ssyncadd.s32 $0xFFFFD800  }
0x9a: {  	_ =	swait.ge [sflag:s29], $0x50  }
0x9b: {  	[sflag:s29] =	ssyncset.done $0x0  }
0x9c: {  	[sflag:s29] =	ssyncadd.s32 $0xFFFFFFB0  }
0x9d: {  	[spmem:s1] =	stream.indirect.scatter.add.f32 [tilespmem:s20], [sflag:$0x8], $0x80, s21, s0, $0xb8;
	[tilespmem:$0x1DCF8] =	vst v63  }
0x9e: {  	_ = 	snop  }
0x9f: {  	[spmem:s2] =	stream.indirect.scatter.add.f32 [tilespmem:s28], [sflag:$0xB], $0x1, s21, s0, $0xb8;
	[tilespmem:$0x1DCF8] =	vst v63  }
0xa0: {  	_ =	swait.ge [sflag:s7], $0x2800  }
0xa1: {  	[sflag:s7] =	ssyncset.done $0x0  }
0xa2: {  	[sflag:s7] =	ssyncadd.s32 $0xFFFFD800  }
0xa3: {  	_ =	swait.ge [sflag:s8], $0x50  }
0xa4: {  	[sflag:s8] =	ssyncset.done $0x0  }
0xa5: {  	s19 =	simm.s32 $0x13A60;
	s17 =	rddreg [dreg:$0x6];
	[sflag:s8] =	ssyncadd.s32 $0xFFFFFFB0  }
0xa6: {  	[tilespmem:s18], [sflag:$0x1] =	stream.indirect.gather [hbm4b:s5+s0], $0x80, s19, s0, $0xb8;
	[tilespmem:$0x1DCF8] =	vst v63  }
0xa7: {  	s11 =	sadd.s32 $0x0, s17  }
0xa8: {  	[tilespmem:s10], [sflag:$0x4] =	stream.linear.gather [hbm4b:s11+s3], $0x50, $0x38;
	[tilespmem:$0x1DCF8] =	vst v63  }
0xa9: {  	_ =	swait.ge [sflag:s9], $0x2800  }
0xaa: {  	[sflag:s9] =	ssyncset.done $0x0  }
0xab: {  	[sflag:s9] =	ssyncadd.s32 $0xFFFFD800  }
0xac: {  	_ =	swait.ge [sflag:s12], $0x50  }
0xad: {  	[sflag:s12] =	ssyncset.done $0x0  }
0xae: {  	[sflag:s12] =	ssyncadd.s32 $0xFFFFFFB0  }
0xaf: {  	[spmem:s1] =	stream.indirect.scatter.add.f32 [tilespmem:s23], [sflag:$0x9], $0x80, s6, s0, $0xb8;
	[tilespmem:$0x1DCF8] =	vst v63  }
0xb0: {  	_ = 	snop  }
0xb1: {  	[spmem:s2] =	stream.indirect.scatter.add.f32 [tilespmem:s28], [sflag:$0xC], $0x1, s6, s0, $0xb8;
	[tilespmem:$0x1DCF8] =	vst v63  }
0xb2: {  	_ =	swait.ge [sflag:s13], $0x2800  }
0xb3: {  	[sflag:s13] =	ssyncset.done $0x0  }
0xb4: {  	[sflag:s13] =	ssyncadd.s32 $0xFFFFD800  }
0xb5: {  	_ =	swait.ge [sflag:s14], $0x50  }
0xb6: {  	[sflag:s14] =	ssyncset.done $0x0  }
0xb7: {  	s24 =	simm.s32 $0x13AB0;
	s25 =	rddreg [dreg:$0x5];
	[sflag:s14] =	ssyncadd.s32 $0xFFFFFFB0  }
0xb8: {  	[tilespmem:s20], [sflag:$0x2] =	stream.indirect.gather [hbm4b:s5+s0], $0x80, s24, s0, $0xb8;
	[tilespmem:$0x1DCF8] =	vst v63  }
0xb9: {  	s11 =	sadd.s32 $0x0, s25;
	s25 =	simm.s32 $0x13BA0;
	s24 =	simm.s32 $0x1E  }
.LBB2_2:
0xba: {  	[tilespmem:s21], [sflag:$0x5] =	stream.linear.gather [hbm4b:s11+s3], $0x50, $0x38;
	[tilespmem:$0x1DCF8] =	vst v63  }
0xbb: {  	_ =	swait.ge [sflag:s30], $0x2800  }
0xbc: {  	[sflag:s30] =	ssyncset.done $0x0  }
0xbd: {  	[sflag:s30] =	ssyncadd.s32 $0xFFFFD800  }
0xbe: {  	_ =	swait.ge [sflag:s22], $0x50  }
0xbf: {  	[sflag:s22] =	ssyncset.done $0x0  }
0xc0: {  	[sflag:s22] =	ssyncadd.s32 $0xFFFFFFB0  }
0xc1: {  	[spmem:s1] =	stream.indirect.scatter.add.f32 [tilespmem:s18], [sflag:$0x7], $0x80, s10, s0, $0xb8;
	[tilespmem:$0x1DCF8] =	vst v63  }
0xc2: {  	_ = 	snop  }
0xc3: {  	[spmem:s2] =	stream.indirect.scatter.add.f32 [tilespmem:s28], [sflag:$0xA], $0x1, s10, s0, $0xb8;
	[tilespmem:$0x1DCF8] =	vst v63  }
0xc4: {  	_ =	swait.ge [sflag:s15], $0x2800  }
0xc5: {  	[sflag:s15] =	ssyncset.done $0x0  }
0xc6: {  	[sflag:s15] =	ssyncadd.s32 $0xFFFFD800  }
0xc7: {  	_ =	swait.ge [sflag:s16], $0x50  }
0xc8: {  	s11 =	smov.u32 s24;
	[sflag:s16] =	ssyncset.done $0x0  }
0xc9: {  	s17 =	sadd.s32 $0xFFFFFF60, s25;
	s4 =	rddreg [dreg:$0x7];
	[sflag:s16] =	ssyncadd.s32 $0xFFFFFFB0  }
0xca: {  	[tilespmem:s23], [sflag:$0x3] =	stream.indirect.gather [hbm4b:s5+s0], $0x80, s17, s0, $0xb8;
	[tilespmem:$0x1DCF8] =	vst v63  }
0xcb: {  	s4 =	sadd.s32 s11, s4  }
0xcc: {  	[tilespmem:s6], [sflag:$0x6] =	stream.linear.gather [hbm4b:s4+s3], $0x50, $0x38;
	[tilespmem:$0x1DCF8] =	vst v63  }
0xcd: {  	_ =	swait.ge [sflag:s31], $0x2800  }
0xce: {  	[sflag:s31] =	ssyncset.done $0x0  }
0xcf: {  	[sflag:s31] =	ssyncadd.s32 $0xFFFFD800  }
0xd0: {  	_ =	swait.ge [sflag:s29], $0x50  }
0xd1: {  	[sflag:s29] =	ssyncset.done $0x0  }
0xd2: {  	[sflag:s29] =	ssyncadd.s32 $0xFFFFFFB0  }
0xd3: {  	[spmem:s1] =	stream.indirect.scatter.add.f32 [tilespmem:s20], [sflag:$0x8], $0x80, s21, s0, $0xb8;
	[tilespmem:$0x1DCF8] =	vst v63  }
0xd4: {  	_ = 	snop  }
0xd5: {  	[spmem:s2] =	stream.indirect.scatter.add.f32 [tilespmem:s28], [sflag:$0xB], $0x1, s21, s0, $0xb8;
	[tilespmem:$0x1DCF8] =	vst v63  }
0xd6: {  	_ =	swait.ge [sflag:s7], $0x2800  }
0xd7: {  	[sflag:s7] =	ssyncset.done $0x0  }
0xd8: {  	[sflag:s7] =	ssyncadd.s32 $0xFFFFD800  }
0xd9: {  	_ =	swait.ge [sflag:s8], $0x50  }
0xda: {  	[sflag:s8] =	ssyncset.done $0x0  }
0xdb: {  	s19 =	sadd.s32 $0xFFFFFFB0, s25;
	s4 =	rddreg [dreg:$0x6];
	[sflag:s8] =	ssyncadd.s32 $0xFFFFFFB0  }
0xdc: {  	[tilespmem:s18], [sflag:$0x1] =	stream.indirect.gather [hbm4b:s5+s0], $0x80, s19, s0, $0xb8;
	[tilespmem:$0x1DCF8] =	vst v63  }
0xdd: {  	s4 =	sadd.s32 s11, s4  }
0xde: {  	[tilespmem:s10], [sflag:$0x4] =	stream.linear.gather [hbm4b:s4+s3], $0x50, $0x38;
	[tilespmem:$0x1DCF8] =	vst v63  }
0xdf: {  	_ =	swait.ge [sflag:s9], $0x2800  }
0xe0: {  	[sflag:s9] =	ssyncset.done $0x0  }
0xe1: {  	[sflag:s9] =	ssyncadd.s32 $0xFFFFD800  }
0xe2: {  	_ =	swait.ge [sflag:s12], $0x50  }
0xe3: {  	[sflag:s12] =	ssyncset.done $0x0  }
0xe4: {  	[sflag:s12] =	ssyncadd.s32 $0xFFFFFFB0  }
0xe5: {  	[spmem:s1] =	stream.indirect.scatter.add.f32 [tilespmem:s23], [sflag:$0x9], $0x80, s6, s0, $0xb8;
	[tilespmem:$0x1DCF8] =	vst v63  }
0xe6: {  	_ = 	snop  }
0xe7: {  	[spmem:s2] =	stream.indirect.scatter.add.f32 [tilespmem:s28], [sflag:$0xC], $0x1, s6, s0, $0xb8;
	[tilespmem:$0x1DCF8] =	vst v63  }
0xe8: {  	_ =	swait.ge [sflag:s13], $0x2800  }
0xe9: {  	[sflag:s13] =	ssyncset.done $0x0  }
0xea: {  	p6 =	sne.s32 s24, $0x492;
	[sflag:s13] =	ssyncadd.s32 $0xFFFFD800  }
.Ltmp2:
0xeb: {  	_ =	swait.ge [sflag:s14], $0x50;
	(pc) =	sbr.rel @p6 .LBB2_2-.Ltmp2, $4  }
0xec: {  	[sflag:s14] =	ssyncset.done $0x0  }
0xed: {  	s19 =	rddreg [dreg:$0x5];
	[sflag:s14] =	ssyncadd.s32 $0xFFFFFFB0  }
0xee: {  	[tilespmem:s20], [sflag:$0x2] =	stream.indirect.gather [hbm4b:s5+s0], $0x80, s25, s0, $0xb8;
	[tilespmem:$0x1DCF8] =	vst v63  }
0xef: {  	s24 =	sadd.s32 $0x1E, s24;
	s11 =	sadd.s32 s11, s19;
	s25 =	sadd.s32 $0xF0, s25  }
0xf0: {  	[tilespmem:s21], [sflag:$0x5] =	stream.linear.gather [hbm4b:s11+s3], $0x50, $0x38;
	[tilespmem:$0x1DCF8] =	vst v63  }
0xf1: {  	_ =	swait.ge [sflag:s30], $0x2800  }
0xf2: {  	[sflag:s30] =	ssyncset.done $0x0  }
0xf3: {  	[sflag:s30] =	ssyncadd.s32 $0xFFFFD800  }
0xf4: {  	_ =	swait.ge [sflag:s22], $0x50  }
0xf5: {  	[sflag:s22] =	ssyncset.done $0x0  }
0xf6: {  	[sflag:s22] =	ssyncadd.s32 $0xFFFFFFB0  }
0xf7: {  	[spmem:s1] =	stream.indirect.scatter.add.f32 [tilespmem:s18], [sflag:$0x7], $0x80, s10, s0, $0xb8;
	[tilespmem:$0x1DCF8] =	vst v63  }
0xf8: {  	_ = 	snop  }
0xf9: {  	[spmem:s2] =	stream.indirect.scatter.add.f32 [tilespmem:s28], [sflag:$0xA], $0x1, s10, s0, $0xb8;
	[tilespmem:$0x1DCF8] =	vst v63  }
0xfa: {  	_ =	swait.ge [sflag:s15], $0x2800  }
0xfb: {  	[sflag:s15] =	ssyncset.done $0x0  }
0xfc: {  	[sflag:s15] =	ssyncadd.s32 $0xFFFFD800  }
0xfd: {  	_ =	swait.ge [sflag:s16], $0x50  }
0xfe: {  	[sflag:s16] =	ssyncset.done $0x0  }
0xff: {  	[sflag:s16] =	ssyncadd.s32 $0xFFFFFFB0  }
0x100: {  	_ =	swait.ge [sflag:s31], $0x2800  }
0x101: {  	[sflag:s31] =	ssyncset.done $0x0  }
0x102: {  	[sflag:s31] =	ssyncadd.s32 $0xFFFFD800  }
0x103: {  	_ =	swait.ge [sflag:s29], $0x50  }
0x104: {  	[sflag:s29] =	ssyncset.done $0x0  }
0x105: {  	[sflag:s29] =	ssyncadd.s32 $0xFFFFFFB0  }
0x106: {  	[spmem:s1] =	stream.indirect.scatter.add.f32 [tilespmem:s20], [sflag:$0x8], $0x80, s21, s0, $0xb8;
	[tilespmem:$0x1DCF8] =	vst v63  }
0x107: {  	_ = 	snop  }
0x108: {  	[spmem:s2] =	stream.indirect.scatter.add.f32 [tilespmem:s28], [sflag:$0xB], $0x1, s21, s0, $0xb8;
	[tilespmem:$0x1DCF8] =	vst v63  }
0x109: {  	_ =	swait.ge [sflag:s7], $0x2800  }
0x10a: {  	[sflag:s7] =	ssyncset.done $0x0  }
0x10b: {  	[sflag:s7] =	ssyncadd.s32 $0xFFFFD800  }
0x10c: {  	_ =	swait.ge [sflag:s8], $0x50  }
0x10d: {  	[sflag:s8] =	ssyncset.done $0x0  }
0x10e: {  	[sflag:s8] =	ssyncadd.s32 $0xFFFFFFB0  }
0x10f: {  	_ =	swait.ge [sflag:s13], $0x2800  }
0x110: {  	[sflag:s13] =	ssyncset.done $0x0  }
0x111: {  	[sflag:s13] =	ssyncadd.s32 $0xFFFFD800  }
.Ltmp3:
0x112: {  	_ =	swait.ge [sflag:s14], $0x50;
	(pc) =	sbr.rel @!p1 .LBB2_6-.Ltmp3, $3  }
0x113: {  	[sflag:s14] =	ssyncset.done $0x0  }
0x114: {  	[sflag:s14] =	ssyncadd.s32 $0xFFFFFFB0  }
0x115: {  	[bflag:$0x0] =	sbarrier.arrive $0xFFFF;
	_ =	sdelay $0x1  }
0x116: {  	s4 =	rddreg [dreg:$0xc]  }
0x117: {  	s11 =	rddreg [dreg:$0x15]  }
0x118: {  	s17 =	rddreg [dreg:$0x16];
	s25 =	simm.s32 $0xD  }
.Ltmp4:
0x119: {  	s4 =	sor.u32 $0x1C0D, s4;
	s11 =	sshrl.u32 s11, $0x3;
	(pc) =	sbr.rel .LBB2_5-.Ltmp4, $4  }
0x11a: {  	[hbm:s17], [sflag:s4] =	dma.local [spmem:s11], $0x2700  }
0x11b: {  	_ =	swait.ge [sflag:s25], $0x2700  }
0x11c: {  	[sflag:s25] =	ssyncset.done $0x0  }
0x11d: {  	p6 =	por $0x0, $0x0;
	[sflag:s25] =	ssyncadd.s32 $0xFFFFD900  }
.LBB2_6:
0x11e: {  	s4 =	sld [smem:$0x7FD];
	_ =	sdelay $0x2  }
0x11f: {  	p3 =	seq.s32 s4, $0x1  }
.Ltmp5:
0x120: {  	_ = 	snop;
	(pc) =	sbr.rel @p3 .LBB2_7-.Ltmp5, $2  }
0x121: {  	_ =	sdelay $0x2  }
0x122: {  	p6 =	por p0, p0  }
.LBB2_5:
0x123: {  	s4 =	stileid.u32;
	s11 =	rddreg [dreg:$0x15];
	p3 =	por @p5 $0x1, $0x1  }
0x124: {  	s17 =	rddreg [dreg:$0x17];
	s4 =	sshll.u32 @p5 s4, $0x6;
	p3 =	por @!p5 p2, p2  }
0x125: {  	s11 =	sshrl.u32 @p5 s11, $0x3;
	s4 =	sor.u32 @p5 $0x1C0D, s4;
	p3 =	por !p3, !p6  }
0x126: {  	[hbm:s17], [sflag:s4] =	dma.local @p5 [spmem:s11], $0x2700  }
0x127: {  	s19 =	stileid.u32;
	s4 =	simm.s32 @p5 $0xD;
	p6 =	por !p3, !p3  }
0x128: {  	_ =	swait.ge @p5 [sflag:s4], $0x2700;
	p3 =	sne.s32 @!p6 s19, $0x0  }
0x129: {  	[sflag:s4] =	ssyncset.done @p5 $0x0;
	p3 =	por p3, p6  }
0x12a: {  	[sflag:s4] =	ssyncadd.s32 @p5 $0xFFFFD900;
	s11 =	sshrl.u32 @!p3 s2, $0x3  }
0x12b: {  	s25 =	simm.s32 @!p3 $0x1C0D;
	s4 =	smov.u32 s26;
	s26 =	rddreg [dreg:$0x18]  }
0x12c: {  	s17 =	simm.s32 @!p3 $0x1;
	s24 =	simm.s32 @!p3 $0x20;
	s19 =	simm.s32 @!p3 $0x10  }
0x12d: {  	[hbm:s26@s24], [sflag:s25] =	dma.strided @!p3 [spmem:s11@s19], $0x4F0, s17, $0x10   }
0x12e: {  	s26 =	smov.u32 s4;
	s4 =	simm.s32 @!p3 $0xD  }
0x12f: {  	s11 =	stileid.u32;
	_ =	swait.ge @!p3 [sflag:s4], $0x4F0  }
0x130: {  	s11 =	sshll.u32 @p6 s11, $0x6;
	[sflag:s4] =	ssyncset.done @!p3 $0x0  }
0x131: {  	[sflag:s4] =	ssyncadd.s32 @!p3 $0xFFFFFB10;
	s4 =	sor.u32 @p6 $0x1C0D, s11;
	s11 =	rddreg [dreg:$0x13]  }
0x132: {  	s17 =	rddreg [dreg:$0x19];
	s11 =	sshrl.u32 @p6 s11, $0x3  }
0x133: {  	[hbm:s17], [sflag:s4] =	dma.local @p6 [spmem:s11], $0x2800  }
.Ltmp6:
0x134: {  	_ = 	snop;
	(pc) =	sbr.rel .LBB2_8-.Ltmp6, $4  }
0x135: {  	s4 =	simm.s32 @p6 $0xD  }
0x136: {  	_ =	swait.ge @p6 [sflag:s4], $0x2800  }
0x137: {  	[sflag:s4] =	ssyncset.done @p6 $0x0  }
0x138: {  	[sflag:s4] =	ssyncadd.s32 @p6 $0xFFFFD800  }
.LBB2_9:
0x139: {  	_ =	sfence.sel $0x180000  }
0x13a: {  	[bflag:$0x0] =	sbarrier.arrive $0xFFFF  }
0x13b: {  	_ =	strace $0x90000047  }
0x13c: {  	[bflag:$0x2] =	sbarrier.arrive $0xFFFF  }
0x13d: {  	s0 =	rddreg [dreg:$0x4]  }
0x13e: {  	s0 =	sadd.s32 @!p4 $0x100000, s0  }
0x13f: {  	[sflag:s0] =	ssyncadd.tile.s32 @!p4 $0x1;
	_ =	shalt  }
.Lfunc_end2:
_tile_overlayer_lowered:
.L_overlay_start_2:
0x140: {  	(tag) =	ssettag $0x2  }
0x141: {  	s0 =	rddreg [dreg:$0x0];
	s2 =	stileid.u32  }
0x142: {  	s1 =	rddreg [dreg:$0x1];
	p0 =	sne.s32 s2, $0x0  }
0x143: {  	s3 =	rddreg [dreg:$0x2];
	[bflag:$0x3] =	sbarrier.arrive $0xFFFF;
	s2 =	simm.s32 @!p0 $0x1C0D  }
0x144: {  	[timem:s3], [sflag:s2] =	dma.local @!p0 [hbm:s0], s1  }
0x145: {  	s0 =	simm.s32 @!p0 $0xD  }
0x146: {  	_ =	swait.ge @!p0 [sflag:s0], s1  }
0x147: {  	s1 =	ssub.s32 @!p0 $0x0, s1;
	[sflag:s0] =	ssyncset.done @!p0 $0x0  }
0x148: {  	[sflag:s0] =	ssyncadd.s32 @!p0 s1  }
0x149: {  	[bflag:$0x3] =	sbarrier.arrive $0xFFFF  }
0x14a: {  	_ =	shalt  }

</sc_bundles>
